<compile_context>
chip_gen: v7x
topology: tpu7x:2x2x1
jax: 0.10.2.dev20260603
libtpu: 0.0.44.dev20260713+nightly
codegen_flags: <defaults>
</compile_context>

<pallas_src>
import jax
import jax.numpy as jnp
from jax import lax
from jax.experimental import pallas as pl
from jax.experimental.pallas import tpu as pltpu
from jax.experimental.pallas import tpu_sc as plsc

B = 4
H = 8192
F = 1024
NC, NS = 2, 16
NW = NC * NS
ROWS_W = H // NW
CR = 16
NCH = ROWS_W // CR
NSTEP = NCH * B
VEC = 16
NV = F // VEC


def _sc_body(x_hbm, w_hbm, o_hbm,
             w0, w1, xr0, xr1, xr2, xr3,
             semw0, semw1, semx0, semx1, semx2, semx3,
             semo0, semo1, semo2, semo3):
    wid = lax.axis_index("s") * NC + lax.axis_index("c")
    base = wid * ROWS_W

    wbufs = (w0, w1)
    semw = (semw0, semw1)
    xring = (xr0, xr1, xr2, xr3)
    semx = (semx0, semx1, semx2, semx3)
    semo = (semo0, semo1, semo2, semo3)

    def fire_w(p, c):
        pltpu.async_copy(
            w_hbm.at[pl.ds(base + c * CR, CR), :], wbufs[p], semw[p])

    def wait_w(p, c):
        pltpu.make_async_copy(
            w_hbm.at[pl.ds(base + c * CR, CR), :], wbufs[p], semw[p]).wait()

    def fire_in(sl, c, b):
        pltpu.async_copy(
            x_hbm.at[b, pl.ds(base + c * CR, CR), :], xring[sl], semx[sl])

    def wait_in(sl, c, b):
        pltpu.make_async_copy(
            x_hbm.at[b, pl.ds(base + c * CR, CR), :], xring[sl],
            semx[sl]).wait()

    def fire_out(sl, c, b):
        pltpu.async_copy(
            xring[sl], o_hbm.at[b, pl.ds(base + c * CR, CR), :], semo[sl])

    def wait_out(sl, c, b):
        pltpu.make_async_copy(
            xring[sl], o_hbm.at[b, pl.ds(base + c * CR, CR), :],
            semo[sl]).wait()

    fire_w(0, 0)
    fire_w(1, 1)
    fire_in(0, 0, 0)
    fire_in(1, 0, 1)

    def chunk_pair(c2, carry):
        for p in (0, 1):
            c = 2 * c2 + p
            wait_w(p, c)
            for b in range(B):
                sl2 = (b + 2) % 4
                if b >= 2:
                    wait_out(sl2, c, b - 2)

                    @pl.when(c + 1 < NCH)
                    def _(sl2=sl2, c=c, b=b):
                        fire_in(sl2, c + 1, b - 2)
                else:
                    @pl.when(c >= 1)
                    def _(sl2=sl2, c=c, b=b):
                        wait_out(sl2, c - 1, b + 2)
                    fire_in(sl2, c, b + 2)

                wait_in(b, c, b)
                xb = xring[b]
                wb = wbufs[p]

                def vec_loop(i, xb=xb, wb=wb):
                    s = pl.ds(i * VEC, VEC)
                    for r in range(CR):
                        xb[r, s] = xb[r, s] + wb[r, s]

                plsc.parallel_loop(0, 0, unroll=4)(vec_loop)
                fire_out(b, c, b)

            @pl.when(c + 2 < NCH)
            def _(p=p, c=c):
                fire_w(p, c + 2)
        return carry

    lax.fori_loop(0, NCH // 2, chunk_pair, 0)
    wait_out(2, NCH - 1, 2)
    wait_out(3, NCH - 1, 3)


@jax.jit
def kernel(x, embed_weight):
    mesh = plsc.VectorSubcoreMesh(core_axis_name="c", subcore_axis_name="s")
    return pl.kernel(
        _sc_body,
        out_type=jax.ShapeDtypeStruct((B, H, F), jnp.float32),
        mesh=mesh,
        scratch_types=(
            [pltpu.VMEM((CR, F), jnp.float32)] * 6
            + [pltpu.SemaphoreType.DMA] * 10
        ),
    )(x, embed_weight)

# --- scband reference (transcript-rebuilt; emitter-appended) ---
"""Pipeline reference for scband-position-embedding-learned-73186242724251 (READ-ONLY COPY).

The authoritative reference and input builder live on the scoring server;
editing this copy changes nothing except your own understanding.
"""

import jax, jax.numpy as jnp
import numpy as np

SEQ_LEN = 8192
NUM_POS_FEATS = 1024

def setup_inputs(seed: int = 0) -> dict:
    key = jax.random.key(seed)
    k1, k2 = jax.random.split(key)
    x = jax.random.normal(k1, (4, 8192, 1024), dtype=jnp.float32)
    # nn.init.uniform_ -> U[0, 1)
    embed_weight = jax.random.uniform(k2, (SEQ_LEN, NUM_POS_FEATS), dtype=jnp.float32)
    return {"x": x, "embed_weight": embed_weight}

def reference(x, embed_weight):
    h = x.shape[1]
    j = jnp.arange(h)
    pos = jnp.take(embed_weight, j, axis=0)          # [H, num_pos_feats]
    pos = jnp.broadcast_to(pos[None, :, :], x.shape)  # repeat over batch
    return x + pos

if __name__ == "__main__":
    import jax
    _d = setup_inputs()
    print(jax.jit(kernel)(*tuple(_d.values())))

</pallas_src>

<mosaic_0001>
#map = affine_map<(d0, d1) -> (0, 0, 0)>
#map1 = affine_map<(d0, d1) -> (0, 0)>
module attributes {stable_mosaic.version = 14 : i64} {
  func.func @_sc_body(%arg0: i32, %arg1: i32, %arg2: memref<4x8192x1024xf32, #tpu.memory_space<hbm>>, %arg3: memref<8192x1024xf32, #tpu.memory_space<hbm>>, %arg4: memref<4x8192x1024xf32, #tpu.memory_space<hbm>>, %arg5: memref<16x1024xf32, #tpu.memory_space<vmem>>, %arg6: memref<16x1024xf32, #tpu.memory_space<vmem>>, %arg7: memref<16x1024xf32, #tpu.memory_space<vmem>>, %arg8: memref<16x1024xf32, #tpu.memory_space<vmem>>, %arg9: memref<16x1024xf32, #tpu.memory_space<vmem>>, %arg10: memref<16x1024xf32, #tpu.memory_space<vmem>>, %arg11: memref<!tpu.dma_semaphore, #tpu.memory_space<semaphore_mem>>, %arg12: memref<!tpu.dma_semaphore, #tpu.memory_space<semaphore_mem>>, %arg13: memref<!tpu.dma_semaphore, #tpu.memory_space<semaphore_mem>>, %arg14: memref<!tpu.dma_semaphore, #tpu.memory_space<semaphore_mem>>, %arg15: memref<!tpu.dma_semaphore, #tpu.memory_space<semaphore_mem>>, %arg16: memref<!tpu.dma_semaphore, #tpu.memory_space<semaphore_mem>>, %arg17: memref<!tpu.dma_semaphore, #tpu.memory_space<semaphore_mem>>, %arg18: memref<!tpu.dma_semaphore, #tpu.memory_space<semaphore_mem>>, %arg19: memref<!tpu.dma_semaphore, #tpu.memory_space<semaphore_mem>>, %arg20: memref<!tpu.dma_semaphore, #tpu.memory_space<semaphore_mem>>) attributes {dimension_semantics = [#tpu.dimension_semantics<core_parallel>, #tpu.dimension_semantics<subcore_parallel>], iteration_bounds = array<i64: 2, 16>, scalar_prefetch = 0 : i64, scratch_operands = 16 : i64, tpu.core_type = #tpu.core_type<sc_vector_subcore>, window_params = [{transform_indices = #map}, {transform_indices = #map1}, {transform_indices = #map}]} {
    %mul3A = arith.constant 2 : i32
    %mul3A_0 = arith.muli %arg1, %mul3A : i32
    %add3A = arith.addi %mul3A_0, %arg0 : i32
    %mul3A_1 = arith.constant 256 : i32
    %mul3A_2 = arith.muli %add3A, %mul3A_1 : i32
    %add3A_3 = arith.constant 0 : i32
    %add3A_4 = arith.addi %mul3A_2, %add3A_3 : i32
    %dma_start3A = arith.constant 0 : i32
    %dma_start3A_5 = tpu.memref_slice %arg3[%add3A_4, %dma_start3A] : memref<8192x1024xf32, #tpu.memory_space<hbm>> -> memref<16x1024xf32, #tpu.memory_space<hbm>>
    %dma_start3A_6 = arith.constant 0 : i32
    %dma_start3A_7 = tpu.memref_slice %arg3[%add3A_4, %dma_start3A_6] : memref<8192x1024xf32, #tpu.memory_space<hbm>> -> memref<16x1024xf32, #tpu.memory_space<hbm>>
    tpu.enqueue_dma source(%dma_start3A_7 : memref<16x1024xf32, #tpu.memory_space<hbm>>) target(%arg5 : memref<16x1024xf32, #tpu.memory_space<vmem>>) target_semaphore(%arg11 : memref<!tpu.dma_semaphore, #tpu.memory_space<semaphore_mem>>)
    %add3A_8 = arith.constant 16 : i32
    %add3A_9 = arith.addi %mul3A_2, %add3A_8 : i32
    %dma_start3A_10 = arith.constant 0 : i32
    %dma_start3A_11 = tpu.memref_slice %arg3[%add3A_9, %dma_start3A_10] : memref<8192x1024xf32, #tpu.memory_space<hbm>> -> memref<16x1024xf32, #tpu.memory_space<hbm>>
    %dma_start3A_12 = arith.constant 0 : i32
    %dma_start3A_13 = tpu.memref_slice %arg3[%add3A_9, %dma_start3A_12] : memref<8192x1024xf32, #tpu.memory_space<hbm>> -> memref<16x1024xf32, #tpu.memory_space<hbm>>
    tpu.enqueue_dma source(%dma_start3A_13 : memref<16x1024xf32, #tpu.memory_space<hbm>>) target(%arg6 : memref<16x1024xf32, #tpu.memory_space<vmem>>) target_semaphore(%arg12 : memref<!tpu.dma_semaphore, #tpu.memory_space<semaphore_mem>>)
    %add3A_14 = arith.constant 0 : i32
    %add3A_15 = arith.addi %mul3A_2, %add3A_14 : i32
    %dma_start3A_16 = arith.constant 0 : i32
    %dma_start3A_17 = arith.constant 0 : i32
    %dma_start3A_18 = tpu.memref_slice %arg2[%dma_start3A_16, %add3A_15, %dma_start3A_17] : memref<4x8192x1024xf32, #tpu.memory_space<hbm>> -> memref<1x16x1024xf32, #tpu.memory_space<hbm>>
    %dma_start3A_19 = tpu.memref_squeeze %dma_start3A_18 : memref<1x16x1024xf32, #tpu.memory_space<hbm>> -> memref<16x1024xf32, #tpu.memory_space<hbm>>
    %dma_start3A_20 = arith.constant 0 : i32
    %dma_start3A_21 = tpu.memref_slice %arg2[%dma_start3A_16, %add3A_15, %dma_start3A_20] : memref<4x8192x1024xf32, #tpu.memory_space<hbm>> -> memref<1x16x1024xf32, #tpu.memory_space<hbm>>
    %dma_start3A_22 = tpu.memref_squeeze %dma_start3A_21 : memref<1x16x1024xf32, #tpu.memory_space<hbm>> -> memref<16x1024xf32, #tpu.memory_space<hbm>>
    tpu.enqueue_dma source(%dma_start3A_22 : memref<16x1024xf32, #tpu.memory_space<hbm>>) target(%arg7 : memref<16x1024xf32, #tpu.memory_space<vmem>>) target_semaphore(%arg13 : memref<!tpu.dma_semaphore, #tpu.memory_space<semaphore_mem>>)
    %add3A_23 = arith.constant 0 : i32
    %add3A_24 = arith.addi %mul3A_2, %add3A_23 : i32
    %dma_start3A_25 = arith.constant 1 : i32
    %dma_start3A_26 = arith.constant 0 : i32
    %dma_start3A_27 = tpu.memref_slice %arg2[%dma_start3A_25, %add3A_24, %dma_start3A_26] : memref<4x8192x1024xf32, #tpu.memory_space<hbm>> -> memref<1x16x1024xf32, #tpu.memory_space<hbm>>
    %dma_start3A_28 = tpu.memref_squeeze %dma_start3A_27 : memref<1x16x1024xf32, #tpu.memory_space<hbm>> -> memref<16x1024xf32, #tpu.memory_space<hbm>>
    %dma_start3A_29 = arith.constant 0 : i32
    %dma_start3A_30 = tpu.memref_slice %arg2[%dma_start3A_25, %add3A_24, %dma_start3A_29] : memref<4x8192x1024xf32, #tpu.memory_space<hbm>> -> memref<1x16x1024xf32, #tpu.memory_space<hbm>>
    %dma_start3A_31 = tpu.memref_squeeze %dma_start3A_30 : memref<1x16x1024xf32, #tpu.memory_space<hbm>> -> memref<16x1024xf32, #tpu.memory_space<hbm>>
    tpu.enqueue_dma source(%dma_start3A_31 : memref<16x1024xf32, #tpu.memory_space<hbm>>) target(%arg8 : memref<16x1024xf32, #tpu.memory_space<vmem>>) target_semaphore(%arg14 : memref<!tpu.dma_semaphore, #tpu.memory_space<semaphore_mem>>)
    %scan3A = arith.constant 0 : i32
    %scan3A_32 = arith.constant 0 : i32
    %scan3A_33 = arith.constant 8 : i32
    %scan3A_34 = arith.addi %scan3A_32, %scan3A_33 : i32
    %scan3A_35 = arith.constant 1 : i32
    scf.for %scan3A_54 = %scan3A_32 to %scan3A_34 step %scan3A_35  : i32 {
      %mul3A_55 = arith.constant 2 : i32
      %mul3A_56 = arith.muli %mul3A_55, %scan3A_54 : i32
      %add3A_57 = arith.constant 0 : i32
      %add3A_58 = arith.addi %mul3A_56, %add3A_57 : i32
      %mul3A_59 = arith.constant 16 : i32
      %mul3A_60 = arith.muli %add3A_58, %mul3A_59 : i32
      %add3A_61 = arith.addi %mul3A_2, %mul3A_60 : i32
      %dma_wait3A_62 = arith.constant 0 : i32
      %dma_wait3A_63 = tpu.memref_slice %arg3[%add3A_61, %dma_wait3A_62] : memref<8192x1024xf32, #tpu.memory_space<hbm>> -> memref<16x1024xf32, #tpu.memory_space<hbm>>
      %dma_wait3A_64 = arith.constant 0 : i32
      %dma_wait3A_65 = tpu.memref_slice %arg3[%add3A_61, %dma_wait3A_64] : memref<8192x1024xf32, #tpu.memory_space<hbm>> -> memref<16x1024xf32, #tpu.memory_space<hbm>>
      tpu.wait_dma2 semaphore(%arg11 : memref<!tpu.dma_semaphore, #tpu.memory_space<semaphore_mem>>) src(%dma_wait3A_65 : memref<16x1024xf32, #tpu.memory_space<hbm>>) dst(%arg5 : memref<16x1024xf32, #tpu.memory_space<vmem>>)
      %ge3A = arith.constant 1 : i32
      %ge3A_66 = arith.cmpi sge, %add3A_58, %ge3A : i32
      %convert_element_type3A = arith.extui %ge3A_66 : i1 to i32
      %cond3A = arith.constant 0 : i32
      %cond3A_67 = arith.cmpi ne, %convert_element_type3A, %cond3A : i32
      scf.if %cond3A_67 {
        %sub3A = arith.constant 1 : i32
        %sub3A_398 = arith.subi %add3A_58, %sub3A : i32
        %mul3A_399 = arith.constant 16 : i32
        %mul3A_400 = arith.muli %sub3A_398, %mul3A_399 : i32
        %add3A_401 = arith.addi %mul3A_2, %mul3A_400 : i32
        %dma_wait3A_402 = arith.constant 2 : i32
        %dma_wait3A_403 = arith.constant 0 : i32
        %dma_wait3A_404 = tpu.memref_slice %arg4[%dma_wait3A_402, %add3A_401, %dma_wait3A_403] : memref<4x8192x1024xf32, #tpu.memory_space<hbm>> -> memref<1x16x1024xf32, #tpu.memory_space<hbm>>
        %dma_wait3A_405 = tpu.memref_squeeze %dma_wait3A_404 : memref<1x16x1024xf32, #tpu.memory_space<hbm>> -> memref<16x1024xf32, #tpu.memory_space<hbm>>
        %dma_wait3A_406 = arith.constant 0 : i32
        %dma_wait3A_407 = tpu.memref_slice %arg4[%dma_wait3A_402, %add3A_401, %dma_wait3A_406] : memref<4x8192x1024xf32, #tpu.memory_space<hbm>> -> memref<1x16x1024xf32, #tpu.memory_space<hbm>>
        %dma_wait3A_408 = tpu.memref_squeeze %dma_wait3A_407 : memref<1x16x1024xf32, #tpu.memory_space<hbm>> -> memref<16x1024xf32, #tpu.memory_space<hbm>>
        tpu.wait_dma2 semaphore(%arg19 : memref<!tpu.dma_semaphore, #tpu.memory_space<semaphore_mem>>) src(%arg9 : memref<16x1024xf32, #tpu.memory_space<vmem>>) dst(%dma_wait3A_408 : memref<16x1024xf32, #tpu.memory_space<hbm>>)
      } else {
      }
      %mul3A_68 = arith.constant 16 : i32
      %mul3A_69 = arith.muli %add3A_58, %mul3A_68 : i32
      %add3A_70 = arith.addi %mul3A_2, %mul3A_69 : i32
      %dma_start3A_71 = arith.constant 2 : i32
      %dma_start3A_72 = arith.constant 0 : i32
      %dma_start3A_73 = tpu.memref_slice %arg2[%dma_start3A_71, %add3A_70, %dma_start3A_72] : memref<4x8192x1024xf32, #tpu.memory_space<hbm>> -> memref<1x16x1024xf32, #tpu.memory_space<hbm>>
      %dma_start3A_74 = tpu.memref_squeeze %dma_start3A_73 : memref<1x16x1024xf32, #tpu.memory_space<hbm>> -> memref<16x1024xf32, #tpu.memory_space<hbm>>
      %dma_start3A_75 = arith.constant 0 : i32
      %dma_start3A_76 = tpu.memref_slice %arg2[%dma_start3A_71, %add3A_70, %dma_start3A_75] : memref<4x8192x1024xf32, #tpu.memory_space<hbm>> -> memref<1x16x1024xf32, #tpu.memory_space<hbm>>
      %dma_start3A_77 = tpu.memref_squeeze %dma_start3A_76 : memref<1x16x1024xf32, #tpu.memory_space<hbm>> -> memref<16x1024xf32, #tpu.memory_space<hbm>>
      tpu.enqueue_dma source(%dma_start3A_77 : memref<16x1024xf32, #tpu.memory_space<hbm>>) target(%arg9 : memref<16x1024xf32, #tpu.memory_space<vmem>>) target_semaphore(%arg15 : memref<!tpu.dma_semaphore, #tpu.memory_space<semaphore_mem>>)
      %mul3A_78 = arith.constant 16 : i32
      %mul3A_79 = arith.muli %add3A_58, %mul3A_78 : i32
      %add3A_80 = arith.addi %mul3A_2, %mul3A_79 : i32
      %dma_wait3A_81 = arith.constant 0 : i32
      %dma_wait3A_82 = arith.constant 0 : i32
      %dma_wait3A_83 = tpu.memref_slice %arg2[%dma_wait3A_81, %add3A_80, %dma_wait3A_82] : memref<4x8192x1024xf32, #tpu.memory_space<hbm>> -> memref<1x16x1024xf32, #tpu.memory_space<hbm>>
      %dma_wait3A_84 = tpu.memref_squeeze %dma_wait3A_83 : memref<1x16x1024xf32, #tpu.memory_space<hbm>> -> memref<16x1024xf32, #tpu.memory_space<hbm>>
      %dma_wait3A_85 = arith.constant 0 : i32
      %dma_wait3A_86 = tpu.memref_slice %arg2[%dma_wait3A_81, %add3A_80, %dma_wait3A_85] : memref<4x8192x1024xf32, #tpu.memory_space<hbm>> -> memref<1x16x1024xf32, #tpu.memory_space<hbm>>
      %dma_wait3A_87 = tpu.memref_squeeze %dma_wait3A_86 : memref<1x16x1024xf32, #tpu.memory_space<hbm>> -> memref<16x1024xf32, #tpu.memory_space<hbm>>
      tpu.wait_dma2 semaphore(%arg13 : memref<!tpu.dma_semaphore, #tpu.memory_space<semaphore_mem>>) src(%dma_wait3A_87 : memref<16x1024xf32, #tpu.memory_space<hbm>>) dst(%arg7 : memref<16x1024xf32, #tpu.memory_space<vmem>>)
      %parallel_loop3A = arith.constant 0 : i32
      %parallel_loop3A_88 = arith.constant 0 : i32
      %parallel_loop3A_89 = arith.constant 1 : i32
      scf.for %parallel_loop3A_398 = %parallel_loop3A to %parallel_loop3A_88 step %parallel_loop3A_89  : i32 {
        %parallel_loop3A_399 = arith.constant 16 : i32
        %parallel_loop3A_400 = arith.muli %parallel_loop3A_398, %parallel_loop3A_399 : i32
        %parallel_loop3A_401 = arith.constant 0 : i32
        %parallel_loop3A_402 = arith.index_cast %parallel_loop3A_401 : i32 to index
        %parallel_loop3A_403 = arith.index_cast %parallel_loop3A_400 : i32 to index
        %parallel_loop3A_404 = tpu.vector_load %arg7[%parallel_loop3A_402, %parallel_loop3A_403] {strides = array<i32>} : memref<16x1024xf32, #tpu.memory_space<vmem>>, vector<1x16xf32>,
        %parallel_loop3A_405 = vector.shape_cast %parallel_loop3A_404 : vector<1x16xf32> to vector<16xf32>
        %parallel_loop3A_406 = arith.constant 0 : i32
        %parallel_loop3A_407 = arith.index_cast %parallel_loop3A_406 : i32 to index
        %parallel_loop3A_408 = arith.index_cast %parallel_loop3A_400 : i32 to index
        %parallel_loop3A_409 = tpu.vector_load %arg5[%parallel_loop3A_407, %parallel_loop3A_408] {strides = array<i32>} : memref<16x1024xf32, #tpu.memory_space<vmem>>, vector<1x16xf32>,
        %parallel_loop3A_410 = vector.shape_cast %parallel_loop3A_409 : vector<1x16xf32> to vector<16xf32>
        %parallel_loop3A_411 = arith.addf %parallel_loop3A_405, %parallel_loop3A_410 : vector<16xf32>
        %parallel_loop3A_412 = arith.constant 0 : i32
        %parallel_loop3A_413 = arith.index_cast %parallel_loop3A_412 : i32 to index
        %parallel_loop3A_414 = arith.index_cast %parallel_loop3A_400 : i32 to index
        %parallel_loop3A_415 = tpu.vector_load %arg7[%parallel_loop3A_413, %parallel_loop3A_414] {strides = array<i32>} : memref<16x1024xf32, #tpu.memory_space<vmem>>, vector<1x16xf32>,
        %parallel_loop3A_416 = vector.shape_cast %parallel_loop3A_415 : vector<1x16xf32> to vector<16xf32>
        %parallel_loop3A_417 = vector.shape_cast %parallel_loop3A_411 : vector<16xf32> to vector<1x16xf32>
        tpu.vector_store %arg7[%parallel_loop3A_413, %parallel_loop3A_414], %parallel_loop3A_417 {strides = array<i32>} : memref<16x1024xf32, #tpu.memory_space<vmem>>, vector<1x16xf32>,
        %parallel_loop3A_418 = arith.constant 1 : i32
        %parallel_loop3A_419 = arith.index_cast %parallel_loop3A_418 : i32 to index
        %parallel_loop3A_420 = arith.index_cast %parallel_loop3A_400 : i32 to index
        %parallel_loop3A_421 = tpu.vector_load %arg7[%parallel_loop3A_419, %parallel_loop3A_420] {strides = array<i32>} : memref<16x1024xf32, #tpu.memory_space<vmem>>, vector<1x16xf32>,
        %parallel_loop3A_422 = vector.shape_cast %parallel_loop3A_421 : vector<1x16xf32> to vector<16xf32>
        %parallel_loop3A_423 = arith.constant 1 : i32
        %parallel_loop3A_424 = arith.index_cast %parallel_loop3A_423 : i32 to index
        %parallel_loop3A_425 = arith.index_cast %parallel_loop3A_400 : i32 to index
        %parallel_loop3A_426 = tpu.vector_load %arg5[%parallel_loop3A_424, %parallel_loop3A_425] {strides = array<i32>} : memref<16x1024xf32, #tpu.memory_space<vmem>>, vector<1x16xf32>,
        %parallel_loop3A_427 = vector.shape_cast %parallel_loop3A_426 : vector<1x16xf32> to vector<16xf32>
        %parallel_loop3A_428 = arith.addf %parallel_loop3A_422, %parallel_loop3A_427 : vector<16xf32>
        %parallel_loop3A_429 = arith.constant 1 : i32
        %parallel_loop3A_430 = arith.index_cast %parallel_loop3A_429 : i32 to index
        %parallel_loop3A_431 = arith.index_cast %parallel_loop3A_400 : i32 to index
        %parallel_loop3A_432 = tpu.vector_load %arg7[%parallel_loop3A_430, %parallel_loop3A_431] {strides = array<i32>} : memref<16x1024xf32, #tpu.memory_space<vmem>>, vector<1x16xf32>,
        %parallel_loop3A_433 = vector.shape_cast %parallel_loop3A_432 : vector<1x16xf32> to vector<16xf32>
        %parallel_loop3A_434 = vector.shape_cast %parallel_loop3A_428 : vector<16xf32> to vector<1x16xf32>
        tpu.vector_store %arg7[%parallel_loop3A_430, %parallel_loop3A_431], %parallel_loop3A_434 {strides = array<i32>} : memref<16x1024xf32, #tpu.memory_space<vmem>>, vector<1x16xf32>,
        %parallel_loop3A_435 = arith.constant 2 : i32
        %parallel_loop3A_436 = arith.index_cast %parallel_loop3A_435 : i32 to index
        %parallel_loop3A_437 = arith.index_cast %parallel_loop3A_400 : i32 to index
        %parallel_loop3A_438 = tpu.vector_load %arg7[%parallel_loop3A_436, %parallel_loop3A_437] {strides = array<i32>} : memref<16x1024xf32, #tpu.memory_space<vmem>>, vector<1x16xf32>,
        %parallel_loop3A_439 = vector.shape_cast %parallel_loop3A_438 : vector<1x16xf32> to vector<16xf32>
        %parallel_loop3A_440 = arith.constant 2 : i32
        %parallel_loop3A_441 = arith.index_cast %parallel_loop3A_440 : i32 to index
        %parallel_loop3A_442 = arith.index_cast %parallel_loop3A_400 : i32 to index
        %parallel_loop3A_443 = tpu.vector_load %arg5[%parallel_loop3A_441, %parallel_loop3A_442] {strides = array<i32>} : memref<16x1024xf32, #tpu.memory_space<vmem>>, vector<1x16xf32>,
        %parallel_loop3A_444 = vector.shape_cast %parallel_loop3A_443 : vector<1x16xf32> to vector<16xf32>
        %parallel_loop3A_445 = arith.addf %parallel_loop3A_439, %parallel_loop3A_444 : vector<16xf32>
        %parallel_loop3A_446 = arith.constant 2 : i32
        %parallel_loop3A_447 = arith.index_cast %parallel_loop3A_446 : i32 to index
        %parallel_loop3A_448 = arith.index_cast %parallel_loop3A_400 : i32 to index
        %parallel_loop3A_449 = tpu.vector_load %arg7[%parallel_loop3A_447, %parallel_loop3A_448] {strides = array<i32>} : memref<16x1024xf32, #tpu.memory_space<vmem>>, vector<1x16xf32>,
        %parallel_loop3A_450 = vector.shape_cast %parallel_loop3A_449 : vector<1x16xf32> to vector<16xf32>
        %parallel_loop3A_451 = vector.shape_cast %parallel_loop3A_445 : vector<16xf32> to vector<1x16xf32>
        tpu.vector_store %arg7[%parallel_loop3A_447, %parallel_loop3A_448], %parallel_loop3A_451 {strides = array<i32>} : memref<16x1024xf32, #tpu.memory_space<vmem>>, vector<1x16xf32>,
        %parallel_loop3A_452 = arith.constant 3 : i32
        %parallel_loop3A_453 = arith.index_cast %parallel_loop3A_452 : i32 to index
        %parallel_loop3A_454 = arith.index_cast %parallel_loop3A_400 : i32 to index
        %parallel_loop3A_455 = tpu.vector_load %arg7[%parallel_loop3A_453, %parallel_loop3A_454] {strides = array<i32>} : memref<16x1024xf32, #tpu.memory_space<vmem>>, vector<1x16xf32>,
        %parallel_loop3A_456 = vector.shape_cast %parallel_loop3A_455 : vector<1x16xf32> to vector<16xf32>
        %parallel_loop3A_457 = arith.constant 3 : i32
        %parallel_loop3A_458 = arith.index_cast %parallel_loop3A_457 : i32 to index
        %parallel_loop3A_459 = arith.index_cast %parallel_loop3A_400 : i32 to index
        %parallel_loop3A_460 = tpu.vector_load %arg5[%parallel_loop3A_458, %parallel_loop3A_459] {strides = array<i32>} : memref<16x1024xf32, #tpu.memory_space<vmem>>, vector<1x16xf32>,
        %parallel_loop3A_461 = vector.shape_cast %parallel_loop3A_460 : vector<1x16xf32> to vector<16xf32>
        %parallel_loop3A_462 = arith.addf %parallel_loop3A_456, %parallel_loop3A_461 : vector<16xf32>
        %parallel_loop3A_463 = arith.constant 3 : i32
        %parallel_loop3A_464 = arith.index_cast %parallel_loop3A_463 : i32 to index
        %parallel_loop3A_465 = arith.index_cast %parallel_loop3A_400 : i32 to index
        %parallel_loop3A_466 = tpu.vector_load %arg7[%parallel_loop3A_464, %parallel_loop3A_465] {strides = array<i32>} : memref<16x1024xf32, #tpu.memory_space<vmem>>, vector<1x16xf32>,
        %parallel_loop3A_467 = vector.shape_cast %parallel_loop3A_466 : vector<1x16xf32> to vector<16xf32>
        %parallel_loop3A_468 = vector.shape_cast %parallel_loop3A_462 : vector<16xf32> to vector<1x16xf32>
        tpu.vector_store %arg7[%parallel_loop3A_464, %parallel_loop3A_465], %parallel_loop3A_468 {strides = array<i32>} : memref<16x1024xf32, #tpu.memory_space<vmem>>, vector<1x16xf32>,
        %parallel_loop3A_469 = arith.constant 4 : i32
        %parallel_loop3A_470 = arith.index_cast %parallel_loop3A_469 : i32 to index
        %parallel_loop3A_471 = arith.index_cast %parallel_loop3A_400 : i32 to index
        %parallel_loop3A_472 = tpu.vector_load %arg7[%parallel_loop3A_470, %parallel_loop3A_471] {strides = array<i32>} : memref<16x1024xf32, #tpu.memory_space<vmem>>, vector<1x16xf32>,
        %parallel_loop3A_473 = vector.shape_cast %parallel_loop3A_472 : vector<1x16xf32> to vector<16xf32>
        %parallel_loop3A_474 = arith.constant 4 : i32
        %parallel_loop3A_475 = arith.index_cast %parallel_loop3A_474 : i32 to index
        %parallel_loop3A_476 = arith.index_cast %parallel_loop3A_400 : i32 to index
        %parallel_loop3A_477 = tpu.vector_load %arg5[%parallel_loop3A_475, %parallel_loop3A_476] {strides = array<i32>} : memref<16x1024xf32, #tpu.memory_space<vmem>>, vector<1x16xf32>,
        %parallel_loop3A_478 = vector.shape_cast %parallel_loop3A_477 : vector<1x16xf32> to vector<16xf32>
        %parallel_loop3A_479 = arith.addf %parallel_loop3A_473, %parallel_loop3A_478 : vector<16xf32>
        %parallel_loop3A_480 = arith.constant 4 : i32
        %parallel_loop3A_481 = arith.index_cast %parallel_loop3A_480 : i32 to index
        %parallel_loop3A_482 = arith.index_cast %parallel_loop3A_400 : i32 to index
        %parallel_loop3A_483 = tpu.vector_load %arg7[%parallel_loop3A_481, %parallel_loop3A_482] {strides = array<i32>} : memref<16x1024xf32, #tpu.memory_space<vmem>>, vector<1x16xf32>,
        %parallel_loop3A_484 = vector.shape_cast %parallel_loop3A_483 : vector<1x16xf32> to vector<16xf32>
        %parallel_loop3A_485 = vector.shape_cast %parallel_loop3A_479 : vector<16xf32> to vector<1x16xf32>
        tpu.vector_store %arg7[%parallel_loop3A_481, %parallel_loop3A_482], %parallel_loop3A_485 {strides = array<i32>} : memref<16x1024xf32, #tpu.memory_space<vmem>>, vector<1x16xf32>,
        %parallel_loop3A_486 = arith.constant 5 : i32
        %parallel_loop3A_487 = arith.index_cast %parallel_loop3A_486 : i32 to index
        %parallel_loop3A_488 = arith.index_cast %parallel_loop3A_400 : i32 to index
        %parallel_loop3A_489 = tpu.vector_load %arg7[%parallel_loop3A_487, %parallel_loop3A_488] {strides = array<i32>} : memref<16x1024xf32, #tpu.memory_space<vmem>>, vector<1x16xf32>,
        %parallel_loop3A_490 = vector.shape_cast %parallel_loop3A_489 : vector<1x16xf32> to vector<16xf32>
        %parallel_loop3A_491 = arith.constant 5 : i32
        %parallel_loop3A_492 = arith.index_cast %parallel_loop3A_491 : i32 to index
        %parallel_loop3A_493 = arith.index_cast %parallel_loop3A_400 : i32 to index
        %parallel_loop3A_494 = tpu.vector_load %arg5[%parallel_loop3A_492, %parallel_loop3A_493] {strides = array<i32>} : memref<16x1024xf32, #tpu.memory_space<vmem>>, vector<1x16xf32>,
        %parallel_loop3A_495 = vector.shape_cast %parallel_loop3A_494 : vector<1x16xf32> to vector<16xf32>
        %parallel_loop3A_496 = arith.addf %parallel_loop3A_490, %parallel_loop3A_495 : vector<16xf32>
        %parallel_loop3A_497 = arith.constant 5 : i32
        %parallel_loop3A_498 = arith.index_cast %parallel_loop3A_497 : i32 to index
        %parallel_loop3A_499 = arith.index_cast %parallel_loop3A_400 : i32 to index
        %parallel_loop3A_500 = tpu.vector_load %arg7[%parallel_loop3A_498, %parallel_loop3A_499] {strides = array<i32>} : memref<16x1024xf32, #tpu.memory_space<vmem>>, vector<1x16xf32>,
        %parallel_loop3A_501 = vector.shape_cast %parallel_loop3A_500 : vector<1x16xf32> to vector<16xf32>
        %parallel_loop3A_502 = vector.shape_cast %parallel_loop3A_496 : vector<16xf32> to vector<1x16xf32>
        tpu.vector_store %arg7[%parallel_loop3A_498, %parallel_loop3A_499], %parallel_loop3A_502 {strides = array<i32>} : memref<16x1024xf32, #tpu.memory_space<vmem>>, vector<1x16xf32>,
        %parallel_loop3A_503 = arith.constant 6 : i32
        %parallel_loop3A_504 = arith.index_cast %parallel_loop3A_503 : i32 to index
        %parallel_loop3A_505 = arith.index_cast %parallel_loop3A_400 : i32 to index
        %parallel_loop3A_506 = tpu.vector_load %arg7[%parallel_loop3A_504, %parallel_loop3A_505] {strides = array<i32>} : memref<16x1024xf32, #tpu.memory_space<vmem>>, vector<1x16xf32>,
        %parallel_loop3A_507 = vector.shape_cast %parallel_loop3A_506 : vector<1x16xf32> to vector<16xf32>
        %parallel_loop3A_508 = arith.constant 6 : i32
        %parallel_loop3A_509 = arith.index_cast %parallel_loop3A_508 : i32 to index
        %parallel_loop3A_510 = arith.index_cast %parallel_loop3A_400 : i32 to index
        %parallel_loop3A_511 = tpu.vector_load %arg5[%parallel_loop3A_509, %parallel_loop3A_510] {strides = array<i32>} : memref<16x1024xf32, #tpu.memory_space<vmem>>, vector<1x16xf32>,
        %parallel_loop3A_512 = vector.shape_cast %parallel_loop3A_511 : vector<1x16xf32> to vector<16xf32>
        %parallel_loop3A_513 = arith.addf %parallel_loop3A_507, %parallel_loop3A_512 : vector<16xf32>
        %parallel_loop3A_514 = arith.constant 6 : i32
        %parallel_loop3A_515 = arith.index_cast %parallel_loop3A_514 : i32 to index
        %parallel_loop3A_516 = arith.index_cast %parallel_loop3A_400 : i32 to index
        %parallel_loop3A_517 = tpu.vector_load %arg7[%parallel_loop3A_515, %parallel_loop3A_516] {strides = array<i32>} : memref<16x1024xf32, #tpu.memory_space<vmem>>, vector<1x16xf32>,
        %parallel_loop3A_518 = vector.shape_cast %parallel_loop3A_517 : vector<1x16xf32> to vector<16xf32>
        %parallel_loop3A_519 = vector.shape_cast %parallel_loop3A_513 : vector<16xf32> to vector<1x16xf32>
        tpu.vector_store %arg7[%parallel_loop3A_515, %parallel_loop3A_516], %parallel_loop3A_519 {strides = array<i32>} : memref<16x1024xf32, #tpu.memory_space<vmem>>, vector<1x16xf32>,
        %parallel_loop3A_520 = arith.constant 7 : i32
        %parallel_loop3A_521 = arith.index_cast %parallel_loop3A_520 : i32 to index
        %parallel_loop3A_522 = arith.index_cast %parallel_loop3A_400 : i32 to index
        %parallel_loop3A_523 = tpu.vector_load %arg7[%parallel_loop3A_521, %parallel_loop3A_522] {strides = array<i32>} : memref<16x1024xf32, #tpu.memory_space<vmem>>, vector<1x16xf32>,
        %parallel_loop3A_524 = vector.shape_cast %parallel_loop3A_523 : vector<1x16xf32> to vector<16xf32>
        %parallel_loop3A_525 = arith.constant 7 : i32
        %parallel_loop3A_526 = arith.index_cast %parallel_loop3A_525 : i32 to index
        %parallel_loop3A_527 = arith.index_cast %parallel_loop3A_400 : i32 to index
        %parallel_loop3A_528 = tpu.vector_load %arg5[%parallel_loop3A_526, %parallel_loop3A_527] {strides = array<i32>} : memref<16x1024xf32, #tpu.memory_space<vmem>>, vector<1x16xf32>,
        %parallel_loop3A_529 = vector.shape_cast %parallel_loop3A_528 : vector<1x16xf32> to vector<16xf32>
        %parallel_loop3A_530 = arith.addf %parallel_loop3A_524, %parallel_loop3A_529 : vector<16xf32>
        %parallel_loop3A_531 = arith.constant 7 : i32
        %parallel_loop3A_532 = arith.index_cast %parallel_loop3A_531 : i32 to index
        %parallel_loop3A_533 = arith.index_cast %parallel_loop3A_400 : i32 to index
        %parallel_loop3A_534 = tpu.vector_load %arg7[%parallel_loop3A_532, %parallel_loop3A_533] {strides = array<i32>} : memref<16x1024xf32, #tpu.memory_space<vmem>>, vector<1x16xf32>,
        %parallel_loop3A_535 = vector.shape_cast %parallel_loop3A_534 : vector<1x16xf32> to vector<16xf32>
        %parallel_loop3A_536 = vector.shape_cast %parallel_loop3A_530 : vector<16xf32> to vector<1x16xf32>
        tpu.vector_store %arg7[%parallel_loop3A_532, %parallel_loop3A_533], %parallel_loop3A_536 {strides = array<i32>} : memref<16x1024xf32, #tpu.memory_space<vmem>>, vector<1x16xf32>,
        %parallel_loop3A_537 = arith.constant 8 : i32
        %parallel_loop3A_538 = arith.index_cast %parallel_loop3A_537 : i32 to index
        %parallel_loop3A_539 = arith.index_cast %parallel_loop3A_400 : i32 to index
        %parallel_loop3A_540 = tpu.vector_load %arg7[%parallel_loop3A_538, %parallel_loop3A_539] {strides = array<i32>} : memref<16x1024xf32, #tpu.memory_space<vmem>>, vector<1x16xf32>,
        %parallel_loop3A_541 = vector.shape_cast %parallel_loop3A_540 : vector<1x16xf32> to vector<16xf32>
        %parallel_loop3A_542 = arith.constant 8 : i32
        %parallel_loop3A_543 = arith.index_cast %parallel_loop3A_542 : i32 to index
        %parallel_loop3A_544 = arith.index_cast %parallel_loop3A_400 : i32 to index
        %parallel_loop3A_545 = tpu.vector_load %arg5[%parallel_loop3A_543, %parallel_loop3A_544] {strides = array<i32>} : memref<16x1024xf32, #tpu.memory_space<vmem>>, vector<1x16xf32>,
        %parallel_loop3A_546 = vector.shape_cast %parallel_loop3A_545 : vector<1x16xf32> to vector<16xf32>
        %parallel_loop3A_547 = arith.addf %parallel_loop3A_541, %parallel_loop3A_546 : vector<16xf32>
        %parallel_loop3A_548 = arith.constant 8 : i32
        %parallel_loop3A_549 = arith.index_cast %parallel_loop3A_548 : i32 to index
        %parallel_loop3A_550 = arith.index_cast %parallel_loop3A_400 : i32 to index
        %parallel_loop3A_551 = tpu.vector_load %arg7[%parallel_loop3A_549, %parallel_loop3A_550] {strides = array<i32>} : memref<16x1024xf32, #tpu.memory_space<vmem>>, vector<1x16xf32>,
        %parallel_loop3A_552 = vector.shape_cast %parallel_loop3A_551 : vector<1x16xf32> to vector<16xf32>
        %parallel_loop3A_553 = vector.shape_cast %parallel_loop3A_547 : vector<16xf32> to vector<1x16xf32>
        tpu.vector_store %arg7[%parallel_loop3A_549, %parallel_loop3A_550], %parallel_loop3A_553 {strides = array<i32>} : memref<16x1024xf32, #tpu.memory_space<vmem>>, vector<1x16xf32>,
        %parallel_loop3A_554 = arith.constant 9 : i32
        %parallel_loop3A_555 = arith.index_cast %parallel_loop3A_554 : i32 to index
        %parallel_loop3A_556 = arith.index_cast %parallel_loop3A_400 : i32 to index
        %parallel_loop3A_557 = tpu.vector_load %arg7[%parallel_loop3A_555, %parallel_loop3A_556] {strides = array<i32>} : memref<16x1024xf32, #tpu.memory_space<vmem>>, vector<1x16xf32>,
        %parallel_loop3A_558 = vector.shape_cast %parallel_loop3A_557 : vector<1x16xf32> to vector<16xf32>
        %parallel_loop3A_559 = arith.constant 9 : i32
        %parallel_loop3A_560 = arith.index_cast %parallel_loop3A_559 : i32 to index
        %parallel_loop3A_561 = arith.index_cast %parallel_loop3A_400 : i32 to index
        %parallel_loop3A_562 = tpu.vector_load %arg5[%parallel_loop3A_560, %parallel_loop3A_561] {strides = array<i32>} : memref<16x1024xf32, #tpu.memory_space<vmem>>, vector<1x16xf32>,
        %parallel_loop3A_563 = vector.shape_cast %parallel_loop3A_562 : vector<1x16xf32> to vector<16xf32>
        %parallel_loop3A_564 = arith.addf %parallel_loop3A_558, %parallel_loop3A_563 : vector<16xf32>
        %parallel_loop3A_565 = arith.constant 9 : i32
        %parallel_loop3A_566 = arith.index_cast %parallel_loop3A_565 : i32 to index
        %parallel_loop3A_567 = arith.index_cast %parallel_loop3A_400 : i32 to index
        %parallel_loop3A_568 = tpu.vector_load %arg7[%parallel_loop3A_566, %parallel_loop3A_567] {strides = array<i32>} : memref<16x1024xf32, #tpu.memory_space<vmem>>, vector<1x16xf32>,
        %parallel_loop3A_569 = vector.shape_cast %parallel_loop3A_568 : vector<1x16xf32> to vector<16xf32>
        %parallel_loop3A_570 = vector.shape_cast %parallel_loop3A_564 : vector<16xf32> to vector<1x16xf32>
        tpu.vector_store %arg7[%parallel_loop3A_566, %parallel_loop3A_567], %parallel_loop3A_570 {strides = array<i32>} : memref<16x1024xf32, #tpu.memory_space<vmem>>, vector<1x16xf32>,
        %parallel_loop3A_571 = arith.constant 10 : i32
        %parallel_loop3A_572 = arith.index_cast %parallel_loop3A_571 : i32 to index
        %parallel_loop3A_573 = arith.index_cast %parallel_loop3A_400 : i32 to index
        %parallel_loop3A_574 = tpu.vector_load %arg7[%parallel_loop3A_572, %parallel_loop3A_573] {strides = array<i32>} : memref<16x1024xf32, #tpu.memory_space<vmem>>, vector<1x16xf32>,
        %parallel_loop3A_575 = vector.shape_cast %parallel_loop3A_574 : vector<1x16xf32> to vector<16xf32>
        %parallel_loop3A_576 = arith.constant 10 : i32
        %parallel_loop3A_577 = arith.index_cast %parallel_loop3A_576 : i32 to index
        %parallel_loop3A_578 = arith.index_cast %parallel_loop3A_400 : i32 to index
        %parallel_loop3A_579 = tpu.vector_load %arg5[%parallel_loop3A_577, %parallel_loop3A_578] {strides = array<i32>} : memref<16x1024xf32, #tpu.memory_space<vmem>>, vector<1x16xf32>,
        %parallel_loop3A_580 = vector.shape_cast %parallel_loop3A_579 : vector<1x16xf32> to vector<16xf32>
        %parallel_loop3A_581 = arith.addf %parallel_loop3A_575, %parallel_loop3A_580 : vector<16xf32>
        %parallel_loop3A_582 = arith.constant 10 : i32
        %parallel_loop3A_583 = arith.index_cast %parallel_loop3A_582 : i32 to index
        %parallel_loop3A_584 = arith.index_cast %parallel_loop3A_400 : i32 to index
        %parallel_loop3A_585 = tpu.vector_load %arg7[%parallel_loop3A_583, %parallel_loop3A_584] {strides = array<i32>} : memref<16x1024xf32, #tpu.memory_space<vmem>>, vector<1x16xf32>,
        %parallel_loop3A_586 = vector.shape_cast %parallel_loop3A_585 : vector<1x16xf32> to vector<16xf32>
        %parallel_loop3A_587 = vector.shape_cast %parallel_loop3A_581 : vector<16xf32> to vector<1x16xf32>
        tpu.vector_store %arg7[%parallel_loop3A_583, %parallel_loop3A_584], %parallel_loop3A_587 {strides = array<i32>} : memref<16x1024xf32, #tpu.memory_space<vmem>>, vector<1x16xf32>,
        %parallel_loop3A_588 = arith.constant 11 : i32
        %parallel_loop3A_589 = arith.index_cast %parallel_loop3A_588 : i32 to index
        %parallel_loop3A_590 = arith.index_cast %parallel_loop3A_400 : i32 to index
        %parallel_loop3A_591 = tpu.vector_load %arg7[%parallel_loop3A_589, %parallel_loop3A_590] {strides = array<i32>} : memref<16x1024xf32, #tpu.memory_space<vmem>>, vector<1x16xf32>,
        %parallel_loop3A_592 = vector.shape_cast %parallel_loop3A_591 : vector<1x16xf32> to vector<16xf32>
        %parallel_loop3A_593 = arith.constant 11 : i32
        %parallel_loop3A_594 = arith.index_cast %parallel_loop3A_593 : i32 to index
        %parallel_loop3A_595 = arith.index_cast %parallel_loop3A_400 : i32 to index
        %parallel_loop3A_596 = tpu.vector_load %arg5[%parallel_loop3A_594, %parallel_loop3A_595] {strides = array<i32>} : memref<16x1024xf32, #tpu.memory_space<vmem>>, vector<1x16xf32>,
        %parallel_loop3A_597 = vector.shape_cast %parallel_loop3A_596 : vector<1x16xf32> to vector<16xf32>
        %parallel_loop3A_598 = arith.addf %parallel_loop3A_592, %parallel_loop3A_597 : vector<16xf32>
        %parallel_loop3A_599 = arith.constant 11 : i32
        %parallel_loop3A_600 = arith.index_cast %parallel_loop3A_599 : i32 to index
        %parallel_loop3A_601 = arith.index_cast %parallel_loop3A_400 : i32 to index
        %parallel_loop3A_602 = tpu.vector_load %arg7[%parallel_loop3A_600, %parallel_loop3A_601] {strides = array<i32>} : memref<16x1024xf32, #tpu.memory_space<vmem>>, vector<1x16xf32>,
        %parallel_loop3A_603 = vector.shape_cast %parallel_loop3A_602 : vector<1x16xf32> to vector<16xf32>
        %parallel_loop3A_604 = vector.shape_cast %parallel_loop3A_598 : vector<16xf32> to vector<1x16xf32>
        tpu.vector_store %arg7[%parallel_loop3A_600, %parallel_loop3A_601], %parallel_loop3A_604 {strides = array<i32>} : memref<16x1024xf32, #tpu.memory_space<vmem>>, vector<1x16xf32>,
        %parallel_loop3A_605 = arith.constant 12 : i32
        %parallel_loop3A_606 = arith.index_cast %parallel_loop3A_605 : i32 to index
        %parallel_loop3A_607 = arith.index_cast %parallel_loop3A_400 : i32 to index
        %parallel_loop3A_608 = tpu.vector_load %arg7[%parallel_loop3A_606, %parallel_loop3A_607] {strides = array<i32>} : memref<16x1024xf32, #tpu.memory_space<vmem>>, vector<1x16xf32>,
        %parallel_loop3A_609 = vector.shape_cast %parallel_loop3A_608 : vector<1x16xf32> to vector<16xf32>
        %parallel_loop3A_610 = arith.constant 12 : i32
        %parallel_loop3A_611 = arith.index_cast %parallel_loop3A_610 : i32 to index
        %parallel_loop3A_612 = arith.index_cast %parallel_loop3A_400 : i32 to index
        %parallel_loop3A_613 = tpu.vector_load %arg5[%parallel_loop3A_611, %parallel_loop3A_612] {strides = array<i32>} : memref<16x1024xf32, #tpu.memory_space<vmem>>, vector<1x16xf32>,
        %parallel_loop3A_614 = vector.shape_cast %parallel_loop3A_613 : vector<1x16xf32> to vector<16xf32>
        %parallel_loop3A_615 = arith.addf %parallel_loop3A_609, %parallel_loop3A_614 : vector<16xf32>
        %parallel_loop3A_616 = arith.constant 12 : i32
        %parallel_loop3A_617 = arith.index_cast %parallel_loop3A_616 : i32 to index
        %parallel_loop3A_618 = arith.index_cast %parallel_loop3A_400 : i32 to index
        %parallel_loop3A_619 = tpu.vector_load %arg7[%parallel_loop3A_617, %parallel_loop3A_618] {strides = array<i32>} : memref<16x1024xf32, #tpu.memory_space<vmem>>, vector<1x16xf32>,
        %parallel_loop3A_620 = vector.shape_cast %parallel_loop3A_619 : vector<1x16xf32> to vector<16xf32>
        %parallel_loop3A_621 = vector.shape_cast %parallel_loop3A_615 : vector<16xf32> to vector<1x16xf32>
        tpu.vector_store %arg7[%parallel_loop3A_617, %parallel_loop3A_618], %parallel_loop3A_621 {strides = array<i32>} : memref<16x1024xf32, #tpu.memory_space<vmem>>, vector<1x16xf32>,
        %parallel_loop3A_622 = arith.constant 13 : i32
        %parallel_loop3A_623 = arith.index_cast %parallel_loop3A_622 : i32 to index
        %parallel_loop3A_624 = arith.index_cast %parallel_loop3A_400 : i32 to index
        %parallel_loop3A_625 = tpu.vector_load %arg7[%parallel_loop3A_623, %parallel_loop3A_624] {strides = array<i32>} : memref<16x1024xf32, #tpu.memory_space<vmem>>, vector<1x16xf32>,
        %parallel_loop3A_626 = vector.shape_cast %parallel_loop3A_625 : vector<1x16xf32> to vector<16xf32>
        %parallel_loop3A_627 = arith.constant 13 : i32
        %parallel_loop3A_628 = arith.index_cast %parallel_loop3A_627 : i32 to index
        %parallel_loop3A_629 = arith.index_cast %parallel_loop3A_400 : i32 to index
        %parallel_loop3A_630 = tpu.vector_load %arg5[%parallel_loop3A_628, %parallel_loop3A_629] {strides = array<i32>} : memref<16x1024xf32, #tpu.memory_space<vmem>>, vector<1x16xf32>,
        %parallel_loop3A_631 = vector.shape_cast %parallel_loop3A_630 : vector<1x16xf32> to vector<16xf32>
        %parallel_loop3A_632 = arith.addf %parallel_loop3A_626, %parallel_loop3A_631 : vector<16xf32>
        %parallel_loop3A_633 = arith.constant 13 : i32
        %parallel_loop3A_634 = arith.index_cast %parallel_loop3A_633 : i32 to index
        %parallel_loop3A_635 = arith.index_cast %parallel_loop3A_400 : i32 to index
        %parallel_loop3A_636 = tpu.vector_load %arg7[%parallel_loop3A_634, %parallel_loop3A_635] {strides = array<i32>} : memref<16x1024xf32, #tpu.memory_space<vmem>>, vector<1x16xf32>,
        %parallel_loop3A_637 = vector.shape_cast %parallel_loop3A_636 : vector<1x16xf32> to vector<16xf32>
        %parallel_loop3A_638 = vector.shape_cast %parallel_loop3A_632 : vector<16xf32> to vector<1x16xf32>
        tpu.vector_store %arg7[%parallel_loop3A_634, %parallel_loop3A_635], %parallel_loop3A_638 {strides = array<i32>} : memref<16x1024xf32, #tpu.memory_space<vmem>>, vector<1x16xf32>,
        %parallel_loop3A_639 = arith.constant 14 : i32
        %parallel_loop3A_640 = arith.index_cast %parallel_loop3A_639 : i32 to index
        %parallel_loop3A_641 = arith.index_cast %parallel_loop3A_400 : i32 to index
        %parallel_loop3A_642 = tpu.vector_load %arg7[%parallel_loop3A_640, %parallel_loop3A_641] {strides = array<i32>} : memref<16x1024xf32, #tpu.memory_space<vmem>>, vector<1x16xf32>,
        %parallel_loop3A_643 = vector.shape_cast %parallel_loop3A_642 : vector<1x16xf32> to vector<16xf32>
        %parallel_loop3A_644 = arith.constant 14 : i32
        %parallel_loop3A_645 = arith.index_cast %parallel_loop3A_644 : i32 to index
        %parallel_loop3A_646 = arith.index_cast %parallel_loop3A_400 : i32 to index
        %parallel_loop3A_647 = tpu.vector_load %arg5[%parallel_loop3A_645, %parallel_loop3A_646] {strides = array<i32>} : memref<16x1024xf32, #tpu.memory_space<vmem>>, vector<1x16xf32>,
        %parallel_loop3A_648 = vector.shape_cast %parallel_loop3A_647 : vector<1x16xf32> to vector<16xf32>
        %parallel_loop3A_649 = arith.addf %parallel_loop3A_643, %parallel_loop3A_648 : vector<16xf32>
        %parallel_loop3A_650 = arith.constant 14 : i32
        %parallel_loop3A_651 = arith.index_cast %parallel_loop3A_650 : i32 to index
        %parallel_loop3A_652 = arith.index_cast %parallel_loop3A_400 : i32 to index
        %parallel_loop3A_653 = tpu.vector_load %arg7[%parallel_loop3A_651, %parallel_loop3A_652] {strides = array<i32>} : memref<16x1024xf32, #tpu.memory_space<vmem>>, vector<1x16xf32>,
        %parallel_loop3A_654 = vector.shape_cast %parallel_loop3A_653 : vector<1x16xf32> to vector<16xf32>
        %parallel_loop3A_655 = vector.shape_cast %parallel_loop3A_649 : vector<16xf32> to vector<1x16xf32>
        tpu.vector_store %arg7[%parallel_loop3A_651, %parallel_loop3A_652], %parallel_loop3A_655 {strides = array<i32>} : memref<16x1024xf32, #tpu.memory_space<vmem>>, vector<1x16xf32>,
        %parallel_loop3A_656 = arith.constant 15 : i32
        %parallel_loop3A_657 = arith.index_cast %parallel_loop3A_656 : i32 to index
        %parallel_loop3A_658 = arith.index_cast %parallel_loop3A_400 : i32 to index
        %parallel_loop3A_659 = tpu.vector_load %arg7[%parallel_loop3A_657, %parallel_loop3A_658] {strides = array<i32>} : memref<16x1024xf32, #tpu.memory_space<vmem>>, vector<1x16xf32>,
        %parallel_loop3A_660 = vector.shape_cast %parallel_loop3A_659 : vector<1x16xf32> to vector<16xf32>
        %parallel_loop3A_661 = arith.constant 15 : i32
        %parallel_loop3A_662 = arith.index_cast %parallel_loop3A_661 : i32 to index
        %parallel_loop3A_663 = arith.index_cast %parallel_loop3A_400 : i32 to index
        %parallel_loop3A_664 = tpu.vector_load %arg5[%parallel_loop3A_662, %parallel_loop3A_663] {strides = array<i32>} : memref<16x1024xf32, #tpu.memory_space<vmem>>, vector<1x16xf32>,
        %parallel_loop3A_665 = vector.shape_cast %parallel_loop3A_664 : vector<1x16xf32> to vector<16xf32>
        %parallel_loop3A_666 = arith.addf %parallel_loop3A_660, %parallel_loop3A_665 : vector<16xf32>
        %parallel_loop3A_667 = arith.constant 15 : i32
        %parallel_loop3A_668 = arith.index_cast %parallel_loop3A_667 : i32 to index
        %parallel_loop3A_669 = arith.index_cast %parallel_loop3A_400 : i32 to index
        %parallel_loop3A_670 = tpu.vector_load %arg7[%parallel_loop3A_668, %parallel_loop3A_669] {strides = array<i32>} : memref<16x1024xf32, #tpu.memory_space<vmem>>, vector<1x16xf32>,
        %parallel_loop3A_671 = vector.shape_cast %parallel_loop3A_670 : vector<1x16xf32> to vector<16xf32>
        %parallel_loop3A_672 = vector.shape_cast %parallel_loop3A_666 : vector<16xf32> to vector<1x16xf32>
        tpu.vector_store %arg7[%parallel_loop3A_668, %parallel_loop3A_669], %parallel_loop3A_672 {strides = array<i32>} : memref<16x1024xf32, #tpu.memory_space<vmem>>, vector<1x16xf32>,
      } {sc.loop_unroll_factor = 4 : i64, sc.parallel_access}
      %mul3A_90 = arith.constant 16 : i32
      %mul3A_91 = arith.muli %add3A_58, %mul3A_90 : i32
      %add3A_92 = arith.addi %mul3A_2, %mul3A_91 : i32
      %dma_start3A_93 = arith.constant 0 : i32
      %dma_start3A_94 = arith.constant 0 : i32
      %dma_start3A_95 = tpu.memref_slice %arg4[%dma_start3A_93, %add3A_92, %dma_start3A_94] : memref<4x8192x1024xf32, #tpu.memory_space<hbm>> -> memref<1x16x1024xf32, #tpu.memory_space<hbm>>
      %dma_start3A_96 = tpu.memref_squeeze %dma_start3A_95 : memref<1x16x1024xf32, #tpu.memory_space<hbm>> -> memref<16x1024xf32, #tpu.memory_space<hbm>>
      %dma_start3A_97 = arith.constant 0 : i32
      %dma_start3A_98 = tpu.memref_slice %arg4[%dma_start3A_93, %add3A_92, %dma_start3A_97] : memref<4x8192x1024xf32, #tpu.memory_space<hbm>> -> memref<1x16x1024xf32, #tpu.memory_space<hbm>>
      %dma_start3A_99 = tpu.memref_squeeze %dma_start3A_98 : memref<1x16x1024xf32, #tpu.memory_space<hbm>> -> memref<16x1024xf32, #tpu.memory_space<hbm>>
      tpu.enqueue_dma source(%arg7 : memref<16x1024xf32, #tpu.memory_space<vmem>>) target(%dma_start3A_99 : memref<16x1024xf32, #tpu.memory_space<hbm>>) target_semaphore(%arg17 : memref<!tpu.dma_semaphore, #tpu.memory_space<semaphore_mem>>)
      %ge3A_100 = arith.constant 1 : i32
      %ge3A_101 = arith.cmpi sge, %add3A_58, %ge3A_100 : i32
      %convert_element_type3A_102 = arith.extui %ge3A_101 : i1 to i32
      %cond3A_103 = arith.constant 0 : i32
      %cond3A_104 = arith.cmpi ne, %convert_element_type3A_102, %cond3A_103 : i32
      scf.if %cond3A_104 {
        %sub3A = arith.constant 1 : i32
        %sub3A_398 = arith.subi %add3A_58, %sub3A : i32
        %mul3A_399 = arith.constant 16 : i32
        %mul3A_400 = arith.muli %sub3A_398, %mul3A_399 : i32
        %add3A_401 = arith.addi %mul3A_2, %mul3A_400 : i32
        %dma_wait3A_402 = arith.constant 3 : i32
        %dma_wait3A_403 = arith.constant 0 : i32
        %dma_wait3A_404 = tpu.memref_slice %arg4[%dma_wait3A_402, %add3A_401, %dma_wait3A_403] : memref<4x8192x1024xf32, #tpu.memory_space<hbm>> -> memref<1x16x1024xf32, #tpu.memory_space<hbm>>
        %dma_wait3A_405 = tpu.memref_squeeze %dma_wait3A_404 : memref<1x16x1024xf32, #tpu.memory_space<hbm>> -> memref<16x1024xf32, #tpu.memory_space<hbm>>
        %dma_wait3A_406 = arith.constant 0 : i32
        %dma_wait3A_407 = tpu.memref_slice %arg4[%dma_wait3A_402, %add3A_401, %dma_wait3A_406] : memref<4x8192x1024xf32, #tpu.memory_space<hbm>> -> memref<1x16x1024xf32, #tpu.memory_space<hbm>>
        %dma_wait3A_408 = tpu.memref_squeeze %dma_wait3A_407 : memref<1x16x1024xf32, #tpu.memory_space<hbm>> -> memref<16x1024xf32, #tpu.memory_space<hbm>>
        tpu.wait_dma2 semaphore(%arg20 : memref<!tpu.dma_semaphore, #tpu.memory_space<semaphore_mem>>) src(%arg10 : memref<16x1024xf32, #tpu.memory_space<vmem>>) dst(%dma_wait3A_408 : memref<16x1024xf32, #tpu.memory_space<hbm>>)
      } else {
      }
      %mul3A_105 = arith.constant 16 : i32
      %mul3A_106 = arith.muli %add3A_58, %mul3A_105 : i32
      %add3A_107 = arith.addi %mul3A_2, %mul3A_106 : i32
      %dma_start3A_108 = arith.constant 3 : i32
      %dma_start3A_109 = arith.constant 0 : i32
      %dma_start3A_110 = tpu.memref_slice %arg2[%dma_start3A_108, %add3A_107, %dma_start3A_109] : memref<4x8192x1024xf32, #tpu.memory_space<hbm>> -> memref<1x16x1024xf32, #tpu.memory_space<hbm>>
      %dma_start3A_111 = tpu.memref_squeeze %dma_start3A_110 : memref<1x16x1024xf32, #tpu.memory_space<hbm>> -> memref<16x1024xf32, #tpu.memory_space<hbm>>
      %dma_start3A_112 = arith.constant 0 : i32
      %dma_start3A_113 = tpu.memref_slice %arg2[%dma_start3A_108, %add3A_107, %dma_start3A_112] : memref<4x8192x1024xf32, #tpu.memory_space<hbm>> -> memref<1x16x1024xf32, #tpu.memory_space<hbm>>
      %dma_start3A_114 = tpu.memref_squeeze %dma_start3A_113 : memref<1x16x1024xf32, #tpu.memory_space<hbm>> -> memref<16x1024xf32, #tpu.memory_space<hbm>>
      tpu.enqueue_dma source(%dma_start3A_114 : memref<16x1024xf32, #tpu.memory_space<hbm>>) target(%arg10 : memref<16x1024xf32, #tpu.memory_space<vmem>>) target_semaphore(%arg16 : memref<!tpu.dma_semaphore, #tpu.memory_space<semaphore_mem>>)
      %mul3A_115 = arith.constant 16 : i32
      %mul3A_116 = arith.muli %add3A_58, %mul3A_115 : i32
      %add3A_117 = arith.addi %mul3A_2, %mul3A_116 : i32
      %dma_wait3A_118 = arith.constant 1 : i32
      %dma_wait3A_119 = arith.constant 0 : i32
      %dma_wait3A_120 = tpu.memref_slice %arg2[%dma_wait3A_118, %add3A_117, %dma_wait3A_119] : memref<4x8192x1024xf32, #tpu.memory_space<hbm>> -> memref<1x16x1024xf32, #tpu.memory_space<hbm>>
      %dma_wait3A_121 = tpu.memref_squeeze %dma_wait3A_120 : memref<1x16x1024xf32, #tpu.memory_space<hbm>> -> memref<16x1024xf32, #tpu.memory_space<hbm>>
      %dma_wait3A_122 = arith.constant 0 : i32
      %dma_wait3A_123 = tpu.memref_slice %arg2[%dma_wait3A_118, %add3A_117, %dma_wait3A_122] : memref<4x8192x1024xf32, #tpu.memory_space<hbm>> -> memref<1x16x1024xf32, #tpu.memory_space<hbm>>
      %dma_wait3A_124 = tpu.memref_squeeze %dma_wait3A_123 : memref<1x16x1024xf32, #tpu.memory_space<hbm>> -> memref<16x1024xf32, #tpu.memory_space<hbm>>
      tpu.wait_dma2 semaphore(%arg14 : memref<!tpu.dma_semaphore, #tpu.memory_space<semaphore_mem>>) src(%dma_wait3A_124 : memref<16x1024xf32, #tpu.memory_space<hbm>>) dst(%arg8 : memref<16x1024xf32, #tpu.memory_space<vmem>>)
      %parallel_loop3A_125 = arith.constant 0 : i32
      %parallel_loop3A_126 = arith.constant 0 : i32
      %parallel_loop3A_127 = arith.constant 1 : i32
      scf.for %parallel_loop3A_398 = %parallel_loop3A_125 to %parallel_loop3A_126 step %parallel_loop3A_127  : i32 {
        %parallel_loop3A_399 = arith.constant 16 : i32
        %parallel_loop3A_400 = arith.muli %parallel_loop3A_398, %parallel_loop3A_399 : i32
        %parallel_loop3A_401 = arith.constant 0 : i32
        %parallel_loop3A_402 = arith.index_cast %parallel_loop3A_401 : i32 to index
        %parallel_loop3A_403 = arith.index_cast %parallel_loop3A_400 : i32 to index
        %parallel_loop3A_404 = tpu.vector_load %arg8[%parallel_loop3A_402, %parallel_loop3A_403] {strides = array<i32>} : memref<16x1024xf32, #tpu.memory_space<vmem>>, vector<1x16xf32>,
        %parallel_loop3A_405 = vector.shape_cast %parallel_loop3A_404 : vector<1x16xf32> to vector<16xf32>
        %parallel_loop3A_406 = arith.constant 0 : i32
        %parallel_loop3A_407 = arith.index_cast %parallel_loop3A_406 : i32 to index
        %parallel_loop3A_408 = arith.index_cast %parallel_loop3A_400 : i32 to index
        %parallel_loop3A_409 = tpu.vector_load %arg5[%parallel_loop3A_407, %parallel_loop3A_408] {strides = array<i32>} : memref<16x1024xf32, #tpu.memory_space<vmem>>, vector<1x16xf32>,
        %parallel_loop3A_410 = vector.shape_cast %parallel_loop3A_409 : vector<1x16xf32> to vector<16xf32>
        %parallel_loop3A_411 = arith.addf %parallel_loop3A_405, %parallel_loop3A_410 : vector<16xf32>
        %parallel_loop3A_412 = arith.constant 0 : i32
        %parallel_loop3A_413 = arith.index_cast %parallel_loop3A_412 : i32 to index
        %parallel_loop3A_414 = arith.index_cast %parallel_loop3A_400 : i32 to index
        %parallel_loop3A_415 = tpu.vector_load %arg8[%parallel_loop3A_413, %parallel_loop3A_414] {strides = array<i32>} : memref<16x1024xf32, #tpu.memory_space<vmem>>, vector<1x16xf32>,
        %parallel_loop3A_416 = vector.shape_cast %parallel_loop3A_415 : vector<1x16xf32> to vector<16xf32>
        %parallel_loop3A_417 = vector.shape_cast %parallel_loop3A_411 : vector<16xf32> to vector<1x16xf32>
        tpu.vector_store %arg8[%parallel_loop3A_413, %parallel_loop3A_414], %parallel_loop3A_417 {strides = array<i32>} : memref<16x1024xf32, #tpu.memory_space<vmem>>, vector<1x16xf32>,
        %parallel_loop3A_418 = arith.constant 1 : i32
        %parallel_loop3A_419 = arith.index_cast %parallel_loop3A_418 : i32 to index
        %parallel_loop3A_420 = arith.index_cast %parallel_loop3A_400 : i32 to index
        %parallel_loop3A_421 = tpu.vector_load %arg8[%parallel_loop3A_419, %parallel_loop3A_420] {strides = array<i32>} : memref<16x1024xf32, #tpu.memory_space<vmem>>, vector<1x16xf32>,
        %parallel_loop3A_422 = vector.shape_cast %parallel_loop3A_421 : vector<1x16xf32> to vector<16xf32>
        %parallel_loop3A_423 = arith.constant 1 : i32
        %parallel_loop3A_424 = arith.index_cast %parallel_loop3A_423 : i32 to index
        %parallel_loop3A_425 = arith.index_cast %parallel_loop3A_400 : i32 to index
        %parallel_loop3A_426 = tpu.vector_load %arg5[%parallel_loop3A_424, %parallel_loop3A_425] {strides = array<i32>} : memref<16x1024xf32, #tpu.memory_space<vmem>>, vector<1x16xf32>,
        %parallel_loop3A_427 = vector.shape_cast %parallel_loop3A_426 : vector<1x16xf32> to vector<16xf32>
        %parallel_loop3A_428 = arith.addf %parallel_loop3A_422, %parallel_loop3A_427 : vector<16xf32>
        %parallel_loop3A_429 = arith.constant 1 : i32
        %parallel_loop3A_430 = arith.index_cast %parallel_loop3A_429 : i32 to index
        %parallel_loop3A_431 = arith.index_cast %parallel_loop3A_400 : i32 to index
        %parallel_loop3A_432 = tpu.vector_load %arg8[%parallel_loop3A_430, %parallel_loop3A_431] {strides = array<i32>} : memref<16x1024xf32, #tpu.memory_space<vmem>>, vector<1x16xf32>,
        %parallel_loop3A_433 = vector.shape_cast %parallel_loop3A_432 : vector<1x16xf32> to vector<16xf32>
        %parallel_loop3A_434 = vector.shape_cast %parallel_loop3A_428 : vector<16xf32> to vector<1x16xf32>
        tpu.vector_store %arg8[%parallel_loop3A_430, %parallel_loop3A_431], %parallel_loop3A_434 {strides = array<i32>} : memref<16x1024xf32, #tpu.memory_space<vmem>>, vector<1x16xf32>,
        %parallel_loop3A_435 = arith.constant 2 : i32
        %parallel_loop3A_436 = arith.index_cast %parallel_loop3A_435 : i32 to index
        %parallel_loop3A_437 = arith.index_cast %parallel_loop3A_400 : i32 to index
        %parallel_loop3A_438 = tpu.vector_load %arg8[%parallel_loop3A_436, %parallel_loop3A_437] {strides = array<i32>} : memref<16x1024xf32, #tpu.memory_space<vmem>>, vector<1x16xf32>,
        %parallel_loop3A_439 = vector.shape_cast %parallel_loop3A_438 : vector<1x16xf32> to vector<16xf32>
        %parallel_loop3A_440 = arith.constant 2 : i32
        %parallel_loop3A_441 = arith.index_cast %parallel_loop3A_440 : i32 to index
        %parallel_loop3A_442 = arith.index_cast %parallel_loop3A_400 : i32 to index
        %parallel_loop3A_443 = tpu.vector_load %arg5[%parallel_loop3A_441, %parallel_loop3A_442] {strides = array<i32>} : memref<16x1024xf32, #tpu.memory_space<vmem>>, vector<1x16xf32>,
        %parallel_loop3A_444 = vector.shape_cast %parallel_loop3A_443 : vector<1x16xf32> to vector<16xf32>
        %parallel_loop3A_445 = arith.addf %parallel_loop3A_439, %parallel_loop3A_444 : vector<16xf32>
        %parallel_loop3A_446 = arith.constant 2 : i32
        %parallel_loop3A_447 = arith.index_cast %parallel_loop3A_446 : i32 to index
        %parallel_loop3A_448 = arith.index_cast %parallel_loop3A_400 : i32 to index
        %parallel_loop3A_449 = tpu.vector_load %arg8[%parallel_loop3A_447, %parallel_loop3A_448] {strides = array<i32>} : memref<16x1024xf32, #tpu.memory_space<vmem>>, vector<1x16xf32>,
        %parallel_loop3A_450 = vector.shape_cast %parallel_loop3A_449 : vector<1x16xf32> to vector<16xf32>
        %parallel_loop3A_451 = vector.shape_cast %parallel_loop3A_445 : vector<16xf32> to vector<1x16xf32>
        tpu.vector_store %arg8[%parallel_loop3A_447, %parallel_loop3A_448], %parallel_loop3A_451 {strides = array<i32>} : memref<16x1024xf32, #tpu.memory_space<vmem>>, vector<1x16xf32>,
        %parallel_loop3A_452 = arith.constant 3 : i32
        %parallel_loop3A_453 = arith.index_cast %parallel_loop3A_452 : i32 to index
        %parallel_loop3A_454 = arith.index_cast %parallel_loop3A_400 : i32 to index
        %parallel_loop3A_455 = tpu.vector_load %arg8[%parallel_loop3A_453, %parallel_loop3A_454] {strides = array<i32>} : memref<16x1024xf32, #tpu.memory_space<vmem>>, vector<1x16xf32>,
        %parallel_loop3A_456 = vector.shape_cast %parallel_loop3A_455 : vector<1x16xf32> to vector<16xf32>
        %parallel_loop3A_457 = arith.constant 3 : i32
        %parallel_loop3A_458 = arith.index_cast %parallel_loop3A_457 : i32 to index
        %parallel_loop3A_459 = arith.index_cast %parallel_loop3A_400 : i32 to index
        %parallel_loop3A_460 = tpu.vector_load %arg5[%parallel_loop3A_458, %parallel_loop3A_459] {strides = array<i32>} : memref<16x1024xf32, #tpu.memory_space<vmem>>, vector<1x16xf32>,
        %parallel_loop3A_461 = vector.shape_cast %parallel_loop3A_460 : vector<1x16xf32> to vector<16xf32>
        %parallel_loop3A_462 = arith.addf %parallel_loop3A_456, %parallel_loop3A_461 : vector<16xf32>
        %parallel_loop3A_463 = arith.constant 3 : i32
        %parallel_loop3A_464 = arith.index_cast %parallel_loop3A_463 : i32 to index
        %parallel_loop3A_465 = arith.index_cast %parallel_loop3A_400 : i32 to index
        %parallel_loop3A_466 = tpu.vector_load %arg8[%parallel_loop3A_464, %parallel_loop3A_465] {strides = array<i32>} : memref<16x1024xf32, #tpu.memory_space<vmem>>, vector<1x16xf32>,
        %parallel_loop3A_467 = vector.shape_cast %parallel_loop3A_466 : vector<1x16xf32> to vector<16xf32>
        %parallel_loop3A_468 = vector.shape_cast %parallel_loop3A_462 : vector<16xf32> to vector<1x16xf32>
        tpu.vector_store %arg8[%parallel_loop3A_464, %parallel_loop3A_465], %parallel_loop3A_468 {strides = array<i32>} : memref<16x1024xf32, #tpu.memory_space<vmem>>, vector<1x16xf32>,
        %parallel_loop3A_469 = arith.constant 4 : i32
        %parallel_loop3A_470 = arith.index_cast %parallel_loop3A_469 : i32 to index
        %parallel_loop3A_471 = arith.index_cast %parallel_loop3A_400 : i32 to index
        %parallel_loop3A_472 = tpu.vector_load %arg8[%parallel_loop3A_470, %parallel_loop3A_471] {strides = array<i32>} : memref<16x1024xf32, #tpu.memory_space<vmem>>, vector<1x16xf32>,
        %parallel_loop3A_473 = vector.shape_cast %parallel_loop3A_472 : vector<1x16xf32> to vector<16xf32>
        %parallel_loop3A_474 = arith.constant 4 : i32
        %parallel_loop3A_475 = arith.index_cast %parallel_loop3A_474 : i32 to index
        %parallel_loop3A_476 = arith.index_cast %parallel_loop3A_400 : i32 to index
        %parallel_loop3A_477 = tpu.vector_load %arg5[%parallel_loop3A_475, %parallel_loop3A_476] {strides = array<i32>} : memref<16x1024xf32, #tpu.memory_space<vmem>>, vector<1x16xf32>,
        %parallel_loop3A_478 = vector.shape_cast %parallel_loop3A_477 : vector<1x16xf32> to vector<16xf32>
        %parallel_loop3A_479 = arith.addf %parallel_loop3A_473, %parallel_loop3A_478 : vector<16xf32>
        %parallel_loop3A_480 = arith.constant 4 : i32
        %parallel_loop3A_481 = arith.index_cast %parallel_loop3A_480 : i32 to index
        %parallel_loop3A_482 = arith.index_cast %parallel_loop3A_400 : i32 to index
        %parallel_loop3A_483 = tpu.vector_load %arg8[%parallel_loop3A_481, %parallel_loop3A_482] {strides = array<i32>} : memref<16x1024xf32, #tpu.memory_space<vmem>>, vector<1x16xf32>,
        %parallel_loop3A_484 = vector.shape_cast %parallel_loop3A_483 : vector<1x16xf32> to vector<16xf32>
        %parallel_loop3A_485 = vector.shape_cast %parallel_loop3A_479 : vector<16xf32> to vector<1x16xf32>
        tpu.vector_store %arg8[%parallel_loop3A_481, %parallel_loop3A_482], %parallel_loop3A_485 {strides = array<i32>} : memref<16x1024xf32, #tpu.memory_space<vmem>>, vector<1x16xf32>,
        %parallel_loop3A_486 = arith.constant 5 : i32
        %parallel_loop3A_487 = arith.index_cast %parallel_loop3A_486 : i32 to index
        %parallel_loop3A_488 = arith.index_cast %parallel_loop3A_400 : i32 to index
        %parallel_loop3A_489 = tpu.vector_load %arg8[%parallel_loop3A_487, %parallel_loop3A_488] {strides = array<i32>} : memref<16x1024xf32, #tpu.memory_space<vmem>>, vector<1x16xf32>,
        %parallel_loop3A_490 = vector.shape_cast %parallel_loop3A_489 : vector<1x16xf32> to vector<16xf32>
        %parallel_loop3A_491 = arith.constant 5 : i32
        %parallel_loop3A_492 = arith.index_cast %parallel_loop3A_491 : i32 to index
        %parallel_loop3A_493 = arith.index_cast %parallel_loop3A_400 : i32 to index
        %parallel_loop3A_494 = tpu.vector_load %arg5[%parallel_loop3A_492, %parallel_loop3A_493] {strides = array<i32>} : memref<16x1024xf32, #tpu.memory_space<vmem>>, vector<1x16xf32>,
        %parallel_loop3A_495 = vector.shape_cast %parallel_loop3A_494 : vector<1x16xf32> to vector<16xf32>
        %parallel_loop3A_496 = arith.addf %parallel_loop3A_490, %parallel_loop3A_495 : vector<16xf32>
        %parallel_loop3A_497 = arith.constant 5 : i32
        %parallel_loop3A_498 = arith.index_cast %parallel_loop3A_497 : i32 to index
        %parallel_loop3A_499 = arith.index_cast %parallel_loop3A_400 : i32 to index
        %parallel_loop3A_500 = tpu.vector_load %arg8[%parallel_loop3A_498, %parallel_loop3A_499] {strides = array<i32>} : memref<16x1024xf32, #tpu.memory_space<vmem>>, vector<1x16xf32>,
        %parallel_loop3A_501 = vector.shape_cast %parallel_loop3A_500 : vector<1x16xf32> to vector<16xf32>
        %parallel_loop3A_502 = vector.shape_cast %parallel_loop3A_496 : vector<16xf32> to vector<1x16xf32>
        tpu.vector_store %arg8[%parallel_loop3A_498, %parallel_loop3A_499], %parallel_loop3A_502 {strides = array<i32>} : memref<16x1024xf32, #tpu.memory_space<vmem>>, vector<1x16xf32>,
        %parallel_loop3A_503 = arith.constant 6 : i32
        %parallel_loop3A_504 = arith.index_cast %parallel_loop3A_503 : i32 to index
        %parallel_loop3A_505 = arith.index_cast %parallel_loop3A_400 : i32 to index
        %parallel_loop3A_506 = tpu.vector_load %arg8[%parallel_loop3A_504, %parallel_loop3A_505] {strides = array<i32>} : memref<16x1024xf32, #tpu.memory_space<vmem>>, vector<1x16xf32>,
        %parallel_loop3A_507 = vector.shape_cast %parallel_loop3A_506 : vector<1x16xf32> to vector<16xf32>
        %parallel_loop3A_508 = arith.constant 6 : i32
        %parallel_loop3A_509 = arith.index_cast %parallel_loop3A_508 : i32 to index
        %parallel_loop3A_510 = arith.index_cast %parallel_loop3A_400 : i32 to index
        %parallel_loop3A_511 = tpu.vector_load %arg5[%parallel_loop3A_509, %parallel_loop3A_510] {strides = array<i32>} : memref<16x1024xf32, #tpu.memory_space<vmem>>, vector<1x16xf32>,
        %parallel_loop3A_512 = vector.shape_cast %parallel_loop3A_511 : vector<1x16xf32> to vector<16xf32>
        %parallel_loop3A_513 = arith.addf %parallel_loop3A_507, %parallel_loop3A_512 : vector<16xf32>
        %parallel_loop3A_514 = arith.constant 6 : i32
        %parallel_loop3A_515 = arith.index_cast %parallel_loop3A_514 : i32 to index
        %parallel_loop3A_516 = arith.index_cast %parallel_loop3A_400 : i32 to index
        %parallel_loop3A_517 = tpu.vector_load %arg8[%parallel_loop3A_515, %parallel_loop3A_516] {strides = array<i32>} : memref<16x1024xf32, #tpu.memory_space<vmem>>, vector<1x16xf32>,
        %parallel_loop3A_518 = vector.shape_cast %parallel_loop3A_517 : vector<1x16xf32> to vector<16xf32>
        %parallel_loop3A_519 = vector.shape_cast %parallel_loop3A_513 : vector<16xf32> to vector<1x16xf32>
        tpu.vector_store %arg8[%parallel_loop3A_515, %parallel_loop3A_516], %parallel_loop3A_519 {strides = array<i32>} : memref<16x1024xf32, #tpu.memory_space<vmem>>, vector<1x16xf32>,
        %parallel_loop3A_520 = arith.constant 7 : i32
        %parallel_loop3A_521 = arith.index_cast %parallel_loop3A_520 : i32 to index
        %parallel_loop3A_522 = arith.index_cast %parallel_loop3A_400 : i32 to index
        %parallel_loop3A_523 = tpu.vector_load %arg8[%parallel_loop3A_521, %parallel_loop3A_522] {strides = array<i32>} : memref<16x1024xf32, #tpu.memory_space<vmem>>, vector<1x16xf32>,
        %parallel_loop3A_524 = vector.shape_cast %parallel_loop3A_523 : vector<1x16xf32> to vector<16xf32>
        %parallel_loop3A_525 = arith.constant 7 : i32
        %parallel_loop3A_526 = arith.index_cast %parallel_loop3A_525 : i32 to index
        %parallel_loop3A_527 = arith.index_cast %parallel_loop3A_400 : i32 to index
        %parallel_loop3A_528 = tpu.vector_load %arg5[%parallel_loop3A_526, %parallel_loop3A_527] {strides = array<i32>} : memref<16x1024xf32, #tpu.memory_space<vmem>>, vector<1x16xf32>,
        %parallel_loop3A_529 = vector.shape_cast %parallel_loop3A_528 : vector<1x16xf32> to vector<16xf32>
        %parallel_loop3A_530 = arith.addf %parallel_loop3A_524, %parallel_loop3A_529 : vector<16xf32>
        %parallel_loop3A_531 = arith.constant 7 : i32
        %parallel_loop3A_532 = arith.index_cast %parallel_loop3A_531 : i32 to index
        %parallel_loop3A_533 = arith.index_cast %parallel_loop3A_400 : i32 to index
        %parallel_loop3A_534 = tpu.vector_load %arg8[%parallel_loop3A_532, %parallel_loop3A_533] {strides = array<i32>} : memref<16x1024xf32, #tpu.memory_space<vmem>>, vector<1x16xf32>,
        %parallel_loop3A_535 = vector.shape_cast %parallel_loop3A_534 : vector<1x16xf32> to vector<16xf32>
        %parallel_loop3A_536 = vector.shape_cast %parallel_loop3A_530 : vector<16xf32> to vector<1x16xf32>
        tpu.vector_store %arg8[%parallel_loop3A_532, %parallel_loop3A_533], %parallel_loop3A_536 {strides = array<i32>} : memref<16x1024xf32, #tpu.memory_space<vmem>>, vector<1x16xf32>,
        %parallel_loop3A_537 = arith.constant 8 : i32
        %parallel_loop3A_538 = arith.index_cast %parallel_loop3A_537 : i32 to index
        %parallel_loop3A_539 = arith.index_cast %parallel_loop3A_400 : i32 to index
        %parallel_loop3A_540 = tpu.vector_load %arg8[%parallel_loop3A_538, %parallel_loop3A_539] {strides = array<i32>} : memref<16x1024xf32, #tpu.memory_space<vmem>>, vector<1x16xf32>,
        %parallel_loop3A_541 = vector.shape_cast %parallel_loop3A_540 : vector<1x16xf32> to vector<16xf32>
        %parallel_loop3A_542 = arith.constant 8 : i32
        %parallel_loop3A_543 = arith.index_cast %parallel_loop3A_542 : i32 to index
        %parallel_loop3A_544 = arith.index_cast %parallel_loop3A_400 : i32 to index
        %parallel_loop3A_545 = tpu.vector_load %arg5[%parallel_loop3A_543, %parallel_loop3A_544] {strides = array<i32>} : memref<16x1024xf32, #tpu.memory_space<vmem>>, vector<1x16xf32>,
        %parallel_loop3A_546 = vector.shape_cast %parallel_loop3A_545 : vector<1x16xf32> to vector<16xf32>
        %parallel_loop3A_547 = arith.addf %parallel_loop3A_541, %parallel_loop3A_546 : vector<16xf32>
        %parallel_loop3A_548 = arith.constant 8 : i32
        %parallel_loop3A_549 = arith.index_cast %parallel_loop3A_548 : i32 to index
        %parallel_loop3A_550 = arith.index_cast %parallel_loop3A_400 : i32 to index
        %parallel_loop3A_551 = tpu.vector_load %arg8[%parallel_loop3A_549, %parallel_loop3A_550] {strides = array<i32>} : memref<16x1024xf32, #tpu.memory_space<vmem>>, vector<1x16xf32>,
        %parallel_loop3A_552 = vector.shape_cast %parallel_loop3A_551 : vector<1x16xf32> to vector<16xf32>
        %parallel_loop3A_553 = vector.shape_cast %parallel_loop3A_547 : vector<16xf32> to vector<1x16xf32>
        tpu.vector_store %arg8[%parallel_loop3A_549, %parallel_loop3A_550], %parallel_loop3A_553 {strides = array<i32>} : memref<16x1024xf32, #tpu.memory_space<vmem>>, vector<1x16xf32>,
        %parallel_loop3A_554 = arith.constant 9 : i32
        %parallel_loop3A_555 = arith.index_cast %parallel_loop3A_554 : i32 to index
        %parallel_loop3A_556 = arith.index_cast %parallel_loop3A_400 : i32 to index
        %parallel_loop3A_557 = tpu.vector_load %arg8[%parallel_loop3A_555, %parallel_loop3A_556] {strides = array<i32>} : memref<16x1024xf32, #tpu.memory_space<vmem>>, vector<1x16xf32>,
        %parallel_loop3A_558 = vector.shape_cast %parallel_loop3A_557 : vector<1x16xf32> to vector<16xf32>
        %parallel_loop3A_559 = arith.constant 9 : i32
        %parallel_loop3A_560 = arith.index_cast %parallel_loop3A_559 : i32 to index
        %parallel_loop3A_561 = arith.index_cast %parallel_loop3A_400 : i32 to index
        %parallel_loop3A_562 = tpu.vector_load %arg5[%parallel_loop3A_560, %parallel_loop3A_561] {strides = array<i32>} : memref<16x1024xf32, #tpu.memory_space<vmem>>, vector<1x16xf32>,
        %parallel_loop3A_563 = vector.shape_cast %parallel_loop3A_562 : vector<1x16xf32> to vector<16xf32>
        %parallel_loop3A_564 = arith.addf %parallel_loop3A_558, %parallel_loop3A_563 : vector<16xf32>
        %parallel_loop3A_565 = arith.constant 9 : i32
        %parallel_loop3A_566 = arith.index_cast %parallel_loop3A_565 : i32 to index
        %parallel_loop3A_567 = arith.index_cast %parallel_loop3A_400 : i32 to index
        %parallel_loop3A_568 = tpu.vector_load %arg8[%parallel_loop3A_566, %parallel_loop3A_567] {strides = array<i32>} : memref<16x1024xf32, #tpu.memory_space<vmem>>, vector<1x16xf32>,
        %parallel_loop3A_569 = vector.shape_cast %parallel_loop3A_568 : vector<1x16xf32> to vector<16xf32>
        %parallel_loop3A_570 = vector.shape_cast %parallel_loop3A_564 : vector<16xf32> to vector<1x16xf32>
        tpu.vector_store %arg8[%parallel_loop3A_566, %parallel_loop3A_567], %parallel_loop3A_570 {strides = array<i32>} : memref<16x1024xf32, #tpu.memory_space<vmem>>, vector<1x16xf32>,
        %parallel_loop3A_571 = arith.constant 10 : i32
        %parallel_loop3A_572 = arith.index_cast %parallel_loop3A_571 : i32 to index
        %parallel_loop3A_573 = arith.index_cast %parallel_loop3A_400 : i32 to index
        %parallel_loop3A_574 = tpu.vector_load %arg8[%parallel_loop3A_572, %parallel_loop3A_573] {strides = array<i32>} : memref<16x1024xf32, #tpu.memory_space<vmem>>, vector<1x16xf32>,
        %parallel_loop3A_575 = vector.shape_cast %parallel_loop3A_574 : vector<1x16xf32> to vector<16xf32>
        %parallel_loop3A_576 = arith.constant 10 : i32
        %parallel_loop3A_577 = arith.index_cast %parallel_loop3A_576 : i32 to index
        %parallel_loop3A_578 = arith.index_cast %parallel_loop3A_400 : i32 to index
        %parallel_loop3A_579 = tpu.vector_load %arg5[%parallel_loop3A_577, %parallel_loop3A_578] {strides = array<i32>} : memref<16x1024xf32, #tpu.memory_space<vmem>>, vector<1x16xf32>,
        %parallel_loop3A_580 = vector.shape_cast %parallel_loop3A_579 : vector<1x16xf32> to vector<16xf32>
        %parallel_loop3A_581 = arith.addf %parallel_loop3A_575, %parallel_loop3A_580 : vector<16xf32>
        %parallel_loop3A_582 = arith.constant 10 : i32
        %parallel_loop3A_583 = arith.index_cast %parallel_loop3A_582 : i32 to index
        %parallel_loop3A_584 = arith.index_cast %parallel_loop3A_400 : i32 to index
        %parallel_loop3A_585 = tpu.vector_load %arg8[%parallel_loop3A_583, %parallel_loop3A_584] {strides = array<i32>} : memref<16x1024xf32, #tpu.memory_space<vmem>>, vector<1x16xf32>,
        %parallel_loop3A_586 = vector.shape_cast %parallel_loop3A_585 : vector<1x16xf32> to vector<16xf32>
        %parallel_loop3A_587 = vector.shape_cast %parallel_loop3A_581 : vector<16xf32> to vector<1x16xf32>
        tpu.vector_store %arg8[%parallel_loop3A_583, %parallel_loop3A_584], %parallel_loop3A_587 {strides = array<i32>} : memref<16x1024xf32, #tpu.memory_space<vmem>>, vector<1x16xf32>,
        %parallel_loop3A_588 = arith.constant 11 : i32
        %parallel_loop3A_589 = arith.index_cast %parallel_loop3A_588 : i32 to index
        %parallel_loop3A_590 = arith.index_cast %parallel_loop3A_400 : i32 to index
        %parallel_loop3A_591 = tpu.vector_load %arg8[%parallel_loop3A_589, %parallel_loop3A_590] {strides = array<i32>} : memref<16x1024xf32, #tpu.memory_space<vmem>>, vector<1x16xf32>,
        %parallel_loop3A_592 = vector.shape_cast %parallel_loop3A_591 : vector<1x16xf32> to vector<16xf32>
        %parallel_loop3A_593 = arith.constant 11 : i32
        %parallel_loop3A_594 = arith.index_cast %parallel_loop3A_593 : i32 to index
        %parallel_loop3A_595 = arith.index_cast %parallel_loop3A_400 : i32 to index
        %parallel_loop3A_596 = tpu.vector_load %arg5[%parallel_loop3A_594, %parallel_loop3A_595] {strides = array<i32>} : memref<16x1024xf32, #tpu.memory_space<vmem>>, vector<1x16xf32>,
        %parallel_loop3A_597 = vector.shape_cast %parallel_loop3A_596 : vector<1x16xf32> to vector<16xf32>
        %parallel_loop3A_598 = arith.addf %parallel_loop3A_592, %parallel_loop3A_597 : vector<16xf32>
        %parallel_loop3A_599 = arith.constant 11 : i32
        %parallel_loop3A_600 = arith.index_cast %parallel_loop3A_599 : i32 to index
        %parallel_loop3A_601 = arith.index_cast %parallel_loop3A_400 : i32 to index
        %parallel_loop3A_602 = tpu.vector_load %arg8[%parallel_loop3A_600, %parallel_loop3A_601] {strides = array<i32>} : memref<16x1024xf32, #tpu.memory_space<vmem>>, vector<1x16xf32>,
        %parallel_loop3A_603 = vector.shape_cast %parallel_loop3A_602 : vector<1x16xf32> to vector<16xf32>
        %parallel_loop3A_604 = vector.shape_cast %parallel_loop3A_598 : vector<16xf32> to vector<1x16xf32>
        tpu.vector_store %arg8[%parallel_loop3A_600, %parallel_loop3A_601], %parallel_loop3A_604 {strides = array<i32>} : memref<16x1024xf32, #tpu.memory_space<vmem>>, vector<1x16xf32>,
        %parallel_loop3A_605 = arith.constant 12 : i32
        %parallel_loop3A_606 = arith.index_cast %parallel_loop3A_605 : i32 to index
        %parallel_loop3A_607 = arith.index_cast %parallel_loop3A_400 : i32 to index
        %parallel_loop3A_608 = tpu.vector_load %arg8[%parallel_loop3A_606, %parallel_loop3A_607] {strides = array<i32>} : memref<16x1024xf32, #tpu.memory_space<vmem>>, vector<1x16xf32>,
        %parallel_loop3A_609 = vector.shape_cast %parallel_loop3A_608 : vector<1x16xf32> to vector<16xf32>
        %parallel_loop3A_610 = arith.constant 12 : i32
        %parallel_loop3A_611 = arith.index_cast %parallel_loop3A_610 : i32 to index
        %parallel_loop3A_612 = arith.index_cast %parallel_loop3A_400 : i32 to index
        %parallel_loop3A_613 = tpu.vector_load %arg5[%parallel_loop3A_611, %parallel_loop3A_612] {strides = array<i32>} : memref<16x1024xf32, #tpu.memory_space<vmem>>, vector<1x16xf32>,
        %parallel_loop3A_614 = vector.shape_cast %parallel_loop3A_613 : vector<1x16xf32> to vector<16xf32>
        %parallel_loop3A_615 = arith.addf %parallel_loop3A_609, %parallel_loop3A_614 : vector<16xf32>
        %parallel_loop3A_616 = arith.constant 12 : i32
        %parallel_loop3A_617 = arith.index_cast %parallel_loop3A_616 : i32 to index
        %parallel_loop3A_618 = arith.index_cast %parallel_loop3A_400 : i32 to index
        %parallel_loop3A_619 = tpu.vector_load %arg8[%parallel_loop3A_617, %parallel_loop3A_618] {strides = array<i32>} : memref<16x1024xf32, #tpu.memory_space<vmem>>, vector<1x16xf32>,
        %parallel_loop3A_620 = vector.shape_cast %parallel_loop3A_619 : vector<1x16xf32> to vector<16xf32>
        %parallel_loop3A_621 = vector.shape_cast %parallel_loop3A_615 : vector<16xf32> to vector<1x16xf32>
        tpu.vector_store %arg8[%parallel_loop3A_617, %parallel_loop3A_618], %parallel_loop3A_621 {strides = array<i32>} : memref<16x1024xf32, #tpu.memory_space<vmem>>, vector<1x16xf32>,
        %parallel_loop3A_622 = arith.constant 13 : i32
        %parallel_loop3A_623 = arith.index_cast %parallel_loop3A_622 : i32 to index
        %parallel_loop3A_624 = arith.index_cast %parallel_loop3A_400 : i32 to index
        %parallel_loop3A_625 = tpu.vector_load %arg8[%parallel_loop3A_623, %parallel_loop3A_624] {strides = array<i32>} : memref<16x1024xf32, #tpu.memory_space<vmem>>, vector<1x16xf32>,
        %parallel_loop3A_626 = vector.shape_cast %parallel_loop3A_625 : vector<1x16xf32> to vector<16xf32>
        %parallel_loop3A_627 = arith.constant 13 : i32
        %parallel_loop3A_628 = arith.index_cast %parallel_loop3A_627 : i32 to index
        %parallel_loop3A_629 = arith.index_cast %parallel_loop3A_400 : i32 to index
        %parallel_loop3A_630 = tpu.vector_load %arg5[%parallel_loop3A_628, %parallel_loop3A_629] {strides = array<i32>} : memref<16x1024xf32, #tpu.memory_space<vmem>>, vector<1x16xf32>,
        %parallel_loop3A_631 = vector.shape_cast %parallel_loop3A_630 : vector<1x16xf32> to vector<16xf32>
        %parallel_loop3A_632 = arith.addf %parallel_loop3A_626, %parallel_loop3A_631 : vector<16xf32>
        %parallel_loop3A_633 = arith.constant 13 : i32
        %parallel_loop3A_634 = arith.index_cast %parallel_loop3A_633 : i32 to index
        %parallel_loop3A_635 = arith.index_cast %parallel_loop3A_400 : i32 to index
        %parallel_loop3A_636 = tpu.vector_load %arg8[%parallel_loop3A_634, %parallel_loop3A_635] {strides = array<i32>} : memref<16x1024xf32, #tpu.memory_space<vmem>>, vector<1x16xf32>,
        %parallel_loop3A_637 = vector.shape_cast %parallel_loop3A_636 : vector<1x16xf32> to vector<16xf32>
        %parallel_loop3A_638 = vector.shape_cast %parallel_loop3A_632 : vector<16xf32> to vector<1x16xf32>
        tpu.vector_store %arg8[%parallel_loop3A_634, %parallel_loop3A_635], %parallel_loop3A_638 {strides = array<i32>} : memref<16x1024xf32, #tpu.memory_space<vmem>>, vector<1x16xf32>,
        %parallel_loop3A_639 = arith.constant 14 : i32
        %parallel_loop3A_640 = arith.index_cast %parallel_loop3A_639 : i32 to index
        %parallel_loop3A_641 = arith.index_cast %parallel_loop3A_400 : i32 to index
        %parallel_loop3A_642 = tpu.vector_load %arg8[%parallel_loop3A_640, %parallel_loop3A_641] {strides = array<i32>} : memref<16x1024xf32, #tpu.memory_space<vmem>>, vector<1x16xf32>,
        %parallel_loop3A_643 = vector.shape_cast %parallel_loop3A_642 : vector<1x16xf32> to vector<16xf32>
        %parallel_loop3A_644 = arith.constant 14 : i32
        %parallel_loop3A_645 = arith.index_cast %parallel_loop3A_644 : i32 to index
        %parallel_loop3A_646 = arith.index_cast %parallel_loop3A_400 : i32 to index
        %parallel_loop3A_647 = tpu.vector_load %arg5[%parallel_loop3A_645, %parallel_loop3A_646] {strides = array<i32>} : memref<16x1024xf32, #tpu.memory_space<vmem>>, vector<1x16xf32>,
        %parallel_loop3A_648 = vector.shape_cast %parallel_loop3A_647 : vector<1x16xf32> to vector<16xf32>
        %parallel_loop3A_649 = arith.addf %parallel_loop3A_643, %parallel_loop3A_648 : vector<16xf32>
        %parallel_loop3A_650 = arith.constant 14 : i32
        %parallel_loop3A_651 = arith.index_cast %parallel_loop3A_650 : i32 to index
        %parallel_loop3A_652 = arith.index_cast %parallel_loop3A_400 : i32 to index
        %parallel_loop3A_653 = tpu.vector_load %arg8[%parallel_loop3A_651, %parallel_loop3A_652] {strides = array<i32>} : memref<16x1024xf32, #tpu.memory_space<vmem>>, vector<1x16xf32>,
        %parallel_loop3A_654 = vector.shape_cast %parallel_loop3A_653 : vector<1x16xf32> to vector<16xf32>
        %parallel_loop3A_655 = vector.shape_cast %parallel_loop3A_649 : vector<16xf32> to vector<1x16xf32>
        tpu.vector_store %arg8[%parallel_loop3A_651, %parallel_loop3A_652], %parallel_loop3A_655 {strides = array<i32>} : memref<16x1024xf32, #tpu.memory_space<vmem>>, vector<1x16xf32>,
        %parallel_loop3A_656 = arith.constant 15 : i32
        %parallel_loop3A_657 = arith.index_cast %parallel_loop3A_656 : i32 to index
        %parallel_loop3A_658 = arith.index_cast %parallel_loop3A_400 : i32 to index
        %parallel_loop3A_659 = tpu.vector_load %arg8[%parallel_loop3A_657, %parallel_loop3A_658] {strides = array<i32>} : memref<16x1024xf32, #tpu.memory_space<vmem>>, vector<1x16xf32>,
        %parallel_loop3A_660 = vector.shape_cast %parallel_loop3A_659 : vector<1x16xf32> to vector<16xf32>
        %parallel_loop3A_661 = arith.constant 15 : i32
        %parallel_loop3A_662 = arith.index_cast %parallel_loop3A_661 : i32 to index
        %parallel_loop3A_663 = arith.index_cast %parallel_loop3A_400 : i32 to index
        %parallel_loop3A_664 = tpu.vector_load %arg5[%parallel_loop3A_662, %parallel_loop3A_663] {strides = array<i32>} : memref<16x1024xf32, #tpu.memory_space<vmem>>, vector<1x16xf32>,
        %parallel_loop3A_665 = vector.shape_cast %parallel_loop3A_664 : vector<1x16xf32> to vector<16xf32>
        %parallel_loop3A_666 = arith.addf %parallel_loop3A_660, %parallel_loop3A_665 : vector<16xf32>
        %parallel_loop3A_667 = arith.constant 15 : i32
        %parallel_loop3A_668 = arith.index_cast %parallel_loop3A_667 : i32 to index
        %parallel_loop3A_669 = arith.index_cast %parallel_loop3A_400 : i32 to index
        %parallel_loop3A_670 = tpu.vector_load %arg8[%parallel_loop3A_668, %parallel_loop3A_669] {strides = array<i32>} : memref<16x1024xf32, #tpu.memory_space<vmem>>, vector<1x16xf32>,
        %parallel_loop3A_671 = vector.shape_cast %parallel_loop3A_670 : vector<1x16xf32> to vector<16xf32>
        %parallel_loop3A_672 = vector.shape_cast %parallel_loop3A_666 : vector<16xf32> to vector<1x16xf32>
        tpu.vector_store %arg8[%parallel_loop3A_668, %parallel_loop3A_669], %parallel_loop3A_672 {strides = array<i32>} : memref<16x1024xf32, #tpu.memory_space<vmem>>, vector<1x16xf32>,
      } {sc.loop_unroll_factor = 4 : i64, sc.parallel_access}
      %mul3A_128 = arith.constant 16 : i32
      %mul3A_129 = arith.muli %add3A_58, %mul3A_128 : i32
      %add3A_130 = arith.addi %mul3A_2, %mul3A_129 : i32
      %dma_start3A_131 = arith.constant 1 : i32
      %dma_start3A_132 = arith.constant 0 : i32
      %dma_start3A_133 = tpu.memref_slice %arg4[%dma_start3A_131, %add3A_130, %dma_start3A_132] : memref<4x8192x1024xf32, #tpu.memory_space<hbm>> -> memref<1x16x1024xf32, #tpu.memory_space<hbm>>
      %dma_start3A_134 = tpu.memref_squeeze %dma_start3A_133 : memref<1x16x1024xf32, #tpu.memory_space<hbm>> -> memref<16x1024xf32, #tpu.memory_space<hbm>>
      %dma_start3A_135 = arith.constant 0 : i32
      %dma_start3A_136 = tpu.memref_slice %arg4[%dma_start3A_131, %add3A_130, %dma_start3A_135] : memref<4x8192x1024xf32, #tpu.memory_space<hbm>> -> memref<1x16x1024xf32, #tpu.memory_space<hbm>>
      %dma_start3A_137 = tpu.memref_squeeze %dma_start3A_136 : memref<1x16x1024xf32, #tpu.memory_space<hbm>> -> memref<16x1024xf32, #tpu.memory_space<hbm>>
      tpu.enqueue_dma source(%arg8 : memref<16x1024xf32, #tpu.memory_space<vmem>>) target(%dma_start3A_137 : memref<16x1024xf32, #tpu.memory_space<hbm>>) target_semaphore(%arg18 : memref<!tpu.dma_semaphore, #tpu.memory_space<semaphore_mem>>)
      %mul3A_138 = arith.constant 16 : i32
      %mul3A_139 = arith.muli %add3A_58, %mul3A_138 : i32
      %add3A_140 = arith.addi %mul3A_2, %mul3A_139 : i32
      %dma_wait3A_141 = arith.constant 0 : i32
      %dma_wait3A_142 = arith.constant 0 : i32
      %dma_wait3A_143 = tpu.memref_slice %arg4[%dma_wait3A_141, %add3A_140, %dma_wait3A_142] : memref<4x8192x1024xf32, #tpu.memory_space<hbm>> -> memref<1x16x1024xf32, #tpu.memory_space<hbm>>
      %dma_wait3A_144 = tpu.memref_squeeze %dma_wait3A_143 : memref<1x16x1024xf32, #tpu.memory_space<hbm>> -> memref<16x1024xf32, #tpu.memory_space<hbm>>
      %dma_wait3A_145 = arith.constant 0 : i32
      %dma_wait3A_146 = tpu.memref_slice %arg4[%dma_wait3A_141, %add3A_140, %dma_wait3A_145] : memref<4x8192x1024xf32, #tpu.memory_space<hbm>> -> memref<1x16x1024xf32, #tpu.memory_space<hbm>>
      %dma_wait3A_147 = tpu.memref_squeeze %dma_wait3A_146 : memref<1x16x1024xf32, #tpu.memory_space<hbm>> -> memref<16x1024xf32, #tpu.memory_space<hbm>>
      tpu.wait_dma2 semaphore(%arg17 : memref<!tpu.dma_semaphore, #tpu.memory_space<semaphore_mem>>) src(%arg7 : memref<16x1024xf32, #tpu.memory_space<vmem>>) dst(%dma_wait3A_147 : memref<16x1024xf32, #tpu.memory_space<hbm>>)
      %add3A_148 = arith.constant 1 : i32
      %add3A_149 = arith.addi %add3A_58, %add3A_148 : i32
      %lt3A = arith.constant 16 : i32
      %lt3A_150 = arith.cmpi slt, %add3A_149, %lt3A : i32
      %convert_element_type3A_151 = arith.extui %lt3A_150 : i1 to i32
      %cond3A_152 = arith.constant 0 : i32
      %cond3A_153 = arith.cmpi ne, %convert_element_type3A_151, %cond3A_152 : i32
      scf.if %cond3A_153 {
        %add3A_398 = arith.constant 1 : i32
        %add3A_399 = arith.addi %add3A_58, %add3A_398 : i32
        %mul3A_400 = arith.constant 16 : i32
        %mul3A_401 = arith.muli %add3A_399, %mul3A_400 : i32
        %add3A_402 = arith.addi %mul3A_2, %mul3A_401 : i32
        %dma_start3A_403 = arith.constant 0 : i32
        %dma_start3A_404 = arith.constant 0 : i32
        %dma_start3A_405 = tpu.memref_slice %arg2[%dma_start3A_403, %add3A_402, %dma_start3A_404] : memref<4x8192x1024xf32, #tpu.memory_space<hbm>> -> memref<1x16x1024xf32, #tpu.memory_space<hbm>>
        %dma_start3A_406 = tpu.memref_squeeze %dma_start3A_405 : memref<1x16x1024xf32, #tpu.memory_space<hbm>> -> memref<16x1024xf32, #tpu.memory_space<hbm>>
        %dma_start3A_407 = arith.constant 0 : i32
        %dma_start3A_408 = tpu.memref_slice %arg2[%dma_start3A_403, %add3A_402, %dma_start3A_407] : memref<4x8192x1024xf32, #tpu.memory_space<hbm>> -> memref<1x16x1024xf32, #tpu.memory_space<hbm>>
        %dma_start3A_409 = tpu.memref_squeeze %dma_start3A_408 : memref<1x16x1024xf32, #tpu.memory_space<hbm>> -> memref<16x1024xf32, #tpu.memory_space<hbm>>
        tpu.enqueue_dma source(%dma_start3A_409 : memref<16x1024xf32, #tpu.memory_space<hbm>>) target(%arg7 : memref<16x1024xf32, #tpu.memory_space<vmem>>) target_semaphore(%arg13 : memref<!tpu.dma_semaphore, #tpu.memory_space<semaphore_mem>>)
      } else {
      }
      %mul3A_154 = arith.constant 16 : i32
      %mul3A_155 = arith.muli %add3A_58, %mul3A_154 : i32
      %add3A_156 = arith.addi %mul3A_2, %mul3A_155 : i32
      %dma_wait3A_157 = arith.constant 2 : i32
      %dma_wait3A_158 = arith.constant 0 : i32
      %dma_wait3A_159 = tpu.memref_slice %arg2[%dma_wait3A_157, %add3A_156, %dma_wait3A_158] : memref<4x8192x1024xf32, #tpu.memory_space<hbm>> -> memref<1x16x1024xf32, #tpu.memory_space<hbm>>
      %dma_wait3A_160 = tpu.memref_squeeze %dma_wait3A_159 : memref<1x16x1024xf32, #tpu.memory_space<hbm>> -> memref<16x1024xf32, #tpu.memory_space<hbm>>
      %dma_wait3A_161 = arith.constant 0 : i32
      %dma_wait3A_162 = tpu.memref_slice %arg2[%dma_wait3A_157, %add3A_156, %dma_wait3A_161] : memref<4x8192x1024xf32, #tpu.memory_space<hbm>> -> memref<1x16x1024xf32, #tpu.memory_space<hbm>>
      %dma_wait3A_163 = tpu.memref_squeeze %dma_wait3A_162 : memref<1x16x1024xf32, #tpu.memory_space<hbm>> -> memref<16x1024xf32, #tpu.memory_space<hbm>>
      tpu.wait_dma2 semaphore(%arg15 : memref<!tpu.dma_semaphore, #tpu.memory_space<semaphore_mem>>) src(%dma_wait3A_163 : memref<16x1024xf32, #tpu.memory_space<hbm>>) dst(%arg9 : memref<16x1024xf32, #tpu.memory_space<vmem>>)
      %parallel_loop3A_164 = arith.constant 0 : i32
      %parallel_loop3A_165 = arith.constant 0 : i32
      %parallel_loop3A_166 = arith.constant 1 : i32
      scf.for %parallel_loop3A_398 = %parallel_loop3A_164 to %parallel_loop3A_165 step %parallel_loop3A_166  : i32 {
        %parallel_loop3A_399 = arith.constant 16 : i32
        %parallel_loop3A_400 = arith.muli %parallel_loop3A_398, %parallel_loop3A_399 : i32
        %parallel_loop3A_401 = arith.constant 0 : i32
        %parallel_loop3A_402 = arith.index_cast %parallel_loop3A_401 : i32 to index
        %parallel_loop3A_403 = arith.index_cast %parallel_loop3A_400 : i32 to index
        %parallel_loop3A_404 = tpu.vector_load %arg9[%parallel_loop3A_402, %parallel_loop3A_403] {strides = array<i32>} : memref<16x1024xf32, #tpu.memory_space<vmem>>, vector<1x16xf32>,
        %parallel_loop3A_405 = vector.shape_cast %parallel_loop3A_404 : vector<1x16xf32> to vector<16xf32>
        %parallel_loop3A_406 = arith.constant 0 : i32
        %parallel_loop3A_407 = arith.index_cast %parallel_loop3A_406 : i32 to index
        %parallel_loop3A_408 = arith.index_cast %parallel_loop3A_400 : i32 to index
        %parallel_loop3A_409 = tpu.vector_load %arg5[%parallel_loop3A_407, %parallel_loop3A_408] {strides = array<i32>} : memref<16x1024xf32, #tpu.memory_space<vmem>>, vector<1x16xf32>,
        %parallel_loop3A_410 = vector.shape_cast %parallel_loop3A_409 : vector<1x16xf32> to vector<16xf32>
        %parallel_loop3A_411 = arith.addf %parallel_loop3A_405, %parallel_loop3A_410 : vector<16xf32>
        %parallel_loop3A_412 = arith.constant 0 : i32
        %parallel_loop3A_413 = arith.index_cast %parallel_loop3A_412 : i32 to index
        %parallel_loop3A_414 = arith.index_cast %parallel_loop3A_400 : i32 to index
        %parallel_loop3A_415 = tpu.vector_load %arg9[%parallel_loop3A_413, %parallel_loop3A_414] {strides = array<i32>} : memref<16x1024xf32, #tpu.memory_space<vmem>>, vector<1x16xf32>,
        %parallel_loop3A_416 = vector.shape_cast %parallel_loop3A_415 : vector<1x16xf32> to vector<16xf32>
        %parallel_loop3A_417 = vector.shape_cast %parallel_loop3A_411 : vector<16xf32> to vector<1x16xf32>
        tpu.vector_store %arg9[%parallel_loop3A_413, %parallel_loop3A_414], %parallel_loop3A_417 {strides = array<i32>} : memref<16x1024xf32, #tpu.memory_space<vmem>>, vector<1x16xf32>,
        %parallel_loop3A_418 = arith.constant 1 : i32
        %parallel_loop3A_419 = arith.index_cast %parallel_loop3A_418 : i32 to index
        %parallel_loop3A_420 = arith.index_cast %parallel_loop3A_400 : i32 to index
        %parallel_loop3A_421 = tpu.vector_load %arg9[%parallel_loop3A_419, %parallel_loop3A_420] {strides = array<i32>} : memref<16x1024xf32, #tpu.memory_space<vmem>>, vector<1x16xf32>,
        %parallel_loop3A_422 = vector.shape_cast %parallel_loop3A_421 : vector<1x16xf32> to vector<16xf32>
        %parallel_loop3A_423 = arith.constant 1 : i32
        %parallel_loop3A_424 = arith.index_cast %parallel_loop3A_423 : i32 to index
        %parallel_loop3A_425 = arith.index_cast %parallel_loop3A_400 : i32 to index
        %parallel_loop3A_426 = tpu.vector_load %arg5[%parallel_loop3A_424, %parallel_loop3A_425] {strides = array<i32>} : memref<16x1024xf32, #tpu.memory_space<vmem>>, vector<1x16xf32>,
        %parallel_loop3A_427 = vector.shape_cast %parallel_loop3A_426 : vector<1x16xf32> to vector<16xf32>
        %parallel_loop3A_428 = arith.addf %parallel_loop3A_422, %parallel_loop3A_427 : vector<16xf32>
        %parallel_loop3A_429 = arith.constant 1 : i32
        %parallel_loop3A_430 = arith.index_cast %parallel_loop3A_429 : i32 to index
        %parallel_loop3A_431 = arith.index_cast %parallel_loop3A_400 : i32 to index
        %parallel_loop3A_432 = tpu.vector_load %arg9[%parallel_loop3A_430, %parallel_loop3A_431] {strides = array<i32>} : memref<16x1024xf32, #tpu.memory_space<vmem>>, vector<1x16xf32>,
        %parallel_loop3A_433 = vector.shape_cast %parallel_loop3A_432 : vector<1x16xf32> to vector<16xf32>
        %parallel_loop3A_434 = vector.shape_cast %parallel_loop3A_428 : vector<16xf32> to vector<1x16xf32>
        tpu.vector_store %arg9[%parallel_loop3A_430, %parallel_loop3A_431], %parallel_loop3A_434 {strides = array<i32>} : memref<16x1024xf32, #tpu.memory_space<vmem>>, vector<1x16xf32>,
        %parallel_loop3A_435 = arith.constant 2 : i32
        %parallel_loop3A_436 = arith.index_cast %parallel_loop3A_435 : i32 to index
        %parallel_loop3A_437 = arith.index_cast %parallel_loop3A_400 : i32 to index
        %parallel_loop3A_438 = tpu.vector_load %arg9[%parallel_loop3A_436, %parallel_loop3A_437] {strides = array<i32>} : memref<16x1024xf32, #tpu.memory_space<vmem>>, vector<1x16xf32>,
        %parallel_loop3A_439 = vector.shape_cast %parallel_loop3A_438 : vector<1x16xf32> to vector<16xf32>
        %parallel_loop3A_440 = arith.constant 2 : i32
        %parallel_loop3A_441 = arith.index_cast %parallel_loop3A_440 : i32 to index
        %parallel_loop3A_442 = arith.index_cast %parallel_loop3A_400 : i32 to index
        %parallel_loop3A_443 = tpu.vector_load %arg5[%parallel_loop3A_441, %parallel_loop3A_442] {strides = array<i32>} : memref<16x1024xf32, #tpu.memory_space<vmem>>, vector<1x16xf32>,
        %parallel_loop3A_444 = vector.shape_cast %parallel_loop3A_443 : vector<1x16xf32> to vector<16xf32>
        %parallel_loop3A_445 = arith.addf %parallel_loop3A_439, %parallel_loop3A_444 : vector<16xf32>
        %parallel_loop3A_446 = arith.constant 2 : i32
        %parallel_loop3A_447 = arith.index_cast %parallel_loop3A_446 : i32 to index
        %parallel_loop3A_448 = arith.index_cast %parallel_loop3A_400 : i32 to index
        %parallel_loop3A_449 = tpu.vector_load %arg9[%parallel_loop3A_447, %parallel_loop3A_448] {strides = array<i32>} : memref<16x1024xf32, #tpu.memory_space<vmem>>, vector<1x16xf32>,
        %parallel_loop3A_450 = vector.shape_cast %parallel_loop3A_449 : vector<1x16xf32> to vector<16xf32>
        %parallel_loop3A_451 = vector.shape_cast %parallel_loop3A_445 : vector<16xf32> to vector<1x16xf32>
        tpu.vector_store %arg9[%parallel_loop3A_447, %parallel_loop3A_448], %parallel_loop3A_451 {strides = array<i32>} : memref<16x1024xf32, #tpu.memory_space<vmem>>, vector<1x16xf32>,
        %parallel_loop3A_452 = arith.constant 3 : i32
        %parallel_loop3A_453 = arith.index_cast %parallel_loop3A_452 : i32 to index
        %parallel_loop3A_454 = arith.index_cast %parallel_loop3A_400 : i32 to index
        %parallel_loop3A_455 = tpu.vector_load %arg9[%parallel_loop3A_453, %parallel_loop3A_454] {strides = array<i32>} : memref<16x1024xf32, #tpu.memory_space<vmem>>, vector<1x16xf32>,
        %parallel_loop3A_456 = vector.shape_cast %parallel_loop3A_455 : vector<1x16xf32> to vector<16xf32>
        %parallel_loop3A_457 = arith.constant 3 : i32
        %parallel_loop3A_458 = arith.index_cast %parallel_loop3A_457 : i32 to index
        %parallel_loop3A_459 = arith.index_cast %parallel_loop3A_400 : i32 to index
        %parallel_loop3A_460 = tpu.vector_load %arg5[%parallel_loop3A_458, %parallel_loop3A_459] {strides = array<i32>} : memref<16x1024xf32, #tpu.memory_space<vmem>>, vector<1x16xf32>,
        %parallel_loop3A_461 = vector.shape_cast %parallel_loop3A_460 : vector<1x16xf32> to vector<16xf32>
        %parallel_loop3A_462 = arith.addf %parallel_loop3A_456, %parallel_loop3A_461 : vector<16xf32>
        %parallel_loop3A_463 = arith.constant 3 : i32
        %parallel_loop3A_464 = arith.index_cast %parallel_loop3A_463 : i32 to index
        %parallel_loop3A_465 = arith.index_cast %parallel_loop3A_400 : i32 to index
        %parallel_loop3A_466 = tpu.vector_load %arg9[%parallel_loop3A_464, %parallel_loop3A_465] {strides = array<i32>} : memref<16x1024xf32, #tpu.memory_space<vmem>>, vector<1x16xf32>,
        %parallel_loop3A_467 = vector.shape_cast %parallel_loop3A_466 : vector<1x16xf32> to vector<16xf32>
        %parallel_loop3A_468 = vector.shape_cast %parallel_loop3A_462 : vector<16xf32> to vector<1x16xf32>
        tpu.vector_store %arg9[%parallel_loop3A_464, %parallel_loop3A_465], %parallel_loop3A_468 {strides = array<i32>} : memref<16x1024xf32, #tpu.memory_space<vmem>>, vector<1x16xf32>,
        %parallel_loop3A_469 = arith.constant 4 : i32
        %parallel_loop3A_470 = arith.index_cast %parallel_loop3A_469 : i32 to index
        %parallel_loop3A_471 = arith.index_cast %parallel_loop3A_400 : i32 to index
        %parallel_loop3A_472 = tpu.vector_load %arg9[%parallel_loop3A_470, %parallel_loop3A_471] {strides = array<i32>} : memref<16x1024xf32, #tpu.memory_space<vmem>>, vector<1x16xf32>,
        %parallel_loop3A_473 = vector.shape_cast %parallel_loop3A_472 : vector<1x16xf32> to vector<16xf32>
        %parallel_loop3A_474 = arith.constant 4 : i32
        %parallel_loop3A_475 = arith.index_cast %parallel_loop3A_474 : i32 to index
        %parallel_loop3A_476 = arith.index_cast %parallel_loop3A_400 : i32 to index
        %parallel_loop3A_477 = tpu.vector_load %arg5[%parallel_loop3A_475, %parallel_loop3A_476] {strides = array<i32>} : memref<16x1024xf32, #tpu.memory_space<vmem>>, vector<1x16xf32>,
        %parallel_loop3A_478 = vector.shape_cast %parallel_loop3A_477 : vector<1x16xf32> to vector<16xf32>
        %parallel_loop3A_479 = arith.addf %parallel_loop3A_473, %parallel_loop3A_478 : vector<16xf32>
        %parallel_loop3A_480 = arith.constant 4 : i32
        %parallel_loop3A_481 = arith.index_cast %parallel_loop3A_480 : i32 to index
        %parallel_loop3A_482 = arith.index_cast %parallel_loop3A_400 : i32 to index
        %parallel_loop3A_483 = tpu.vector_load %arg9[%parallel_loop3A_481, %parallel_loop3A_482] {strides = array<i32>} : memref<16x1024xf32, #tpu.memory_space<vmem>>, vector<1x16xf32>,
        %parallel_loop3A_484 = vector.shape_cast %parallel_loop3A_483 : vector<1x16xf32> to vector<16xf32>
        %parallel_loop3A_485 = vector.shape_cast %parallel_loop3A_479 : vector<16xf32> to vector<1x16xf32>
        tpu.vector_store %arg9[%parallel_loop3A_481, %parallel_loop3A_482], %parallel_loop3A_485 {strides = array<i32>} : memref<16x1024xf32, #tpu.memory_space<vmem>>, vector<1x16xf32>,
        %parallel_loop3A_486 = arith.constant 5 : i32
        %parallel_loop3A_487 = arith.index_cast %parallel_loop3A_486 : i32 to index
        %parallel_loop3A_488 = arith.index_cast %parallel_loop3A_400 : i32 to index
        %parallel_loop3A_489 = tpu.vector_load %arg9[%parallel_loop3A_487, %parallel_loop3A_488] {strides = array<i32>} : memref<16x1024xf32, #tpu.memory_space<vmem>>, vector<1x16xf32>,
        %parallel_loop3A_490 = vector.shape_cast %parallel_loop3A_489 : vector<1x16xf32> to vector<16xf32>
        %parallel_loop3A_491 = arith.constant 5 : i32
        %parallel_loop3A_492 = arith.index_cast %parallel_loop3A_491 : i32 to index
        %parallel_loop3A_493 = arith.index_cast %parallel_loop3A_400 : i32 to index
        %parallel_loop3A_494 = tpu.vector_load %arg5[%parallel_loop3A_492, %parallel_loop3A_493] {strides = array<i32>} : memref<16x1024xf32, #tpu.memory_space<vmem>>, vector<1x16xf32>,
        %parallel_loop3A_495 = vector.shape_cast %parallel_loop3A_494 : vector<1x16xf32> to vector<16xf32>
        %parallel_loop3A_496 = arith.addf %parallel_loop3A_490, %parallel_loop3A_495 : vector<16xf32>
        %parallel_loop3A_497 = arith.constant 5 : i32
        %parallel_loop3A_498 = arith.index_cast %parallel_loop3A_497 : i32 to index
        %parallel_loop3A_499 = arith.index_cast %parallel_loop3A_400 : i32 to index
        %parallel_loop3A_500 = tpu.vector_load %arg9[%parallel_loop3A_498, %parallel_loop3A_499] {strides = array<i32>} : memref<16x1024xf32, #tpu.memory_space<vmem>>, vector<1x16xf32>,
        %parallel_loop3A_501 = vector.shape_cast %parallel_loop3A_500 : vector<1x16xf32> to vector<16xf32>
        %parallel_loop3A_502 = vector.shape_cast %parallel_loop3A_496 : vector<16xf32> to vector<1x16xf32>
        tpu.vector_store %arg9[%parallel_loop3A_498, %parallel_loop3A_499], %parallel_loop3A_502 {strides = array<i32>} : memref<16x1024xf32, #tpu.memory_space<vmem>>, vector<1x16xf32>,
        %parallel_loop3A_503 = arith.constant 6 : i32
        %parallel_loop3A_504 = arith.index_cast %parallel_loop3A_503 : i32 to index
        %parallel_loop3A_505 = arith.index_cast %parallel_loop3A_400 : i32 to index
        %parallel_loop3A_506 = tpu.vector_load %arg9[%parallel_loop3A_504, %parallel_loop3A_505] {strides = array<i32>} : memref<16x1024xf32, #tpu.memory_space<vmem>>, vector<1x16xf32>,
        %parallel_loop3A_507 = vector.shape_cast %parallel_loop3A_506 : vector<1x16xf32> to vector<16xf32>
        %parallel_loop3A_508 = arith.constant 6 : i32
        %parallel_loop3A_509 = arith.index_cast %parallel_loop3A_508 : i32 to index
        %parallel_loop3A_510 = arith.index_cast %parallel_loop3A_400 : i32 to index
        %parallel_loop3A_511 = tpu.vector_load %arg5[%parallel_loop3A_509, %parallel_loop3A_510] {strides = array<i32>} : memref<16x1024xf32, #tpu.memory_space<vmem>>, vector<1x16xf32>,
        %parallel_loop3A_512 = vector.shape_cast %parallel_loop3A_511 : vector<1x16xf32> to vector<16xf32>
        %parallel_loop3A_513 = arith.addf %parallel_loop3A_507, %parallel_loop3A_512 : vector<16xf32>
        %parallel_loop3A_514 = arith.constant 6 : i32
        %parallel_loop3A_515 = arith.index_cast %parallel_loop3A_514 : i32 to index
        %parallel_loop3A_516 = arith.index_cast %parallel_loop3A_400 : i32 to index
        %parallel_loop3A_517 = tpu.vector_load %arg9[%parallel_loop3A_515, %parallel_loop3A_516] {strides = array<i32>} : memref<16x1024xf32, #tpu.memory_space<vmem>>, vector<1x16xf32>,
        %parallel_loop3A_518 = vector.shape_cast %parallel_loop3A_517 : vector<1x16xf32> to vector<16xf32>
        %parallel_loop3A_519 = vector.shape_cast %parallel_loop3A_513 : vector<16xf32> to vector<1x16xf32>
        tpu.vector_store %arg9[%parallel_loop3A_515, %parallel_loop3A_516], %parallel_loop3A_519 {strides = array<i32>} : memref<16x1024xf32, #tpu.memory_space<vmem>>, vector<1x16xf32>,
        %parallel_loop3A_520 = arith.constant 7 : i32
        %parallel_loop3A_521 = arith.index_cast %parallel_loop3A_520 : i32 to index
        %parallel_loop3A_522 = arith.index_cast %parallel_loop3A_400 : i32 to index
        %parallel_loop3A_523 = tpu.vector_load %arg9[%parallel_loop3A_521, %parallel_loop3A_522] {strides = array<i32>} : memref<16x1024xf32, #tpu.memory_space<vmem>>, vector<1x16xf32>,
        %parallel_loop3A_524 = vector.shape_cast %parallel_loop3A_523 : vector<1x16xf32> to vector<16xf32>
        %parallel_loop3A_525 = arith.constant 7 : i32
        %parallel_loop3A_526 = arith.index_cast %parallel_loop3A_525 : i32 to index
        %parallel_loop3A_527 = arith.index_cast %parallel_loop3A_400 : i32 to index
        %parallel_loop3A_528 = tpu.vector_load %arg5[%parallel_loop3A_526, %parallel_loop3A_527] {strides = array<i32>} : memref<16x1024xf32, #tpu.memory_space<vmem>>, vector<1x16xf32>,
        %parallel_loop3A_529 = vector.shape_cast %parallel_loop3A_528 : vector<1x16xf32> to vector<16xf32>
        %parallel_loop3A_530 = arith.addf %parallel_loop3A_524, %parallel_loop3A_529 : vector<16xf32>
        %parallel_loop3A_531 = arith.constant 7 : i32
        %parallel_loop3A_532 = arith.index_cast %parallel_loop3A_531 : i32 to index
        %parallel_loop3A_533 = arith.index_cast %parallel_loop3A_400 : i32 to index
        %parallel_loop3A_534 = tpu.vector_load %arg9[%parallel_loop3A_532, %parallel_loop3A_533] {strides = array<i32>} : memref<16x1024xf32, #tpu.memory_space<vmem>>, vector<1x16xf32>,
        %parallel_loop3A_535 = vector.shape_cast %parallel_loop3A_534 : vector<1x16xf32> to vector<16xf32>
        %parallel_loop3A_536 = vector.shape_cast %parallel_loop3A_530 : vector<16xf32> to vector<1x16xf32>
        tpu.vector_store %arg9[%parallel_loop3A_532, %parallel_loop3A_533], %parallel_loop3A_536 {strides = array<i32>} : memref<16x1024xf32, #tpu.memory_space<vmem>>, vector<1x16xf32>,
        %parallel_loop3A_537 = arith.constant 8 : i32
        %parallel_loop3A_538 = arith.index_cast %parallel_loop3A_537 : i32 to index
        %parallel_loop3A_539 = arith.index_cast %parallel_loop3A_400 : i32 to index
        %parallel_loop3A_540 = tpu.vector_load %arg9[%parallel_loop3A_538, %parallel_loop3A_539] {strides = array<i32>} : memref<16x1024xf32, #tpu.memory_space<vmem>>, vector<1x16xf32>,
        %parallel_loop3A_541 = vector.shape_cast %parallel_loop3A_540 : vector<1x16xf32> to vector<16xf32>
        %parallel_loop3A_542 = arith.constant 8 : i32
        %parallel_loop3A_543 = arith.index_cast %parallel_loop3A_542 : i32 to index
        %parallel_loop3A_544 = arith.index_cast %parallel_loop3A_400 : i32 to index
        %parallel_loop3A_545 = tpu.vector_load %arg5[%parallel_loop3A_543, %parallel_loop3A_544] {strides = array<i32>} : memref<16x1024xf32, #tpu.memory_space<vmem>>, vector<1x16xf32>,
        %parallel_loop3A_546 = vector.shape_cast %parallel_loop3A_545 : vector<1x16xf32> to vector<16xf32>
        %parallel_loop3A_547 = arith.addf %parallel_loop3A_541, %parallel_loop3A_546 : vector<16xf32>
        %parallel_loop3A_548 = arith.constant 8 : i32
        %parallel_loop3A_549 = arith.index_cast %parallel_loop3A_548 : i32 to index
        %parallel_loop3A_550 = arith.index_cast %parallel_loop3A_400 : i32 to index
        %parallel_loop3A_551 = tpu.vector_load %arg9[%parallel_loop3A_549, %parallel_loop3A_550] {strides = array<i32>} : memref<16x1024xf32, #tpu.memory_space<vmem>>, vector<1x16xf32>,
        %parallel_loop3A_552 = vector.shape_cast %parallel_loop3A_551 : vector<1x16xf32> to vector<16xf32>
        %parallel_loop3A_553 = vector.shape_cast %parallel_loop3A_547 : vector<16xf32> to vector<1x16xf32>
        tpu.vector_store %arg9[%parallel_loop3A_549, %parallel_loop3A_550], %parallel_loop3A_553 {strides = array<i32>} : memref<16x1024xf32, #tpu.memory_space<vmem>>, vector<1x16xf32>,
        %parallel_loop3A_554 = arith.constant 9 : i32
        %parallel_loop3A_555 = arith.index_cast %parallel_loop3A_554 : i32 to index
        %parallel_loop3A_556 = arith.index_cast %parallel_loop3A_400 : i32 to index
        %parallel_loop3A_557 = tpu.vector_load %arg9[%parallel_loop3A_555, %parallel_loop3A_556] {strides = array<i32>} : memref<16x1024xf32, #tpu.memory_space<vmem>>, vector<1x16xf32>,
        %parallel_loop3A_558 = vector.shape_cast %parallel_loop3A_557 : vector<1x16xf32> to vector<16xf32>
        %parallel_loop3A_559 = arith.constant 9 : i32
        %parallel_loop3A_560 = arith.index_cast %parallel_loop3A_559 : i32 to index
        %parallel_loop3A_561 = arith.index_cast %parallel_loop3A_400 : i32 to index
        %parallel_loop3A_562 = tpu.vector_load %arg5[%parallel_loop3A_560, %parallel_loop3A_561] {strides = array<i32>} : memref<16x1024xf32, #tpu.memory_space<vmem>>, vector<1x16xf32>,
        %parallel_loop3A_563 = vector.shape_cast %parallel_loop3A_562 : vector<1x16xf32> to vector<16xf32>
        %parallel_loop3A_564 = arith.addf %parallel_loop3A_558, %parallel_loop3A_563 : vector<16xf32>
        %parallel_loop3A_565 = arith.constant 9 : i32
        %parallel_loop3A_566 = arith.index_cast %parallel_loop3A_565 : i32 to index
        %parallel_loop3A_567 = arith.index_cast %parallel_loop3A_400 : i32 to index
        %parallel_loop3A_568 = tpu.vector_load %arg9[%parallel_loop3A_566, %parallel_loop3A_567] {strides = array<i32>} : memref<16x1024xf32, #tpu.memory_space<vmem>>, vector<1x16xf32>,
        %parallel_loop3A_569 = vector.shape_cast %parallel_loop3A_568 : vector<1x16xf32> to vector<16xf32>
        %parallel_loop3A_570 = vector.shape_cast %parallel_loop3A_564 : vector<16xf32> to vector<1x16xf32>
        tpu.vector_store %arg9[%parallel_loop3A_566, %parallel_loop3A_567], %parallel_loop3A_570 {strides = array<i32>} : memref<16x1024xf32, #tpu.memory_space<vmem>>, vector<1x16xf32>,
        %parallel_loop3A_571 = arith.constant 10 : i32
        %parallel_loop3A_572 = arith.index_cast %parallel_loop3A_571 : i32 to index
        %parallel_loop3A_573 = arith.index_cast %parallel_loop3A_400 : i32 to index
        %parallel_loop3A_574 = tpu.vector_load %arg9[%parallel_loop3A_572, %parallel_loop3A_573] {strides = array<i32>} : memref<16x1024xf32, #tpu.memory_space<vmem>>, vector<1x16xf32>,
        %parallel_loop3A_575 = vector.shape_cast %parallel_loop3A_574 : vector<1x16xf32> to vector<16xf32>
        %parallel_loop3A_576 = arith.constant 10 : i32
        %parallel_loop3A_577 = arith.index_cast %parallel_loop3A_576 : i32 to index
        %parallel_loop3A_578 = arith.index_cast %parallel_loop3A_400 : i32 to index
        %parallel_loop3A_579 = tpu.vector_load %arg5[%parallel_loop3A_577, %parallel_loop3A_578] {strides = array<i32>} : memref<16x1024xf32, #tpu.memory_space<vmem>>, vector<1x16xf32>,
        %parallel_loop3A_580 = vector.shape_cast %parallel_loop3A_579 : vector<1x16xf32> to vector<16xf32>
        %parallel_loop3A_581 = arith.addf %parallel_loop3A_575, %parallel_loop3A_580 : vector<16xf32>
        %parallel_loop3A_582 = arith.constant 10 : i32
        %parallel_loop3A_583 = arith.index_cast %parallel_loop3A_582 : i32 to index
        %parallel_loop3A_584 = arith.index_cast %parallel_loop3A_400 : i32 to index
        %parallel_loop3A_585 = tpu.vector_load %arg9[%parallel_loop3A_583, %parallel_loop3A_584] {strides = array<i32>} : memref<16x1024xf32, #tpu.memory_space<vmem>>, vector<1x16xf32>,
        %parallel_loop3A_586 = vector.shape_cast %parallel_loop3A_585 : vector<1x16xf32> to vector<16xf32>
        %parallel_loop3A_587 = vector.shape_cast %parallel_loop3A_581 : vector<16xf32> to vector<1x16xf32>
        tpu.vector_store %arg9[%parallel_loop3A_583, %parallel_loop3A_584], %parallel_loop3A_587 {strides = array<i32>} : memref<16x1024xf32, #tpu.memory_space<vmem>>, vector<1x16xf32>,
        %parallel_loop3A_588 = arith.constant 11 : i32
        %parallel_loop3A_589 = arith.index_cast %parallel_loop3A_588 : i32 to index
        %parallel_loop3A_590 = arith.index_cast %parallel_loop3A_400 : i32 to index
        %parallel_loop3A_591 = tpu.vector_load %arg9[%parallel_loop3A_589, %parallel_loop3A_590] {strides = array<i32>} : memref<16x1024xf32, #tpu.memory_space<vmem>>, vector<1x16xf32>,
        %parallel_loop3A_592 = vector.shape_cast %parallel_loop3A_591 : vector<1x16xf32> to vector<16xf32>
        %parallel_loop3A_593 = arith.constant 11 : i32
        %parallel_loop3A_594 = arith.index_cast %parallel_loop3A_593 : i32 to index
        %parallel_loop3A_595 = arith.index_cast %parallel_loop3A_400 : i32 to index
        %parallel_loop3A_596 = tpu.vector_load %arg5[%parallel_loop3A_594, %parallel_loop3A_595] {strides = array<i32>} : memref<16x1024xf32, #tpu.memory_space<vmem>>, vector<1x16xf32>,
        %parallel_loop3A_597 = vector.shape_cast %parallel_loop3A_596 : vector<1x16xf32> to vector<16xf32>
        %parallel_loop3A_598 = arith.addf %parallel_loop3A_592, %parallel_loop3A_597 : vector<16xf32>
        %parallel_loop3A_599 = arith.constant 11 : i32
        %parallel_loop3A_600 = arith.index_cast %parallel_loop3A_599 : i32 to index
        %parallel_loop3A_601 = arith.index_cast %parallel_loop3A_400 : i32 to index
        %parallel_loop3A_602 = tpu.vector_load %arg9[%parallel_loop3A_600, %parallel_loop3A_601] {strides = array<i32>} : memref<16x1024xf32, #tpu.memory_space<vmem>>, vector<1x16xf32>,
        %parallel_loop3A_603 = vector.shape_cast %parallel_loop3A_602 : vector<1x16xf32> to vector<16xf32>
        %parallel_loop3A_604 = vector.shape_cast %parallel_loop3A_598 : vector<16xf32> to vector<1x16xf32>
        tpu.vector_store %arg9[%parallel_loop3A_600, %parallel_loop3A_601], %parallel_loop3A_604 {strides = array<i32>} : memref<16x1024xf32, #tpu.memory_space<vmem>>, vector<1x16xf32>,
        %parallel_loop3A_605 = arith.constant 12 : i32
        %parallel_loop3A_606 = arith.index_cast %parallel_loop3A_605 : i32 to index
        %parallel_loop3A_607 = arith.index_cast %parallel_loop3A_400 : i32 to index
        %parallel_loop3A_608 = tpu.vector_load %arg9[%parallel_loop3A_606, %parallel_loop3A_607] {strides = array<i32>} : memref<16x1024xf32, #tpu.memory_space<vmem>>, vector<1x16xf32>,
        %parallel_loop3A_609 = vector.shape_cast %parallel_loop3A_608 : vector<1x16xf32> to vector<16xf32>
        %parallel_loop3A_610 = arith.constant 12 : i32
        %parallel_loop3A_611 = arith.index_cast %parallel_loop3A_610 : i32 to index
        %parallel_loop3A_612 = arith.index_cast %parallel_loop3A_400 : i32 to index
        %parallel_loop3A_613 = tpu.vector_load %arg5[%parallel_loop3A_611, %parallel_loop3A_612] {strides = array<i32>} : memref<16x1024xf32, #tpu.memory_space<vmem>>, vector<1x16xf32>,
        %parallel_loop3A_614 = vector.shape_cast %parallel_loop3A_613 : vector<1x16xf32> to vector<16xf32>
        %parallel_loop3A_615 = arith.addf %parallel_loop3A_609, %parallel_loop3A_614 : vector<16xf32>
        %parallel_loop3A_616 = arith.constant 12 : i32
        %parallel_loop3A_617 = arith.index_cast %parallel_loop3A_616 : i32 to index
        %parallel_loop3A_618 = arith.index_cast %parallel_loop3A_400 : i32 to index
        %parallel_loop3A_619 = tpu.vector_load %arg9[%parallel_loop3A_617, %parallel_loop3A_618] {strides = array<i32>} : memref<16x1024xf32, #tpu.memory_space<vmem>>, vector<1x16xf32>,
        %parallel_loop3A_620 = vector.shape_cast %parallel_loop3A_619 : vector<1x16xf32> to vector<16xf32>
        %parallel_loop3A_621 = vector.shape_cast %parallel_loop3A_615 : vector<16xf32> to vector<1x16xf32>
        tpu.vector_store %arg9[%parallel_loop3A_617, %parallel_loop3A_618], %parallel_loop3A_621 {strides = array<i32>} : memref<16x1024xf32, #tpu.memory_space<vmem>>, vector<1x16xf32>,
        %parallel_loop3A_622 = arith.constant 13 : i32
        %parallel_loop3A_623 = arith.index_cast %parallel_loop3A_622 : i32 to index
        %parallel_loop3A_624 = arith.index_cast %parallel_loop3A_400 : i32 to index
        %parallel_loop3A_625 = tpu.vector_load %arg9[%parallel_loop3A_623, %parallel_loop3A_624] {strides = array<i32>} : memref<16x1024xf32, #tpu.memory_space<vmem>>, vector<1x16xf32>,
        %parallel_loop3A_626 = vector.shape_cast %parallel_loop3A_625 : vector<1x16xf32> to vector<16xf32>
        %parallel_loop3A_627 = arith.constant 13 : i32
        %parallel_loop3A_628 = arith.index_cast %parallel_loop3A_627 : i32 to index
        %parallel_loop3A_629 = arith.index_cast %parallel_loop3A_400 : i32 to index
        %parallel_loop3A_630 = tpu.vector_load %arg5[%parallel_loop3A_628, %parallel_loop3A_629] {strides = array<i32>} : memref<16x1024xf32, #tpu.memory_space<vmem>>, vector<1x16xf32>,
        %parallel_loop3A_631 = vector.shape_cast %parallel_loop3A_630 : vector<1x16xf32> to vector<16xf32>
        %parallel_loop3A_632 = arith.addf %parallel_loop3A_626, %parallel_loop3A_631 : vector<16xf32>
        %parallel_loop3A_633 = arith.constant 13 : i32
        %parallel_loop3A_634 = arith.index_cast %parallel_loop3A_633 : i32 to index
        %parallel_loop3A_635 = arith.index_cast %parallel_loop3A_400 : i32 to index
        %parallel_loop3A_636 = tpu.vector_load %arg9[%parallel_loop3A_634, %parallel_loop3A_635] {strides = array<i32>} : memref<16x1024xf32, #tpu.memory_space<vmem>>, vector<1x16xf32>,
        %parallel_loop3A_637 = vector.shape_cast %parallel_loop3A_636 : vector<1x16xf32> to vector<16xf32>
        %parallel_loop3A_638 = vector.shape_cast %parallel_loop3A_632 : vector<16xf32> to vector<1x16xf32>
        tpu.vector_store %arg9[%parallel_loop3A_634, %parallel_loop3A_635], %parallel_loop3A_638 {strides = array<i32>} : memref<16x1024xf32, #tpu.memory_space<vmem>>, vector<1x16xf32>,
        %parallel_loop3A_639 = arith.constant 14 : i32
        %parallel_loop3A_640 = arith.index_cast %parallel_loop3A_639 : i32 to index
        %parallel_loop3A_641 = arith.index_cast %parallel_loop3A_400 : i32 to index
        %parallel_loop3A_642 = tpu.vector_load %arg9[%parallel_loop3A_640, %parallel_loop3A_641] {strides = array<i32>} : memref<16x1024xf32, #tpu.memory_space<vmem>>, vector<1x16xf32>,
        %parallel_loop3A_643 = vector.shape_cast %parallel_loop3A_642 : vector<1x16xf32> to vector<16xf32>
        %parallel_loop3A_644 = arith.constant 14 : i32
        %parallel_loop3A_645 = arith.index_cast %parallel_loop3A_644 : i32 to index
        %parallel_loop3A_646 = arith.index_cast %parallel_loop3A_400 : i32 to index
        %parallel_loop3A_647 = tpu.vector_load %arg5[%parallel_loop3A_645, %parallel_loop3A_646] {strides = array<i32>} : memref<16x1024xf32, #tpu.memory_space<vmem>>, vector<1x16xf32>,
        %parallel_loop3A_648 = vector.shape_cast %parallel_loop3A_647 : vector<1x16xf32> to vector<16xf32>
        %parallel_loop3A_649 = arith.addf %parallel_loop3A_643, %parallel_loop3A_648 : vector<16xf32>
        %parallel_loop3A_650 = arith.constant 14 : i32
        %parallel_loop3A_651 = arith.index_cast %parallel_loop3A_650 : i32 to index
        %parallel_loop3A_652 = arith.index_cast %parallel_loop3A_400 : i32 to index
        %parallel_loop3A_653 = tpu.vector_load %arg9[%parallel_loop3A_651, %parallel_loop3A_652] {strides = array<i32>} : memref<16x1024xf32, #tpu.memory_space<vmem>>, vector<1x16xf32>,
        %parallel_loop3A_654 = vector.shape_cast %parallel_loop3A_653 : vector<1x16xf32> to vector<16xf32>
        %parallel_loop3A_655 = vector.shape_cast %parallel_loop3A_649 : vector<16xf32> to vector<1x16xf32>
        tpu.vector_store %arg9[%parallel_loop3A_651, %parallel_loop3A_652], %parallel_loop3A_655 {strides = array<i32>} : memref<16x1024xf32, #tpu.memory_space<vmem>>, vector<1x16xf32>,
        %parallel_loop3A_656 = arith.constant 15 : i32
        %parallel_loop3A_657 = arith.index_cast %parallel_loop3A_656 : i32 to index
        %parallel_loop3A_658 = arith.index_cast %parallel_loop3A_400 : i32 to index
        %parallel_loop3A_659 = tpu.vector_load %arg9[%parallel_loop3A_657, %parallel_loop3A_658] {strides = array<i32>} : memref<16x1024xf32, #tpu.memory_space<vmem>>, vector<1x16xf32>,
        %parallel_loop3A_660 = vector.shape_cast %parallel_loop3A_659 : vector<1x16xf32> to vector<16xf32>
        %parallel_loop3A_661 = arith.constant 15 : i32
        %parallel_loop3A_662 = arith.index_cast %parallel_loop3A_661 : i32 to index
        %parallel_loop3A_663 = arith.index_cast %parallel_loop3A_400 : i32 to index
        %parallel_loop3A_664 = tpu.vector_load %arg5[%parallel_loop3A_662, %parallel_loop3A_663] {strides = array<i32>} : memref<16x1024xf32, #tpu.memory_space<vmem>>, vector<1x16xf32>,
        %parallel_loop3A_665 = vector.shape_cast %parallel_loop3A_664 : vector<1x16xf32> to vector<16xf32>
        %parallel_loop3A_666 = arith.addf %parallel_loop3A_660, %parallel_loop3A_665 : vector<16xf32>
        %parallel_loop3A_667 = arith.constant 15 : i32
        %parallel_loop3A_668 = arith.index_cast %parallel_loop3A_667 : i32 to index
        %parallel_loop3A_669 = arith.index_cast %parallel_loop3A_400 : i32 to index
        %parallel_loop3A_670 = tpu.vector_load %arg9[%parallel_loop3A_668, %parallel_loop3A_669] {strides = array<i32>} : memref<16x1024xf32, #tpu.memory_space<vmem>>, vector<1x16xf32>,
        %parallel_loop3A_671 = vector.shape_cast %parallel_loop3A_670 : vector<1x16xf32> to vector<16xf32>
        %parallel_loop3A_672 = vector.shape_cast %parallel_loop3A_666 : vector<16xf32> to vector<1x16xf32>
        tpu.vector_store %arg9[%parallel_loop3A_668, %parallel_loop3A_669], %parallel_loop3A_672 {strides = array<i32>} : memref<16x1024xf32, #tpu.memory_space<vmem>>, vector<1x16xf32>,
      } {sc.loop_unroll_factor = 4 : i64, sc.parallel_access}
      %mul3A_167 = arith.constant 16 : i32
      %mul3A_168 = arith.muli %add3A_58, %mul3A_167 : i32
      %add3A_169 = arith.addi %mul3A_2, %mul3A_168 : i32
      %dma_start3A_170 = arith.constant 2 : i32
      %dma_start3A_171 = arith.constant 0 : i32
      %dma_start3A_172 = tpu.memref_slice %arg4[%dma_start3A_170, %add3A_169, %dma_start3A_171] : memref<4x8192x1024xf32, #tpu.memory_space<hbm>> -> memref<1x16x1024xf32, #tpu.memory_space<hbm>>
      %dma_start3A_173 = tpu.memref_squeeze %dma_start3A_172 : memref<1x16x1024xf32, #tpu.memory_space<hbm>> -> memref<16x1024xf32, #tpu.memory_space<hbm>>
      %dma_start3A_174 = arith.constant 0 : i32
      %dma_start3A_175 = tpu.memref_slice %arg4[%dma_start3A_170, %add3A_169, %dma_start3A_174] : memref<4x8192x1024xf32, #tpu.memory_space<hbm>> -> memref<1x16x1024xf32, #tpu.memory_space<hbm>>
      %dma_start3A_176 = tpu.memref_squeeze %dma_start3A_175 : memref<1x16x1024xf32, #tpu.memory_space<hbm>> -> memref<16x1024xf32, #tpu.memory_space<hbm>>
      tpu.enqueue_dma source(%arg9 : memref<16x1024xf32, #tpu.memory_space<vmem>>) target(%dma_start3A_176 : memref<16x1024xf32, #tpu.memory_space<hbm>>) target_semaphore(%arg19 : memref<!tpu.dma_semaphore, #tpu.memory_space<semaphore_mem>>)
      %mul3A_177 = arith.constant 16 : i32
      %mul3A_178 = arith.muli %add3A_58, %mul3A_177 : i32
      %add3A_179 = arith.addi %mul3A_2, %mul3A_178 : i32
      %dma_wait3A_180 = arith.constant 1 : i32
      %dma_wait3A_181 = arith.constant 0 : i32
      %dma_wait3A_182 = tpu.memref_slice %arg4[%dma_wait3A_180, %add3A_179, %dma_wait3A_181] : memref<4x8192x1024xf32, #tpu.memory_space<hbm>> -> memref<1x16x1024xf32, #tpu.memory_space<hbm>>
      %dma_wait3A_183 = tpu.memref_squeeze %dma_wait3A_182 : memref<1x16x1024xf32, #tpu.memory_space<hbm>> -> memref<16x1024xf32, #tpu.memory_space<hbm>>
      %dma_wait3A_184 = arith.constant 0 : i32
      %dma_wait3A_185 = tpu.memref_slice %arg4[%dma_wait3A_180, %add3A_179, %dma_wait3A_184] : memref<4x8192x1024xf32, #tpu.memory_space<hbm>> -> memref<1x16x1024xf32, #tpu.memory_space<hbm>>
      %dma_wait3A_186 = tpu.memref_squeeze %dma_wait3A_185 : memref<1x16x1024xf32, #tpu.memory_space<hbm>> -> memref<16x1024xf32, #tpu.memory_space<hbm>>
      tpu.wait_dma2 semaphore(%arg18 : memref<!tpu.dma_semaphore, #tpu.memory_space<semaphore_mem>>) src(%arg8 : memref<16x1024xf32, #tpu.memory_space<vmem>>) dst(%dma_wait3A_186 : memref<16x1024xf32, #tpu.memory_space<hbm>>)
      %add3A_187 = arith.constant 1 : i32
      %add3A_188 = arith.addi %add3A_58, %add3A_187 : i32
      %lt3A_189 = arith.constant 16 : i32
      %lt3A_190 = arith.cmpi slt, %add3A_188, %lt3A_189 : i32
      %convert_element_type3A_191 = arith.extui %lt3A_190 : i1 to i32
      %cond3A_192 = arith.constant 0 : i32
      %cond3A_193 = arith.cmpi ne, %convert_element_type3A_191, %cond3A_192 : i32
      scf.if %cond3A_193 {
        %add3A_398 = arith.constant 1 : i32
        %add3A_399 = arith.addi %add3A_58, %add3A_398 : i32
        %mul3A_400 = arith.constant 16 : i32
        %mul3A_401 = arith.muli %add3A_399, %mul3A_400 : i32
        %add3A_402 = arith.addi %mul3A_2, %mul3A_401 : i32
        %dma_start3A_403 = arith.constant 1 : i32
        %dma_start3A_404 = arith.constant 0 : i32
        %dma_start3A_405 = tpu.memref_slice %arg2[%dma_start3A_403, %add3A_402, %dma_start3A_404] : memref<4x8192x1024xf32, #tpu.memory_space<hbm>> -> memref<1x16x1024xf32, #tpu.memory_space<hbm>>
        %dma_start3A_406 = tpu.memref_squeeze %dma_start3A_405 : memref<1x16x1024xf32, #tpu.memory_space<hbm>> -> memref<16x1024xf32, #tpu.memory_space<hbm>>
        %dma_start3A_407 = arith.constant 0 : i32
        %dma_start3A_408 = tpu.memref_slice %arg2[%dma_start3A_403, %add3A_402, %dma_start3A_407] : memref<4x8192x1024xf32, #tpu.memory_space<hbm>> -> memref<1x16x1024xf32, #tpu.memory_space<hbm>>
        %dma_start3A_409 = tpu.memref_squeeze %dma_start3A_408 : memref<1x16x1024xf32, #tpu.memory_space<hbm>> -> memref<16x1024xf32, #tpu.memory_space<hbm>>
        tpu.enqueue_dma source(%dma_start3A_409 : memref<16x1024xf32, #tpu.memory_space<hbm>>) target(%arg8 : memref<16x1024xf32, #tpu.memory_space<vmem>>) target_semaphore(%arg14 : memref<!tpu.dma_semaphore, #tpu.memory_space<semaphore_mem>>)
      } else {
      }
      %mul3A_194 = arith.constant 16 : i32
      %mul3A_195 = arith.muli %add3A_58, %mul3A_194 : i32
      %add3A_196 = arith.addi %mul3A_2, %mul3A_195 : i32
      %dma_wait3A_197 = arith.constant 3 : i32
      %dma_wait3A_198 = arith.constant 0 : i32
      %dma_wait3A_199 = tpu.memref_slice %arg2[%dma_wait3A_197, %add3A_196, %dma_wait3A_198] : memref<4x8192x1024xf32, #tpu.memory_space<hbm>> -> memref<1x16x1024xf32, #tpu.memory_space<hbm>>
      %dma_wait3A_200 = tpu.memref_squeeze %dma_wait3A_199 : memref<1x16x1024xf32, #tpu.memory_space<hbm>> -> memref<16x1024xf32, #tpu.memory_space<hbm>>
      %dma_wait3A_201 = arith.constant 0 : i32
      %dma_wait3A_202 = tpu.memref_slice %arg2[%dma_wait3A_197, %add3A_196, %dma_wait3A_201] : memref<4x8192x1024xf32, #tpu.memory_space<hbm>> -> memref<1x16x1024xf32, #tpu.memory_space<hbm>>
      %dma_wait3A_203 = tpu.memref_squeeze %dma_wait3A_202 : memref<1x16x1024xf32, #tpu.memory_space<hbm>> -> memref<16x1024xf32, #tpu.memory_space<hbm>>
      tpu.wait_dma2 semaphore(%arg16 : memref<!tpu.dma_semaphore, #tpu.memory_space<semaphore_mem>>) src(%dma_wait3A_203 : memref<16x1024xf32, #tpu.memory_space<hbm>>) dst(%arg10 : memref<16x1024xf32, #tpu.memory_space<vmem>>)
      %parallel_loop3A_204 = arith.constant 0 : i32
      %parallel_loop3A_205 = arith.constant 0 : i32
      %parallel_loop3A_206 = arith.constant 1 : i32
      scf.for %parallel_loop3A_398 = %parallel_loop3A_204 to %parallel_loop3A_205 step %parallel_loop3A_206  : i32 {
        %parallel_loop3A_399 = arith.constant 16 : i32
        %parallel_loop3A_400 = arith.muli %parallel_loop3A_398, %parallel_loop3A_399 : i32
        %parallel_loop3A_401 = arith.constant 0 : i32
        %parallel_loop3A_402 = arith.index_cast %parallel_loop3A_401 : i32 to index
        %parallel_loop3A_403 = arith.index_cast %parallel_loop3A_400 : i32 to index
        %parallel_loop3A_404 = tpu.vector_load %arg10[%parallel_loop3A_402, %parallel_loop3A_403] {strides = array<i32>} : memref<16x1024xf32, #tpu.memory_space<vmem>>, vector<1x16xf32>,
        %parallel_loop3A_405 = vector.shape_cast %parallel_loop3A_404 : vector<1x16xf32> to vector<16xf32>
        %parallel_loop3A_406 = arith.constant 0 : i32
        %parallel_loop3A_407 = arith.index_cast %parallel_loop3A_406 : i32 to index
        %parallel_loop3A_408 = arith.index_cast %parallel_loop3A_400 : i32 to index
        %parallel_loop3A_409 = tpu.vector_load %arg5[%parallel_loop3A_407, %parallel_loop3A_408] {strides = array<i32>} : memref<16x1024xf32, #tpu.memory_space<vmem>>, vector<1x16xf32>,
        %parallel_loop3A_410 = vector.shape_cast %parallel_loop3A_409 : vector<1x16xf32> to vector<16xf32>
        %parallel_loop3A_411 = arith.addf %parallel_loop3A_405, %parallel_loop3A_410 : vector<16xf32>
        %parallel_loop3A_412 = arith.constant 0 : i32
        %parallel_loop3A_413 = arith.index_cast %parallel_loop3A_412 : i32 to index
        %parallel_loop3A_414 = arith.index_cast %parallel_loop3A_400 : i32 to index
        %parallel_loop3A_415 = tpu.vector_load %arg10[%parallel_loop3A_413, %parallel_loop3A_414] {strides = array<i32>} : memref<16x1024xf32, #tpu.memory_space<vmem>>, vector<1x16xf32>,
        %parallel_loop3A_416 = vector.shape_cast %parallel_loop3A_415 : vector<1x16xf32> to vector<16xf32>
        %parallel_loop3A_417 = vector.shape_cast %parallel_loop3A_411 : vector<16xf32> to vector<1x16xf32>
        tpu.vector_store %arg10[%parallel_loop3A_413, %parallel_loop3A_414], %parallel_loop3A_417 {strides = array<i32>} : memref<16x1024xf32, #tpu.memory_space<vmem>>, vector<1x16xf32>,
        %parallel_loop3A_418 = arith.constant 1 : i32
        %parallel_loop3A_419 = arith.index_cast %parallel_loop3A_418 : i32 to index
        %parallel_loop3A_420 = arith.index_cast %parallel_loop3A_400 : i32 to index
        %parallel_loop3A_421 = tpu.vector_load %arg10[%parallel_loop3A_419, %parallel_loop3A_420] {strides = array<i32>} : memref<16x1024xf32, #tpu.memory_space<vmem>>, vector<1x16xf32>,
        %parallel_loop3A_422 = vector.shape_cast %parallel_loop3A_421 : vector<1x16xf32> to vector<16xf32>
        %parallel_loop3A_423 = arith.constant 1 : i32
        %parallel_loop3A_424 = arith.index_cast %parallel_loop3A_423 : i32 to index
        %parallel_loop3A_425 = arith.index_cast %parallel_loop3A_400 : i32 to index
        %parallel_loop3A_426 = tpu.vector_load %arg5[%parallel_loop3A_424, %parallel_loop3A_425] {strides = array<i32>} : memref<16x1024xf32, #tpu.memory_space<vmem>>, vector<1x16xf32>,
        %parallel_loop3A_427 = vector.shape_cast %parallel_loop3A_426 : vector<1x16xf32> to vector<16xf32>
        %parallel_loop3A_428 = arith.addf %parallel_loop3A_422, %parallel_loop3A_427 : vector<16xf32>
        %parallel_loop3A_429 = arith.constant 1 : i32
        %parallel_loop3A_430 = arith.index_cast %parallel_loop3A_429 : i32 to index
        %parallel_loop3A_431 = arith.index_cast %parallel_loop3A_400 : i32 to index
        %parallel_loop3A_432 = tpu.vector_load %arg10[%parallel_loop3A_430, %parallel_loop3A_431] {strides = array<i32>} : memref<16x1024xf32, #tpu.memory_space<vmem>>, vector<1x16xf32>,
        %parallel_loop3A_433 = vector.shape_cast %parallel_loop3A_432 : vector<1x16xf32> to vector<16xf32>
        %parallel_loop3A_434 = vector.shape_cast %parallel_loop3A_428 : vector<16xf32> to vector<1x16xf32>
        tpu.vector_store %arg10[%parallel_loop3A_430, %parallel_loop3A_431], %parallel_loop3A_434 {strides = array<i32>} : memref<16x1024xf32, #tpu.memory_space<vmem>>, vector<1x16xf32>,
        %parallel_loop3A_435 = arith.constant 2 : i32
        %parallel_loop3A_436 = arith.index_cast %parallel_loop3A_435 : i32 to index
        %parallel_loop3A_437 = arith.index_cast %parallel_loop3A_400 : i32 to index
        %parallel_loop3A_438 = tpu.vector_load %arg10[%parallel_loop3A_436, %parallel_loop3A_437] {strides = array<i32>} : memref<16x1024xf32, #tpu.memory_space<vmem>>, vector<1x16xf32>,
        %parallel_loop3A_439 = vector.shape_cast %parallel_loop3A_438 : vector<1x16xf32> to vector<16xf32>
        %parallel_loop3A_440 = arith.constant 2 : i32
        %parallel_loop3A_441 = arith.index_cast %parallel_loop3A_440 : i32 to index
        %parallel_loop3A_442 = arith.index_cast %parallel_loop3A_400 : i32 to index
        %parallel_loop3A_443 = tpu.vector_load %arg5[%parallel_loop3A_441, %parallel_loop3A_442] {strides = array<i32>} : memref<16x1024xf32, #tpu.memory_space<vmem>>, vector<1x16xf32>,
        %parallel_loop3A_444 = vector.shape_cast %parallel_loop3A_443 : vector<1x16xf32> to vector<16xf32>
        %parallel_loop3A_445 = arith.addf %parallel_loop3A_439, %parallel_loop3A_444 : vector<16xf32>
        %parallel_loop3A_446 = arith.constant 2 : i32
        %parallel_loop3A_447 = arith.index_cast %parallel_loop3A_446 : i32 to index
        %parallel_loop3A_448 = arith.index_cast %parallel_loop3A_400 : i32 to index
        %parallel_loop3A_449 = tpu.vector_load %arg10[%parallel_loop3A_447, %parallel_loop3A_448] {strides = array<i32>} : memref<16x1024xf32, #tpu.memory_space<vmem>>, vector<1x16xf32>,
        %parallel_loop3A_450 = vector.shape_cast %parallel_loop3A_449 : vector<1x16xf32> to vector<16xf32>
        %parallel_loop3A_451 = vector.shape_cast %parallel_loop3A_445 : vector<16xf32> to vector<1x16xf32>
        tpu.vector_store %arg10[%parallel_loop3A_447, %parallel_loop3A_448], %parallel_loop3A_451 {strides = array<i32>} : memref<16x1024xf32, #tpu.memory_space<vmem>>, vector<1x16xf32>,
        %parallel_loop3A_452 = arith.constant 3 : i32
        %parallel_loop3A_453 = arith.index_cast %parallel_loop3A_452 : i32 to index
        %parallel_loop3A_454 = arith.index_cast %parallel_loop3A_400 : i32 to index
        %parallel_loop3A_455 = tpu.vector_load %arg10[%parallel_loop3A_453, %parallel_loop3A_454] {strides = array<i32>} : memref<16x1024xf32, #tpu.memory_space<vmem>>, vector<1x16xf32>,
        %parallel_loop3A_456 = vector.shape_cast %parallel_loop3A_455 : vector<1x16xf32> to vector<16xf32>
        %parallel_loop3A_457 = arith.constant 3 : i32
        %parallel_loop3A_458 = arith.index_cast %parallel_loop3A_457 : i32 to index
        %parallel_loop3A_459 = arith.index_cast %parallel_loop3A_400 : i32 to index
        %parallel_loop3A_460 = tpu.vector_load %arg5[%parallel_loop3A_458, %parallel_loop3A_459] {strides = array<i32>} : memref<16x1024xf32, #tpu.memory_space<vmem>>, vector<1x16xf32>,
        %parallel_loop3A_461 = vector.shape_cast %parallel_loop3A_460 : vector<1x16xf32> to vector<16xf32>
        %parallel_loop3A_462 = arith.addf %parallel_loop3A_456, %parallel_loop3A_461 : vector<16xf32>
        %parallel_loop3A_463 = arith.constant 3 : i32
        %parallel_loop3A_464 = arith.index_cast %parallel_loop3A_463 : i32 to index
        %parallel_loop3A_465 = arith.index_cast %parallel_loop3A_400 : i32 to index
        %parallel_loop3A_466 = tpu.vector_load %arg10[%parallel_loop3A_464, %parallel_loop3A_465] {strides = array<i32>} : memref<16x1024xf32, #tpu.memory_space<vmem>>, vector<1x16xf32>,
        %parallel_loop3A_467 = vector.shape_cast %parallel_loop3A_466 : vector<1x16xf32> to vector<16xf32>
        %parallel_loop3A_468 = vector.shape_cast %parallel_loop3A_462 : vector<16xf32> to vector<1x16xf32>
        tpu.vector_store %arg10[%parallel_loop3A_464, %parallel_loop3A_465], %parallel_loop3A_468 {strides = array<i32>} : memref<16x1024xf32, #tpu.memory_space<vmem>>, vector<1x16xf32>,
        %parallel_loop3A_469 = arith.constant 4 : i32
        %parallel_loop3A_470 = arith.index_cast %parallel_loop3A_469 : i32 to index
        %parallel_loop3A_471 = arith.index_cast %parallel_loop3A_400 : i32 to index
        %parallel_loop3A_472 = tpu.vector_load %arg10[%parallel_loop3A_470, %parallel_loop3A_471] {strides = array<i32>} : memref<16x1024xf32, #tpu.memory_space<vmem>>, vector<1x16xf32>,
        %parallel_loop3A_473 = vector.shape_cast %parallel_loop3A_472 : vector<1x16xf32> to vector<16xf32>
        %parallel_loop3A_474 = arith.constant 4 : i32
        %parallel_loop3A_475 = arith.index_cast %parallel_loop3A_474 : i32 to index
        %parallel_loop3A_476 = arith.index_cast %parallel_loop3A_400 : i32 to index
        %parallel_loop3A_477 = tpu.vector_load %arg5[%parallel_loop3A_475, %parallel_loop3A_476] {strides = array<i32>} : memref<16x1024xf32, #tpu.memory_space<vmem>>, vector<1x16xf32>,
        %parallel_loop3A_478 = vector.shape_cast %parallel_loop3A_477 : vector<1x16xf32> to vector<16xf32>
        %parallel_loop3A_479 = arith.addf %parallel_loop3A_473, %parallel_loop3A_478 : vector<16xf32>
        %parallel_loop3A_480 = arith.constant 4 : i32
        %parallel_loop3A_481 = arith.index_cast %parallel_loop3A_480 : i32 to index
        %parallel_loop3A_482 = arith.index_cast %parallel_loop3A_400 : i32 to index
        %parallel_loop3A_483 = tpu.vector_load %arg10[%parallel_loop3A_481, %parallel_loop3A_482] {strides = array<i32>} : memref<16x1024xf32, #tpu.memory_space<vmem>>, vector<1x16xf32>,
        %parallel_loop3A_484 = vector.shape_cast %parallel_loop3A_483 : vector<1x16xf32> to vector<16xf32>
        %parallel_loop3A_485 = vector.shape_cast %parallel_loop3A_479 : vector<16xf32> to vector<1x16xf32>
        tpu.vector_store %arg10[%parallel_loop3A_481, %parallel_loop3A_482], %parallel_loop3A_485 {strides = array<i32>} : memref<16x1024xf32, #tpu.memory_space<vmem>>, vector<1x16xf32>,
        %parallel_loop3A_486 = arith.constant 5 : i32
        %parallel_loop3A_487 = arith.index_cast %parallel_loop3A_486 : i32 to index
        %parallel_loop3A_488 = arith.index_cast %parallel_loop3A_400 : i32 to index
        %parallel_loop3A_489 = tpu.vector_load %arg10[%parallel_loop3A_487, %parallel_loop3A_488] {strides = array<i32>} : memref<16x1024xf32, #tpu.memory_space<vmem>>, vector<1x16xf32>,
        %parallel_loop3A_490 = vector.shape_cast %parallel_loop3A_489 : vector<1x16xf32> to vector<16xf32>
        %parallel_loop3A_491 = arith.constant 5 : i32
        %parallel_loop3A_492 = arith.index_cast %parallel_loop3A_491 : i32 to index
        %parallel_loop3A_493 = arith.index_cast %parallel_loop3A_400 : i32 to index
        %parallel_loop3A_494 = tpu.vector_load %arg5[%parallel_loop3A_492, %parallel_loop3A_493] {strides = array<i32>} : memref<16x1024xf32, #tpu.memory_space<vmem>>, vector<1x16xf32>,
        %parallel_loop3A_495 = vector.shape_cast %parallel_loop3A_494 : vector<1x16xf32> to vector<16xf32>
        %parallel_loop3A_496 = arith.addf %parallel_loop3A_490, %parallel_loop3A_495 : vector<16xf32>
        %parallel_loop3A_497 = arith.constant 5 : i32
        %parallel_loop3A_498 = arith.index_cast %parallel_loop3A_497 : i32 to index
        %parallel_loop3A_499 = arith.index_cast %parallel_loop3A_400 : i32 to index
        %parallel_loop3A_500 = tpu.vector_load %arg10[%parallel_loop3A_498, %parallel_loop3A_499] {strides = array<i32>} : memref<16x1024xf32, #tpu.memory_space<vmem>>, vector<1x16xf32>,
        %parallel_loop3A_501 = vector.shape_cast %parallel_loop3A_500 : vector<1x16xf32> to vector<16xf32>
        %parallel_loop3A_502 = vector.shape_cast %parallel_loop3A_496 : vector<16xf32> to vector<1x16xf32>
        tpu.vector_store %arg10[%parallel_loop3A_498, %parallel_loop3A_499], %parallel_loop3A_502 {strides = array<i32>} : memref<16x1024xf32, #tpu.memory_space<vmem>>, vector<1x16xf32>,
        %parallel_loop3A_503 = arith.constant 6 : i32
        %parallel_loop3A_504 = arith.index_cast %parallel_loop3A_503 : i32 to index
        %parallel_loop3A_505 = arith.index_cast %parallel_loop3A_400 : i32 to index
        %parallel_loop3A_506 = tpu.vector_load %arg10[%parallel_loop3A_504, %parallel_loop3A_505] {strides = array<i32>} : memref<16x1024xf32, #tpu.memory_space<vmem>>, vector<1x16xf32>,
        %parallel_loop3A_507 = vector.shape_cast %parallel_loop3A_506 : vector<1x16xf32> to vector<16xf32>
        %parallel_loop3A_508 = arith.constant 6 : i32
        %parallel_loop3A_509 = arith.index_cast %parallel_loop3A_508 : i32 to index
        %parallel_loop3A_510 = arith.index_cast %parallel_loop3A_400 : i32 to index
        %parallel_loop3A_511 = tpu.vector_load %arg5[%parallel_loop3A_509, %parallel_loop3A_510] {strides = array<i32>} : memref<16x1024xf32, #tpu.memory_space<vmem>>, vector<1x16xf32>,
        %parallel_loop3A_512 = vector.shape_cast %parallel_loop3A_511 : vector<1x16xf32> to vector<16xf32>
        %parallel_loop3A_513 = arith.addf %parallel_loop3A_507, %parallel_loop3A_512 : vector<16xf32>
        %parallel_loop3A_514 = arith.constant 6 : i32
        %parallel_loop3A_515 = arith.index_cast %parallel_loop3A_514 : i32 to index
        %parallel_loop3A_516 = arith.index_cast %parallel_loop3A_400 : i32 to index
        %parallel_loop3A_517 = tpu.vector_load %arg10[%parallel_loop3A_515, %parallel_loop3A_516] {strides = array<i32>} : memref<16x1024xf32, #tpu.memory_space<vmem>>, vector<1x16xf32>,
        %parallel_loop3A_518 = vector.shape_cast %parallel_loop3A_517 : vector<1x16xf32> to vector<16xf32>
        %parallel_loop3A_519 = vector.shape_cast %parallel_loop3A_513 : vector<16xf32> to vector<1x16xf32>
        tpu.vector_store %arg10[%parallel_loop3A_515, %parallel_loop3A_516], %parallel_loop3A_519 {strides = array<i32>} : memref<16x1024xf32, #tpu.memory_space<vmem>>, vector<1x16xf32>,
        %parallel_loop3A_520 = arith.constant 7 : i32
        %parallel_loop3A_521 = arith.index_cast %parallel_loop3A_520 : i32 to index
        %parallel_loop3A_522 = arith.index_cast %parallel_loop3A_400 : i32 to index
        %parallel_loop3A_523 = tpu.vector_load %arg10[%parallel_loop3A_521, %parallel_loop3A_522] {strides = array<i32>} : memref<16x1024xf32, #tpu.memory_space<vmem>>, vector<1x16xf32>,
        %parallel_loop3A_524 = vector.shape_cast %parallel_loop3A_523 : vector<1x16xf32> to vector<16xf32>
        %parallel_loop3A_525 = arith.constant 7 : i32
        %parallel_loop3A_526 = arith.index_cast %parallel_loop3A_525 : i32 to index
        %parallel_loop3A_527 = arith.index_cast %parallel_loop3A_400 : i32 to index
        %parallel_loop3A_528 = tpu.vector_load %arg5[%parallel_loop3A_526, %parallel_loop3A_527] {strides = array<i32>} : memref<16x1024xf32, #tpu.memory_space<vmem>>, vector<1x16xf32>,
        %parallel_loop3A_529 = vector.shape_cast %parallel_loop3A_528 : vector<1x16xf32> to vector<16xf32>
        %parallel_loop3A_530 = arith.addf %parallel_loop3A_524, %parallel_loop3A_529 : vector<16xf32>
        %parallel_loop3A_531 = arith.constant 7 : i32
        %parallel_loop3A_532 = arith.index_cast %parallel_loop3A_531 : i32 to index
        %parallel_loop3A_533 = arith.index_cast %parallel_loop3A_400 : i32 to index
        %parallel_loop3A_534 = tpu.vector_load %arg10[%parallel_loop3A_532, %parallel_loop3A_533] {strides = array<i32>} : memref<16x1024xf32, #tpu.memory_space<vmem>>, vector<1x16xf32>,
        %parallel_loop3A_535 = vector.shape_cast %parallel_loop3A_534 : vector<1x16xf32> to vector<16xf32>
        %parallel_loop3A_536 = vector.shape_cast %parallel_loop3A_530 : vector<16xf32> to vector<1x16xf32>
        tpu.vector_store %arg10[%parallel_loop3A_532, %parallel_loop3A_533], %parallel_loop3A_536 {strides = array<i32>} : memref<16x1024xf32, #tpu.memory_space<vmem>>, vector<1x16xf32>,
        %parallel_loop3A_537 = arith.constant 8 : i32
        %parallel_loop3A_538 = arith.index_cast %parallel_loop3A_537 : i32 to index
        %parallel_loop3A_539 = arith.index_cast %parallel_loop3A_400 : i32 to index
        %parallel_loop3A_540 = tpu.vector_load %arg10[%parallel_loop3A_538, %parallel_loop3A_539] {strides = array<i32>} : memref<16x1024xf32, #tpu.memory_space<vmem>>, vector<1x16xf32>,
        %parallel_loop3A_541 = vector.shape_cast %parallel_loop3A_540 : vector<1x16xf32> to vector<16xf32>
        %parallel_loop3A_542 = arith.constant 8 : i32
        %parallel_loop3A_543 = arith.index_cast %parallel_loop3A_542 : i32 to index
        %parallel_loop3A_544 = arith.index_cast %parallel_loop3A_400 : i32 to index
        %parallel_loop3A_545 = tpu.vector_load %arg5[%parallel_loop3A_543, %parallel_loop3A_544] {strides = array<i32>} : memref<16x1024xf32, #tpu.memory_space<vmem>>, vector<1x16xf32>,
        %parallel_loop3A_546 = vector.shape_cast %parallel_loop3A_545 : vector<1x16xf32> to vector<16xf32>
        %parallel_loop3A_547 = arith.addf %parallel_loop3A_541, %parallel_loop3A_546 : vector<16xf32>
        %parallel_loop3A_548 = arith.constant 8 : i32
        %parallel_loop3A_549 = arith.index_cast %parallel_loop3A_548 : i32 to index
        %parallel_loop3A_550 = arith.index_cast %parallel_loop3A_400 : i32 to index
        %parallel_loop3A_551 = tpu.vector_load %arg10[%parallel_loop3A_549, %parallel_loop3A_550] {strides = array<i32>} : memref<16x1024xf32, #tpu.memory_space<vmem>>, vector<1x16xf32>,
        %parallel_loop3A_552 = vector.shape_cast %parallel_loop3A_551 : vector<1x16xf32> to vector<16xf32>
        %parallel_loop3A_553 = vector.shape_cast %parallel_loop3A_547 : vector<16xf32> to vector<1x16xf32>
        tpu.vector_store %arg10[%parallel_loop3A_549, %parallel_loop3A_550], %parallel_loop3A_553 {strides = array<i32>} : memref<16x1024xf32, #tpu.memory_space<vmem>>, vector<1x16xf32>,
        %parallel_loop3A_554 = arith.constant 9 : i32
        %parallel_loop3A_555 = arith.index_cast %parallel_loop3A_554 : i32 to index
        %parallel_loop3A_556 = arith.index_cast %parallel_loop3A_400 : i32 to index
        %parallel_loop3A_557 = tpu.vector_load %arg10[%parallel_loop3A_555, %parallel_loop3A_556] {strides = array<i32>} : memref<16x1024xf32, #tpu.memory_space<vmem>>, vector<1x16xf32>,
        %parallel_loop3A_558 = vector.shape_cast %parallel_loop3A_557 : vector<1x16xf32> to vector<16xf32>
        %parallel_loop3A_559 = arith.constant 9 : i32
        %parallel_loop3A_560 = arith.index_cast %parallel_loop3A_559 : i32 to index
        %parallel_loop3A_561 = arith.index_cast %parallel_loop3A_400 : i32 to index
        %parallel_loop3A_562 = tpu.vector_load %arg5[%parallel_loop3A_560, %parallel_loop3A_561] {strides = array<i32>} : memref<16x1024xf32, #tpu.memory_space<vmem>>, vector<1x16xf32>,
        %parallel_loop3A_563 = vector.shape_cast %parallel_loop3A_562 : vector<1x16xf32> to vector<16xf32>
        %parallel_loop3A_564 = arith.addf %parallel_loop3A_558, %parallel_loop3A_563 : vector<16xf32>
        %parallel_loop3A_565 = arith.constant 9 : i32
        %parallel_loop3A_566 = arith.index_cast %parallel_loop3A_565 : i32 to index
        %parallel_loop3A_567 = arith.index_cast %parallel_loop3A_400 : i32 to index
        %parallel_loop3A_568 = tpu.vector_load %arg10[%parallel_loop3A_566, %parallel_loop3A_567] {strides = array<i32>} : memref<16x1024xf32, #tpu.memory_space<vmem>>, vector<1x16xf32>,
        %parallel_loop3A_569 = vector.shape_cast %parallel_loop3A_568 : vector<1x16xf32> to vector<16xf32>
        %parallel_loop3A_570 = vector.shape_cast %parallel_loop3A_564 : vector<16xf32> to vector<1x16xf32>
        tpu.vector_store %arg10[%parallel_loop3A_566, %parallel_loop3A_567], %parallel_loop3A_570 {strides = array<i32>} : memref<16x1024xf32, #tpu.memory_space<vmem>>, vector<1x16xf32>,
        %parallel_loop3A_571 = arith.constant 10 : i32
        %parallel_loop3A_572 = arith.index_cast %parallel_loop3A_571 : i32 to index
        %parallel_loop3A_573 = arith.index_cast %parallel_loop3A_400 : i32 to index
        %parallel_loop3A_574 = tpu.vector_load %arg10[%parallel_loop3A_572, %parallel_loop3A_573] {strides = array<i32>} : memref<16x1024xf32, #tpu.memory_space<vmem>>, vector<1x16xf32>,
        %parallel_loop3A_575 = vector.shape_cast %parallel_loop3A_574 : vector<1x16xf32> to vector<16xf32>
        %parallel_loop3A_576 = arith.constant 10 : i32
        %parallel_loop3A_577 = arith.index_cast %parallel_loop3A_576 : i32 to index
        %parallel_loop3A_578 = arith.index_cast %parallel_loop3A_400 : i32 to index
        %parallel_loop3A_579 = tpu.vector_load %arg5[%parallel_loop3A_577, %parallel_loop3A_578] {strides = array<i32>} : memref<16x1024xf32, #tpu.memory_space<vmem>>, vector<1x16xf32>,
        %parallel_loop3A_580 = vector.shape_cast %parallel_loop3A_579 : vector<1x16xf32> to vector<16xf32>
        %parallel_loop3A_581 = arith.addf %parallel_loop3A_575, %parallel_loop3A_580 : vector<16xf32>
        %parallel_loop3A_582 = arith.constant 10 : i32
        %parallel_loop3A_583 = arith.index_cast %parallel_loop3A_582 : i32 to index
        %parallel_loop3A_584 = arith.index_cast %parallel_loop3A_400 : i32 to index
        %parallel_loop3A_585 = tpu.vector_load %arg10[%parallel_loop3A_583, %parallel_loop3A_584] {strides = array<i32>} : memref<16x1024xf32, #tpu.memory_space<vmem>>, vector<1x16xf32>,
        %parallel_loop3A_586 = vector.shape_cast %parallel_loop3A_585 : vector<1x16xf32> to vector<16xf32>
        %parallel_loop3A_587 = vector.shape_cast %parallel_loop3A_581 : vector<16xf32> to vector<1x16xf32>
        tpu.vector_store %arg10[%parallel_loop3A_583, %parallel_loop3A_584], %parallel_loop3A_587 {strides = array<i32>} : memref<16x1024xf32, #tpu.memory_space<vmem>>, vector<1x16xf32>,
        %parallel_loop3A_588 = arith.constant 11 : i32
        %parallel_loop3A_589 = arith.index_cast %parallel_loop3A_588 : i32 to index
        %parallel_loop3A_590 = arith.index_cast %parallel_loop3A_400 : i32 to index
        %parallel_loop3A_591 = tpu.vector_load %arg10[%parallel_loop3A_589, %parallel_loop3A_590] {strides = array<i32>} : memref<16x1024xf32, #tpu.memory_space<vmem>>, vector<1x16xf32>,
        %parallel_loop3A_592 = vector.shape_cast %parallel_loop3A_591 : vector<1x16xf32> to vector<16xf32>
        %parallel_loop3A_593 = arith.constant 11 : i32
        %parallel_loop3A_594 = arith.index_cast %parallel_loop3A_593 : i32 to index
        %parallel_loop3A_595 = arith.index_cast %parallel_loop3A_400 : i32 to index
        %parallel_loop3A_596 = tpu.vector_load %arg5[%parallel_loop3A_594, %parallel_loop3A_595] {strides = array<i32>} : memref<16x1024xf32, #tpu.memory_space<vmem>>, vector<1x16xf32>,
        %parallel_loop3A_597 = vector.shape_cast %parallel_loop3A_596 : vector<1x16xf32> to vector<16xf32>
        %parallel_loop3A_598 = arith.addf %parallel_loop3A_592, %parallel_loop3A_597 : vector<16xf32>
        %parallel_loop3A_599 = arith.constant 11 : i32
        %parallel_loop3A_600 = arith.index_cast %parallel_loop3A_599 : i32 to index
        %parallel_loop3A_601 = arith.index_cast %parallel_loop3A_400 : i32 to index
        %parallel_loop3A_602 = tpu.vector_load %arg10[%parallel_loop3A_600, %parallel_loop3A_601] {strides = array<i32>} : memref<16x1024xf32, #tpu.memory_space<vmem>>, vector<1x16xf32>,
        %parallel_loop3A_603 = vector.shape_cast %parallel_loop3A_602 : vector<1x16xf32> to vector<16xf32>
        %parallel_loop3A_604 = vector.shape_cast %parallel_loop3A_598 : vector<16xf32> to vector<1x16xf32>
        tpu.vector_store %arg10[%parallel_loop3A_600, %parallel_loop3A_601], %parallel_loop3A_604 {strides = array<i32>} : memref<16x1024xf32, #tpu.memory_space<vmem>>, vector<1x16xf32>,
        %parallel_loop3A_605 = arith.constant 12 : i32
        %parallel_loop3A_606 = arith.index_cast %parallel_loop3A_605 : i32 to index
        %parallel_loop3A_607 = arith.index_cast %parallel_loop3A_400 : i32 to index
        %parallel_loop3A_608 = tpu.vector_load %arg10[%parallel_loop3A_606, %parallel_loop3A_607] {strides = array<i32>} : memref<16x1024xf32, #tpu.memory_space<vmem>>, vector<1x16xf32>,
        %parallel_loop3A_609 = vector.shape_cast %parallel_loop3A_608 : vector<1x16xf32> to vector<16xf32>
        %parallel_loop3A_610 = arith.constant 12 : i32
        %parallel_loop3A_611 = arith.index_cast %parallel_loop3A_610 : i32 to index
        %parallel_loop3A_612 = arith.index_cast %parallel_loop3A_400 : i32 to index
        %parallel_loop3A_613 = tpu.vector_load %arg5[%parallel_loop3A_611, %parallel_loop3A_612] {strides = array<i32>} : memref<16x1024xf32, #tpu.memory_space<vmem>>, vector<1x16xf32>,
        %parallel_loop3A_614 = vector.shape_cast %parallel_loop3A_613 : vector<1x16xf32> to vector<16xf32>
        %parallel_loop3A_615 = arith.addf %parallel_loop3A_609, %parallel_loop3A_614 : vector<16xf32>
        %parallel_loop3A_616 = arith.constant 12 : i32
        %parallel_loop3A_617 = arith.index_cast %parallel_loop3A_616 : i32 to index
        %parallel_loop3A_618 = arith.index_cast %parallel_loop3A_400 : i32 to index
        %parallel_loop3A_619 = tpu.vector_load %arg10[%parallel_loop3A_617, %parallel_loop3A_618] {strides = array<i32>} : memref<16x1024xf32, #tpu.memory_space<vmem>>, vector<1x16xf32>,
        %parallel_loop3A_620 = vector.shape_cast %parallel_loop3A_619 : vector<1x16xf32> to vector<16xf32>
        %parallel_loop3A_621 = vector.shape_cast %parallel_loop3A_615 : vector<16xf32> to vector<1x16xf32>
        tpu.vector_store %arg10[%parallel_loop3A_617, %parallel_loop3A_618], %parallel_loop3A_621 {strides = array<i32>} : memref<16x1024xf32, #tpu.memory_space<vmem>>, vector<1x16xf32>,
        %parallel_loop3A_622 = arith.constant 13 : i32
        %parallel_loop3A_623 = arith.index_cast %parallel_loop3A_622 : i32 to index
        %parallel_loop3A_624 = arith.index_cast %parallel_loop3A_400 : i32 to index
        %parallel_loop3A_625 = tpu.vector_load %arg10[%parallel_loop3A_623, %parallel_loop3A_624] {strides = array<i32>} : memref<16x1024xf32, #tpu.memory_space<vmem>>, vector<1x16xf32>,
        %parallel_loop3A_626 = vector.shape_cast %parallel_loop3A_625 : vector<1x16xf32> to vector<16xf32>
        %parallel_loop3A_627 = arith.constant 13 : i32
        %parallel_loop3A_628 = arith.index_cast %parallel_loop3A_627 : i32 to index
        %parallel_loop3A_629 = arith.index_cast %parallel_loop3A_400 : i32 to index
        %parallel_loop3A_630 = tpu.vector_load %arg5[%parallel_loop3A_628, %parallel_loop3A_629] {strides = array<i32>} : memref<16x1024xf32, #tpu.memory_space<vmem>>, vector<1x16xf32>,
        %parallel_loop3A_631 = vector.shape_cast %parallel_loop3A_630 : vector<1x16xf32> to vector<16xf32>
        %parallel_loop3A_632 = arith.addf %parallel_loop3A_626, %parallel_loop3A_631 : vector<16xf32>
        %parallel_loop3A_633 = arith.constant 13 : i32
        %parallel_loop3A_634 = arith.index_cast %parallel_loop3A_633 : i32 to index
        %parallel_loop3A_635 = arith.index_cast %parallel_loop3A_400 : i32 to index
        %parallel_loop3A_636 = tpu.vector_load %arg10[%parallel_loop3A_634, %parallel_loop3A_635] {strides = array<i32>} : memref<16x1024xf32, #tpu.memory_space<vmem>>, vector<1x16xf32>,
        %parallel_loop3A_637 = vector.shape_cast %parallel_loop3A_636 : vector<1x16xf32> to vector<16xf32>
        %parallel_loop3A_638 = vector.shape_cast %parallel_loop3A_632 : vector<16xf32> to vector<1x16xf32>
        tpu.vector_store %arg10[%parallel_loop3A_634, %parallel_loop3A_635], %parallel_loop3A_638 {strides = array<i32>} : memref<16x1024xf32, #tpu.memory_space<vmem>>, vector<1x16xf32>,
        %parallel_loop3A_639 = arith.constant 14 : i32
        %parallel_loop3A_640 = arith.index_cast %parallel_loop3A_639 : i32 to index
        %parallel_loop3A_641 = arith.index_cast %parallel_loop3A_400 : i32 to index
        %parallel_loop3A_642 = tpu.vector_load %arg10[%parallel_loop3A_640, %parallel_loop3A_641] {strides = array<i32>} : memref<16x1024xf32, #tpu.memory_space<vmem>>, vector<1x16xf32>,
        %parallel_loop3A_643 = vector.shape_cast %parallel_loop3A_642 : vector<1x16xf32> to vector<16xf32>
        %parallel_loop3A_644 = arith.constant 14 : i32
        %parallel_loop3A_645 = arith.index_cast %parallel_loop3A_644 : i32 to index
        %parallel_loop3A_646 = arith.index_cast %parallel_loop3A_400 : i32 to index
        %parallel_loop3A_647 = tpu.vector_load %arg5[%parallel_loop3A_645, %parallel_loop3A_646] {strides = array<i32>} : memref<16x1024xf32, #tpu.memory_space<vmem>>, vector<1x16xf32>,
        %parallel_loop3A_648 = vector.shape_cast %parallel_loop3A_647 : vector<1x16xf32> to vector<16xf32>
        %parallel_loop3A_649 = arith.addf %parallel_loop3A_643, %parallel_loop3A_648 : vector<16xf32>
        %parallel_loop3A_650 = arith.constant 14 : i32
        %parallel_loop3A_651 = arith.index_cast %parallel_loop3A_650 : i32 to index
        %parallel_loop3A_652 = arith.index_cast %parallel_loop3A_400 : i32 to index
        %parallel_loop3A_653 = tpu.vector_load %arg10[%parallel_loop3A_651, %parallel_loop3A_652] {strides = array<i32>} : memref<16x1024xf32, #tpu.memory_space<vmem>>, vector<1x16xf32>,
        %parallel_loop3A_654 = vector.shape_cast %parallel_loop3A_653 : vector<1x16xf32> to vector<16xf32>
        %parallel_loop3A_655 = vector.shape_cast %parallel_loop3A_649 : vector<16xf32> to vector<1x16xf32>
        tpu.vector_store %arg10[%parallel_loop3A_651, %parallel_loop3A_652], %parallel_loop3A_655 {strides = array<i32>} : memref<16x1024xf32, #tpu.memory_space<vmem>>, vector<1x16xf32>,
        %parallel_loop3A_656 = arith.constant 15 : i32
        %parallel_loop3A_657 = arith.index_cast %parallel_loop3A_656 : i32 to index
        %parallel_loop3A_658 = arith.index_cast %parallel_loop3A_400 : i32 to index
        %parallel_loop3A_659 = tpu.vector_load %arg10[%parallel_loop3A_657, %parallel_loop3A_658] {strides = array<i32>} : memref<16x1024xf32, #tpu.memory_space<vmem>>, vector<1x16xf32>,
        %parallel_loop3A_660 = vector.shape_cast %parallel_loop3A_659 : vector<1x16xf32> to vector<16xf32>
        %parallel_loop3A_661 = arith.constant 15 : i32
        %parallel_loop3A_662 = arith.index_cast %parallel_loop3A_661 : i32 to index
        %parallel_loop3A_663 = arith.index_cast %parallel_loop3A_400 : i32 to index
        %parallel_loop3A_664 = tpu.vector_load %arg5[%parallel_loop3A_662, %parallel_loop3A_663] {strides = array<i32>} : memref<16x1024xf32, #tpu.memory_space<vmem>>, vector<1x16xf32>,
        %parallel_loop3A_665 = vector.shape_cast %parallel_loop3A_664 : vector<1x16xf32> to vector<16xf32>
        %parallel_loop3A_666 = arith.addf %parallel_loop3A_660, %parallel_loop3A_665 : vector<16xf32>
        %parallel_loop3A_667 = arith.constant 15 : i32
        %parallel_loop3A_668 = arith.index_cast %parallel_loop3A_667 : i32 to index
        %parallel_loop3A_669 = arith.index_cast %parallel_loop3A_400 : i32 to index
        %parallel_loop3A_670 = tpu.vector_load %arg10[%parallel_loop3A_668, %parallel_loop3A_669] {strides = array<i32>} : memref<16x1024xf32, #tpu.memory_space<vmem>>, vector<1x16xf32>,
        %parallel_loop3A_671 = vector.shape_cast %parallel_loop3A_670 : vector<1x16xf32> to vector<16xf32>
        %parallel_loop3A_672 = vector.shape_cast %parallel_loop3A_666 : vector<16xf32> to vector<1x16xf32>
        tpu.vector_store %arg10[%parallel_loop3A_668, %parallel_loop3A_669], %parallel_loop3A_672 {strides = array<i32>} : memref<16x1024xf32, #tpu.memory_space<vmem>>, vector<1x16xf32>,
      } {sc.loop_unroll_factor = 4 : i64, sc.parallel_access}
      %mul3A_207 = arith.constant 16 : i32
      %mul3A_208 = arith.muli %add3A_58, %mul3A_207 : i32
      %add3A_209 = arith.addi %mul3A_2, %mul3A_208 : i32
      %dma_start3A_210 = arith.constant 3 : i32
      %dma_start3A_211 = arith.constant 0 : i32
      %dma_start3A_212 = tpu.memref_slice %arg4[%dma_start3A_210, %add3A_209, %dma_start3A_211] : memref<4x8192x1024xf32, #tpu.memory_space<hbm>> -> memref<1x16x1024xf32, #tpu.memory_space<hbm>>
      %dma_start3A_213 = tpu.memref_squeeze %dma_start3A_212 : memref<1x16x1024xf32, #tpu.memory_space<hbm>> -> memref<16x1024xf32, #tpu.memory_space<hbm>>
      %dma_start3A_214 = arith.constant 0 : i32
      %dma_start3A_215 = tpu.memref_slice %arg4[%dma_start3A_210, %add3A_209, %dma_start3A_214] : memref<4x8192x1024xf32, #tpu.memory_space<hbm>> -> memref<1x16x1024xf32, #tpu.memory_space<hbm>>
      %dma_start3A_216 = tpu.memref_squeeze %dma_start3A_215 : memref<1x16x1024xf32, #tpu.memory_space<hbm>> -> memref<16x1024xf32, #tpu.memory_space<hbm>>
      tpu.enqueue_dma source(%arg10 : memref<16x1024xf32, #tpu.memory_space<vmem>>) target(%dma_start3A_216 : memref<16x1024xf32, #tpu.memory_space<hbm>>) target_semaphore(%arg20 : memref<!tpu.dma_semaphore, #tpu.memory_space<semaphore_mem>>)
      %add3A_217 = arith.constant 2 : i32
      %add3A_218 = arith.addi %add3A_58, %add3A_217 : i32
      %lt3A_219 = arith.constant 16 : i32
      %lt3A_220 = arith.cmpi slt, %add3A_218, %lt3A_219 : i32
      %convert_element_type3A_221 = arith.extui %lt3A_220 : i1 to i32
      %cond3A_222 = arith.constant 0 : i32
      %cond3A_223 = arith.cmpi ne, %convert_element_type3A_221, %cond3A_222 : i32
      scf.if %cond3A_223 {
        %add3A_398 = arith.constant 2 : i32
        %add3A_399 = arith.addi %add3A_58, %add3A_398 : i32
        %mul3A_400 = arith.constant 16 : i32
        %mul3A_401 = arith.muli %add3A_399, %mul3A_400 : i32
        %add3A_402 = arith.addi %mul3A_2, %mul3A_401 : i32
        %dma_start3A_403 = arith.constant 0 : i32
        %dma_start3A_404 = tpu.memref_slice %arg3[%add3A_402, %dma_start3A_403] : memref<8192x1024xf32, #tpu.memory_space<hbm>> -> memref<16x1024xf32, #tpu.memory_space<hbm>>
        %dma_start3A_405 = arith.constant 0 : i32
        %dma_start3A_406 = tpu.memref_slice %arg3[%add3A_402, %dma_start3A_405] : memref<8192x1024xf32, #tpu.memory_space<hbm>> -> memref<16x1024xf32, #tpu.memory_space<hbm>>
        tpu.enqueue_dma source(%dma_start3A_406 : memref<16x1024xf32, #tpu.memory_space<hbm>>) target(%arg5 : memref<16x1024xf32, #tpu.memory_space<vmem>>) target_semaphore(%arg11 : memref<!tpu.dma_semaphore, #tpu.memory_space<semaphore_mem>>)
      } else {
      }
      %mul3A_224 = arith.constant 2 : i32
      %mul3A_225 = arith.muli %mul3A_224, %scan3A_54 : i32
      %add3A_226 = arith.constant 1 : i32
      %add3A_227 = arith.addi %mul3A_225, %add3A_226 : i32
      %mul3A_228 = arith.constant 16 : i32
      %mul3A_229 = arith.muli %add3A_227, %mul3A_228 : i32
      %add3A_230 = arith.addi %mul3A_2, %mul3A_229 : i32
      %dma_wait3A_231 = arith.constant 0 : i32
      %dma_wait3A_232 = tpu.memref_slice %arg3[%add3A_230, %dma_wait3A_231] : memref<8192x1024xf32, #tpu.memory_space<hbm>> -> memref<16x1024xf32, #tpu.memory_space<hbm>>
      %dma_wait3A_233 = arith.constant 0 : i32
      %dma_wait3A_234 = tpu.memref_slice %arg3[%add3A_230, %dma_wait3A_233] : memref<8192x1024xf32, #tpu.memory_space<hbm>> -> memref<16x1024xf32, #tpu.memory_space<hbm>>
      tpu.wait_dma2 semaphore(%arg12 : memref<!tpu.dma_semaphore, #tpu.memory_space<semaphore_mem>>) src(%dma_wait3A_234 : memref<16x1024xf32, #tpu.memory_space<hbm>>) dst(%arg6 : memref<16x1024xf32, #tpu.memory_space<vmem>>)
      %ge3A_235 = arith.constant 1 : i32
      %ge3A_236 = arith.cmpi sge, %add3A_227, %ge3A_235 : i32
      %convert_element_type3A_237 = arith.extui %ge3A_236 : i1 to i32
      %cond3A_238 = arith.constant 0 : i32
      %cond3A_239 = arith.cmpi ne, %convert_element_type3A_237, %cond3A_238 : i32
      scf.if %cond3A_239 {
        %sub3A = arith.constant 1 : i32
        %sub3A_398 = arith.subi %add3A_227, %sub3A : i32
        %mul3A_399 = arith.constant 16 : i32
        %mul3A_400 = arith.muli %sub3A_398, %mul3A_399 : i32
        %add3A_401 = arith.addi %mul3A_2, %mul3A_400 : i32
        %dma_wait3A_402 = arith.constant 2 : i32
        %dma_wait3A_403 = arith.constant 0 : i32
        %dma_wait3A_404 = tpu.memref_slice %arg4[%dma_wait3A_402, %add3A_401, %dma_wait3A_403] : memref<4x8192x1024xf32, #tpu.memory_space<hbm>> -> memref<1x16x1024xf32, #tpu.memory_space<hbm>>
        %dma_wait3A_405 = tpu.memref_squeeze %dma_wait3A_404 : memref<1x16x1024xf32, #tpu.memory_space<hbm>> -> memref<16x1024xf32, #tpu.memory_space<hbm>>
        %dma_wait3A_406 = arith.constant 0 : i32
        %dma_wait3A_407 = tpu.memref_slice %arg4[%dma_wait3A_402, %add3A_401, %dma_wait3A_406] : memref<4x8192x1024xf32, #tpu.memory_space<hbm>> -> memref<1x16x1024xf32, #tpu.memory_space<hbm>>
        %dma_wait3A_408 = tpu.memref_squeeze %dma_wait3A_407 : memref<1x16x1024xf32, #tpu.memory_space<hbm>> -> memref<16x1024xf32, #tpu.memory_space<hbm>>
        tpu.wait_dma2 semaphore(%arg19 : memref<!tpu.dma_semaphore, #tpu.memory_space<semaphore_mem>>) src(%arg9 : memref<16x1024xf32, #tpu.memory_space<vmem>>) dst(%dma_wait3A_408 : memref<16x1024xf32, #tpu.memory_space<hbm>>)
      } else {
      }
      %mul3A_240 = arith.constant 16 : i32
      %mul3A_241 = arith.muli %add3A_227, %mul3A_240 : i32
      %add3A_242 = arith.addi %mul3A_2, %mul3A_241 : i32
      %dma_start3A_243 = arith.constant 2 : i32
      %dma_start3A_244 = arith.constant 0 : i32
      %dma_start3A_245 = tpu.memref_slice %arg2[%dma_start3A_243, %add3A_242, %dma_start3A_244] : memref<4x8192x1024xf32, #tpu.memory_space<hbm>> -> memref<1x16x1024xf32, #tpu.memory_space<hbm>>
      %dma_start3A_246 = tpu.memref_squeeze %dma_start3A_245 : memref<1x16x1024xf32, #tpu.memory_space<hbm>> -> memref<16x1024xf32, #tpu.memory_space<hbm>>
      %dma_start3A_247 = arith.constant 0 : i32
      %dma_start3A_248 = tpu.memref_slice %arg2[%dma_start3A_243, %add3A_242, %dma_start3A_247] : memref<4x8192x1024xf32, #tpu.memory_space<hbm>> -> memref<1x16x1024xf32, #tpu.memory_space<hbm>>
      %dma_start3A_249 = tpu.memref_squeeze %dma_start3A_248 : memref<1x16x1024xf32, #tpu.memory_space<hbm>> -> memref<16x1024xf32, #tpu.memory_space<hbm>>
      tpu.enqueue_dma source(%dma_start3A_249 : memref<16x1024xf32, #tpu.memory_space<hbm>>) target(%arg9 : memref<16x1024xf32, #tpu.memory_space<vmem>>) target_semaphore(%arg15 : memref<!tpu.dma_semaphore, #tpu.memory_space<semaphore_mem>>)
      %mul3A_250 = arith.constant 16 : i32
      %mul3A_251 = arith.muli %add3A_227, %mul3A_250 : i32
      %add3A_252 = arith.addi %mul3A_2, %mul3A_251 : i32
      %dma_wait3A_253 = arith.constant 0 : i32
      %dma_wait3A_254 = arith.constant 0 : i32
      %dma_wait3A_255 = tpu.memref_slice %arg2[%dma_wait3A_253, %add3A_252, %dma_wait3A_254] : memref<4x8192x1024xf32, #tpu.memory_space<hbm>> -> memref<1x16x1024xf32, #tpu.memory_space<hbm>>
      %dma_wait3A_256 = tpu.memref_squeeze %dma_wait3A_255 : memref<1x16x1024xf32, #tpu.memory_space<hbm>> -> memref<16x1024xf32, #tpu.memory_space<hbm>>
      %dma_wait3A_257 = arith.constant 0 : i32
      %dma_wait3A_258 = tpu.memref_slice %arg2[%dma_wait3A_253, %add3A_252, %dma_wait3A_257] : memref<4x8192x1024xf32, #tpu.memory_space<hbm>> -> memref<1x16x1024xf32, #tpu.memory_space<hbm>>
      %dma_wait3A_259 = tpu.memref_squeeze %dma_wait3A_258 : memref<1x16x1024xf32, #tpu.memory_space<hbm>> -> memref<16x1024xf32, #tpu.memory_space<hbm>>
      tpu.wait_dma2 semaphore(%arg13 : memref<!tpu.dma_semaphore, #tpu.memory_space<semaphore_mem>>) src(%dma_wait3A_259 : memref<16x1024xf32, #tpu.memory_space<hbm>>) dst(%arg7 : memref<16x1024xf32, #tpu.memory_space<vmem>>)
      %parallel_loop3A_260 = arith.constant 0 : i32
      %parallel_loop3A_261 = arith.constant 0 : i32
      %parallel_loop3A_262 = arith.constant 1 : i32
      scf.for %parallel_loop3A_398 = %parallel_loop3A_260 to %parallel_loop3A_261 step %parallel_loop3A_262  : i32 {
        %parallel_loop3A_399 = arith.constant 16 : i32
        %parallel_loop3A_400 = arith.muli %parallel_loop3A_398, %parallel_loop3A_399 : i32
        %parallel_loop3A_401 = arith.constant 0 : i32
        %parallel_loop3A_402 = arith.index_cast %parallel_loop3A_401 : i32 to index
        %parallel_loop3A_403 = arith.index_cast %parallel_loop3A_400 : i32 to index
        %parallel_loop3A_404 = tpu.vector_load %arg7[%parallel_loop3A_402, %parallel_loop3A_403] {strides = array<i32>} : memref<16x1024xf32, #tpu.memory_space<vmem>>, vector<1x16xf32>,
        %parallel_loop3A_405 = vector.shape_cast %parallel_loop3A_404 : vector<1x16xf32> to vector<16xf32>
        %parallel_loop3A_406 = arith.constant 0 : i32
        %parallel_loop3A_407 = arith.index_cast %parallel_loop3A_406 : i32 to index
        %parallel_loop3A_408 = arith.index_cast %parallel_loop3A_400 : i32 to index
        %parallel_loop3A_409 = tpu.vector_load %arg6[%parallel_loop3A_407, %parallel_loop3A_408] {strides = array<i32>} : memref<16x1024xf32, #tpu.memory_space<vmem>>, vector<1x16xf32>,
        %parallel_loop3A_410 = vector.shape_cast %parallel_loop3A_409 : vector<1x16xf32> to vector<16xf32>
        %parallel_loop3A_411 = arith.addf %parallel_loop3A_405, %parallel_loop3A_410 : vector<16xf32>
        %parallel_loop3A_412 = arith.constant 0 : i32
        %parallel_loop3A_413 = arith.index_cast %parallel_loop3A_412 : i32 to index
        %parallel_loop3A_414 = arith.index_cast %parallel_loop3A_400 : i32 to index
        %parallel_loop3A_415 = tpu.vector_load %arg7[%parallel_loop3A_413, %parallel_loop3A_414] {strides = array<i32>} : memref<16x1024xf32, #tpu.memory_space<vmem>>, vector<1x16xf32>,
        %parallel_loop3A_416 = vector.shape_cast %parallel_loop3A_415 : vector<1x16xf32> to vector<16xf32>
        %parallel_loop3A_417 = vector.shape_cast %parallel_loop3A_411 : vector<16xf32> to vector<1x16xf32>
        tpu.vector_store %arg7[%parallel_loop3A_413, %parallel_loop3A_414], %parallel_loop3A_417 {strides = array<i32>} : memref<16x1024xf32, #tpu.memory_space<vmem>>, vector<1x16xf32>,
        %parallel_loop3A_418 = arith.constant 1 : i32
        %parallel_loop3A_419 = arith.index_cast %parallel_loop3A_418 : i32 to index
        %parallel_loop3A_420 = arith.index_cast %parallel_loop3A_400 : i32 to index
        %parallel_loop3A_421 = tpu.vector_load %arg7[%parallel_loop3A_419, %parallel_loop3A_420] {strides = array<i32>} : memref<16x1024xf32, #tpu.memory_space<vmem>>, vector<1x16xf32>,
        %parallel_loop3A_422 = vector.shape_cast %parallel_loop3A_421 : vector<1x16xf32> to vector<16xf32>
        %parallel_loop3A_423 = arith.constant 1 : i32
        %parallel_loop3A_424 = arith.index_cast %parallel_loop3A_423 : i32 to index
        %parallel_loop3A_425 = arith.index_cast %parallel_loop3A_400 : i32 to index
        %parallel_loop3A_426 = tpu.vector_load %arg6[%parallel_loop3A_424, %parallel_loop3A_425] {strides = array<i32>} : memref<16x1024xf32, #tpu.memory_space<vmem>>, vector<1x16xf32>,
        %parallel_loop3A_427 = vector.shape_cast %parallel_loop3A_426 : vector<1x16xf32> to vector<16xf32>
        %parallel_loop3A_428 = arith.addf %parallel_loop3A_422, %parallel_loop3A_427 : vector<16xf32>
        %parallel_loop3A_429 = arith.constant 1 : i32
        %parallel_loop3A_430 = arith.index_cast %parallel_loop3A_429 : i32 to index
        %parallel_loop3A_431 = arith.index_cast %parallel_loop3A_400 : i32 to index
        %parallel_loop3A_432 = tpu.vector_load %arg7[%parallel_loop3A_430, %parallel_loop3A_431] {strides = array<i32>} : memref<16x1024xf32, #tpu.memory_space<vmem>>, vector<1x16xf32>,
        %parallel_loop3A_433 = vector.shape_cast %parallel_loop3A_432 : vector<1x16xf32> to vector<16xf32>
        %parallel_loop3A_434 = vector.shape_cast %parallel_loop3A_428 : vector<16xf32> to vector<1x16xf32>
        tpu.vector_store %arg7[%parallel_loop3A_430, %parallel_loop3A_431], %parallel_loop3A_434 {strides = array<i32>} : memref<16x1024xf32, #tpu.memory_space<vmem>>, vector<1x16xf32>,
        %parallel_loop3A_435 = arith.constant 2 : i32
        %parallel_loop3A_436 = arith.index_cast %parallel_loop3A_435 : i32 to index
        %parallel_loop3A_437 = arith.index_cast %parallel_loop3A_400 : i32 to index
        %parallel_loop3A_438 = tpu.vector_load %arg7[%parallel_loop3A_436, %parallel_loop3A_437] {strides = array<i32>} : memref<16x1024xf32, #tpu.memory_space<vmem>>, vector<1x16xf32>,
        %parallel_loop3A_439 = vector.shape_cast %parallel_loop3A_438 : vector<1x16xf32> to vector<16xf32>
        %parallel_loop3A_440 = arith.constant 2 : i32
        %parallel_loop3A_441 = arith.index_cast %parallel_loop3A_440 : i32 to index
        %parallel_loop3A_442 = arith.index_cast %parallel_loop3A_400 : i32 to index
        %parallel_loop3A_443 = tpu.vector_load %arg6[%parallel_loop3A_441, %parallel_loop3A_442] {strides = array<i32>} : memref<16x1024xf32, #tpu.memory_space<vmem>>, vector<1x16xf32>,
        %parallel_loop3A_444 = vector.shape_cast %parallel_loop3A_443 : vector<1x16xf32> to vector<16xf32>
        %parallel_loop3A_445 = arith.addf %parallel_loop3A_439, %parallel_loop3A_444 : vector<16xf32>
        %parallel_loop3A_446 = arith.constant 2 : i32
        %parallel_loop3A_447 = arith.index_cast %parallel_loop3A_446 : i32 to index
        %parallel_loop3A_448 = arith.index_cast %parallel_loop3A_400 : i32 to index
        %parallel_loop3A_449 = tpu.vector_load %arg7[%parallel_loop3A_447, %parallel_loop3A_448] {strides = array<i32>} : memref<16x1024xf32, #tpu.memory_space<vmem>>, vector<1x16xf32>,
        %parallel_loop3A_450 = vector.shape_cast %parallel_loop3A_449 : vector<1x16xf32> to vector<16xf32>
        %parallel_loop3A_451 = vector.shape_cast %parallel_loop3A_445 : vector<16xf32> to vector<1x16xf32>
        tpu.vector_store %arg7[%parallel_loop3A_447, %parallel_loop3A_448], %parallel_loop3A_451 {strides = array<i32>} : memref<16x1024xf32, #tpu.memory_space<vmem>>, vector<1x16xf32>,
        %parallel_loop3A_452 = arith.constant 3 : i32
        %parallel_loop3A_453 = arith.index_cast %parallel_loop3A_452 : i32 to index
        %parallel_loop3A_454 = arith.index_cast %parallel_loop3A_400 : i32 to index
        %parallel_loop3A_455 = tpu.vector_load %arg7[%parallel_loop3A_453, %parallel_loop3A_454] {strides = array<i32>} : memref<16x1024xf32, #tpu.memory_space<vmem>>, vector<1x16xf32>,
        %parallel_loop3A_456 = vector.shape_cast %parallel_loop3A_455 : vector<1x16xf32> to vector<16xf32>
        %parallel_loop3A_457 = arith.constant 3 : i32
        %parallel_loop3A_458 = arith.index_cast %parallel_loop3A_457 : i32 to index
        %parallel_loop3A_459 = arith.index_cast %parallel_loop3A_400 : i32 to index
        %parallel_loop3A_460 = tpu.vector_load %arg6[%parallel_loop3A_458, %parallel_loop3A_459] {strides = array<i32>} : memref<16x1024xf32, #tpu.memory_space<vmem>>, vector<1x16xf32>,
        %parallel_loop3A_461 = vector.shape_cast %parallel_loop3A_460 : vector<1x16xf32> to vector<16xf32>
        %parallel_loop3A_462 = arith.addf %parallel_loop3A_456, %parallel_loop3A_461 : vector<16xf32>
        %parallel_loop3A_463 = arith.constant 3 : i32
        %parallel_loop3A_464 = arith.index_cast %parallel_loop3A_463 : i32 to index
        %parallel_loop3A_465 = arith.index_cast %parallel_loop3A_400 : i32 to index
        %parallel_loop3A_466 = tpu.vector_load %arg7[%parallel_loop3A_464, %parallel_loop3A_465] {strides = array<i32>} : memref<16x1024xf32, #tpu.memory_space<vmem>>, vector<1x16xf32>,
        %parallel_loop3A_467 = vector.shape_cast %parallel_loop3A_466 : vector<1x16xf32> to vector<16xf32>
        %parallel_loop3A_468 = vector.shape_cast %parallel_loop3A_462 : vector<16xf32> to vector<1x16xf32>
        tpu.vector_store %arg7[%parallel_loop3A_464, %parallel_loop3A_465], %parallel_loop3A_468 {strides = array<i32>} : memref<16x1024xf32, #tpu.memory_space<vmem>>, vector<1x16xf32>,
        %parallel_loop3A_469 = arith.constant 4 : i32
        %parallel_loop3A_470 = arith.index_cast %parallel_loop3A_469 : i32 to index
        %parallel_loop3A_471 = arith.index_cast %parallel_loop3A_400 : i32 to index
        %parallel_loop3A_472 = tpu.vector_load %arg7[%parallel_loop3A_470, %parallel_loop3A_471] {strides = array<i32>} : memref<16x1024xf32, #tpu.memory_space<vmem>>, vector<1x16xf32>,
        %parallel_loop3A_473 = vector.shape_cast %parallel_loop3A_472 : vector<1x16xf32> to vector<16xf32>
        %parallel_loop3A_474 = arith.constant 4 : i32
        %parallel_loop3A_475 = arith.index_cast %parallel_loop3A_474 : i32 to index
        %parallel_loop3A_476 = arith.index_cast %parallel_loop3A_400 : i32 to index
        %parallel_loop3A_477 = tpu.vector_load %arg6[%parallel_loop3A_475, %parallel_loop3A_476] {strides = array<i32>} : memref<16x1024xf32, #tpu.memory_space<vmem>>, vector<1x16xf32>,
        %parallel_loop3A_478 = vector.shape_cast %parallel_loop3A_477 : vector<1x16xf32> to vector<16xf32>
        %parallel_loop3A_479 = arith.addf %parallel_loop3A_473, %parallel_loop3A_478 : vector<16xf32>
        %parallel_loop3A_480 = arith.constant 4 : i32
        %parallel_loop3A_481 = arith.index_cast %parallel_loop3A_480 : i32 to index
        %parallel_loop3A_482 = arith.index_cast %parallel_loop3A_400 : i32 to index
        %parallel_loop3A_483 = tpu.vector_load %arg7[%parallel_loop3A_481, %parallel_loop3A_482] {strides = array<i32>} : memref<16x1024xf32, #tpu.memory_space<vmem>>, vector<1x16xf32>,
        %parallel_loop3A_484 = vector.shape_cast %parallel_loop3A_483 : vector<1x16xf32> to vector<16xf32>
        %parallel_loop3A_485 = vector.shape_cast %parallel_loop3A_479 : vector<16xf32> to vector<1x16xf32>
        tpu.vector_store %arg7[%parallel_loop3A_481, %parallel_loop3A_482], %parallel_loop3A_485 {strides = array<i32>} : memref<16x1024xf32, #tpu.memory_space<vmem>>, vector<1x16xf32>,
        %parallel_loop3A_486 = arith.constant 5 : i32
        %parallel_loop3A_487 = arith.index_cast %parallel_loop3A_486 : i32 to index
        %parallel_loop3A_488 = arith.index_cast %parallel_loop3A_400 : i32 to index
        %parallel_loop3A_489 = tpu.vector_load %arg7[%parallel_loop3A_487, %parallel_loop3A_488] {strides = array<i32>} : memref<16x1024xf32, #tpu.memory_space<vmem>>, vector<1x16xf32>,
        %parallel_loop3A_490 = vector.shape_cast %parallel_loop3A_489 : vector<1x16xf32> to vector<16xf32>
        %parallel_loop3A_491 = arith.constant 5 : i32
        %parallel_loop3A_492 = arith.index_cast %parallel_loop3A_491 : i32 to index
        %parallel_loop3A_493 = arith.index_cast %parallel_loop3A_400 : i32 to index
        %parallel_loop3A_494 = tpu.vector_load %arg6[%parallel_loop3A_492, %parallel_loop3A_493] {strides = array<i32>} : memref<16x1024xf32, #tpu.memory_space<vmem>>, vector<1x16xf32>,
        %parallel_loop3A_495 = vector.shape_cast %parallel_loop3A_494 : vector<1x16xf32> to vector<16xf32>
        %parallel_loop3A_496 = arith.addf %parallel_loop3A_490, %parallel_loop3A_495 : vector<16xf32>
        %parallel_loop3A_497 = arith.constant 5 : i32
        %parallel_loop3A_498 = arith.index_cast %parallel_loop3A_497 : i32 to index
        %parallel_loop3A_499 = arith.index_cast %parallel_loop3A_400 : i32 to index
        %parallel_loop3A_500 = tpu.vector_load %arg7[%parallel_loop3A_498, %parallel_loop3A_499] {strides = array<i32>} : memref<16x1024xf32, #tpu.memory_space<vmem>>, vector<1x16xf32>,
        %parallel_loop3A_501 = vector.shape_cast %parallel_loop3A_500 : vector<1x16xf32> to vector<16xf32>
        %parallel_loop3A_502 = vector.shape_cast %parallel_loop3A_496 : vector<16xf32> to vector<1x16xf32>
        tpu.vector_store %arg7[%parallel_loop3A_498, %parallel_loop3A_499], %parallel_loop3A_502 {strides = array<i32>} : memref<16x1024xf32, #tpu.memory_space<vmem>>, vector<1x16xf32>,
        %parallel_loop3A_503 = arith.constant 6 : i32
        %parallel_loop3A_504 = arith.index_cast %parallel_loop3A_503 : i32 to index
        %parallel_loop3A_505 = arith.index_cast %parallel_loop3A_400 : i32 to index
        %parallel_loop3A_506 = tpu.vector_load %arg7[%parallel_loop3A_504, %parallel_loop3A_505] {strides = array<i32>} : memref<16x1024xf32, #tpu.memory_space<vmem>>, vector<1x16xf32>,
        %parallel_loop3A_507 = vector.shape_cast %parallel_loop3A_506 : vector<1x16xf32> to vector<16xf32>
        %parallel_loop3A_508 = arith.constant 6 : i32
        %parallel_loop3A_509 = arith.index_cast %parallel_loop3A_508 : i32 to index
        %parallel_loop3A_510 = arith.index_cast %parallel_loop3A_400 : i32 to index
        %parallel_loop3A_511 = tpu.vector_load %arg6[%parallel_loop3A_509, %parallel_loop3A_510] {strides = array<i32>} : memref<16x1024xf32, #tpu.memory_space<vmem>>, vector<1x16xf32>,
        %parallel_loop3A_512 = vector.shape_cast %parallel_loop3A_511 : vector<1x16xf32> to vector<16xf32>
        %parallel_loop3A_513 = arith.addf %parallel_loop3A_507, %parallel_loop3A_512 : vector<16xf32>
        %parallel_loop3A_514 = arith.constant 6 : i32
        %parallel_loop3A_515 = arith.index_cast %parallel_loop3A_514 : i32 to index
        %parallel_loop3A_516 = arith.index_cast %parallel_loop3A_400 : i32 to index
        %parallel_loop3A_517 = tpu.vector_load %arg7[%parallel_loop3A_515, %parallel_loop3A_516] {strides = array<i32>} : memref<16x1024xf32, #tpu.memory_space<vmem>>, vector<1x16xf32>,
        %parallel_loop3A_518 = vector.shape_cast %parallel_loop3A_517 : vector<1x16xf32> to vector<16xf32>
        %parallel_loop3A_519 = vector.shape_cast %parallel_loop3A_513 : vector<16xf32> to vector<1x16xf32>
        tpu.vector_store %arg7[%parallel_loop3A_515, %parallel_loop3A_516], %parallel_loop3A_519 {strides = array<i32>} : memref<16x1024xf32, #tpu.memory_space<vmem>>, vector<1x16xf32>,
        %parallel_loop3A_520 = arith.constant 7 : i32
        %parallel_loop3A_521 = arith.index_cast %parallel_loop3A_520 : i32 to index
        %parallel_loop3A_522 = arith.index_cast %parallel_loop3A_400 : i32 to index
        %parallel_loop3A_523 = tpu.vector_load %arg7[%parallel_loop3A_521, %parallel_loop3A_522] {strides = array<i32>} : memref<16x1024xf32, #tpu.memory_space<vmem>>, vector<1x16xf32>,
        %parallel_loop3A_524 = vector.shape_cast %parallel_loop3A_523 : vector<1x16xf32> to vector<16xf32>
        %parallel_loop3A_525 = arith.constant 7 : i32
        %parallel_loop3A_526 = arith.index_cast %parallel_loop3A_525 : i32 to index
        %parallel_loop3A_527 = arith.index_cast %parallel_loop3A_400 : i32 to index
        %parallel_loop3A_528 = tpu.vector_load %arg6[%parallel_loop3A_526, %parallel_loop3A_527] {strides = array<i32>} : memref<16x1024xf32, #tpu.memory_space<vmem>>, vector<1x16xf32>,
        %parallel_loop3A_529 = vector.shape_cast %parallel_loop3A_528 : vector<1x16xf32> to vector<16xf32>
        %parallel_loop3A_530 = arith.addf %parallel_loop3A_524, %parallel_loop3A_529 : vector<16xf32>
        %parallel_loop3A_531 = arith.constant 7 : i32
        %parallel_loop3A_532 = arith.index_cast %parallel_loop3A_531 : i32 to index
        %parallel_loop3A_533 = arith.index_cast %parallel_loop3A_400 : i32 to index
        %parallel_loop3A_534 = tpu.vector_load %arg7[%parallel_loop3A_532, %parallel_loop3A_533] {strides = array<i32>} : memref<16x1024xf32, #tpu.memory_space<vmem>>, vector<1x16xf32>,
        %parallel_loop3A_535 = vector.shape_cast %parallel_loop3A_534 : vector<1x16xf32> to vector<16xf32>
        %parallel_loop3A_536 = vector.shape_cast %parallel_loop3A_530 : vector<16xf32> to vector<1x16xf32>
        tpu.vector_store %arg7[%parallel_loop3A_532, %parallel_loop3A_533], %parallel_loop3A_536 {strides = array<i32>} : memref<16x1024xf32, #tpu.memory_space<vmem>>, vector<1x16xf32>,
        %parallel_loop3A_537 = arith.constant 8 : i32
        %parallel_loop3A_538 = arith.index_cast %parallel_loop3A_537 : i32 to index
        %parallel_loop3A_539 = arith.index_cast %parallel_loop3A_400 : i32 to index
        %parallel_loop3A_540 = tpu.vector_load %arg7[%parallel_loop3A_538, %parallel_loop3A_539] {strides = array<i32>} : memref<16x1024xf32, #tpu.memory_space<vmem>>, vector<1x16xf32>,
        %parallel_loop3A_541 = vector.shape_cast %parallel_loop3A_540 : vector<1x16xf32> to vector<16xf32>
        %parallel_loop3A_542 = arith.constant 8 : i32
        %parallel_loop3A_543 = arith.index_cast %parallel_loop3A_542 : i32 to index
        %parallel_loop3A_544 = arith.index_cast %parallel_loop3A_400 : i32 to index
        %parallel_loop3A_545 = tpu.vector_load %arg6[%parallel_loop3A_543, %parallel_loop3A_544] {strides = array<i32>} : memref<16x1024xf32, #tpu.memory_space<vmem>>, vector<1x16xf32>,
        %parallel_loop3A_546 = vector.shape_cast %parallel_loop3A_545 : vector<1x16xf32> to vector<16xf32>
        %parallel_loop3A_547 = arith.addf %parallel_loop3A_541, %parallel_loop3A_546 : vector<16xf32>
        %parallel_loop3A_548 = arith.constant 8 : i32
        %parallel_loop3A_549 = arith.index_cast %parallel_loop3A_548 : i32 to index
        %parallel_loop3A_550 = arith.index_cast %parallel_loop3A_400 : i32 to index
        %parallel_loop3A_551 = tpu.vector_load %arg7[%parallel_loop3A_549, %parallel_loop3A_550] {strides = array<i32>} : memref<16x1024xf32, #tpu.memory_space<vmem>>, vector<1x16xf32>,
        %parallel_loop3A_552 = vector.shape_cast %parallel_loop3A_551 : vector<1x16xf32> to vector<16xf32>
        %parallel_loop3A_553 = vector.shape_cast %parallel_loop3A_547 : vector<16xf32> to vector<1x16xf32>
        tpu.vector_store %arg7[%parallel_loop3A_549, %parallel_loop3A_550], %parallel_loop3A_553 {strides = array<i32>} : memref<16x1024xf32, #tpu.memory_space<vmem>>, vector<1x16xf32>,
        %parallel_loop3A_554 = arith.constant 9 : i32
        %parallel_loop3A_555 = arith.index_cast %parallel_loop3A_554 : i32 to index
        %parallel_loop3A_556 = arith.index_cast %parallel_loop3A_400 : i32 to index
        %parallel_loop3A_557 = tpu.vector_load %arg7[%parallel_loop3A_555, %parallel_loop3A_556] {strides = array<i32>} : memref<16x1024xf32, #tpu.memory_space<vmem>>, vector<1x16xf32>,
        %parallel_loop3A_558 = vector.shape_cast %parallel_loop3A_557 : vector<1x16xf32> to vector<16xf32>
        %parallel_loop3A_559 = arith.constant 9 : i32
        %parallel_loop3A_560 = arith.index_cast %parallel_loop3A_559 : i32 to index
        %parallel_loop3A_561 = arith.index_cast %parallel_loop3A_400 : i32 to index
        %parallel_loop3A_562 = tpu.vector_load %arg6[%parallel_loop3A_560, %parallel_loop3A_561] {strides = array<i32>} : memref<16x1024xf32, #tpu.memory_space<vmem>>, vector<1x16xf32>,
        %parallel_loop3A_563 = vector.shape_cast %parallel_loop3A_562 : vector<1x16xf32> to vector<16xf32>
        %parallel_loop3A_564 = arith.addf %parallel_loop3A_558, %parallel_loop3A_563 : vector<16xf32>
        %parallel_loop3A_565 = arith.constant 9 : i32
        %parallel_loop3A_566 = arith.index_cast %parallel_loop3A_565 : i32 to index
        %parallel_loop3A_567 = arith.index_cast %parallel_loop3A_400 : i32 to index
        %parallel_loop3A_568 = tpu.vector_load %arg7[%parallel_loop3A_566, %parallel_loop3A_567] {strides = array<i32>} : memref<16x1024xf32, #tpu.memory_space<vmem>>, vector<1x16xf32>,
        %parallel_loop3A_569 = vector.shape_cast %parallel_loop3A_568 : vector<1x16xf32> to vector<16xf32>
        %parallel_loop3A_570 = vector.shape_cast %parallel_loop3A_564 : vector<16xf32> to vector<1x16xf32>
        tpu.vector_store %arg7[%parallel_loop3A_566, %parallel_loop3A_567], %parallel_loop3A_570 {strides = array<i32>} : memref<16x1024xf32, #tpu.memory_space<vmem>>, vector<1x16xf32>,
        %parallel_loop3A_571 = arith.constant 10 : i32
        %parallel_loop3A_572 = arith.index_cast %parallel_loop3A_571 : i32 to index
        %parallel_loop3A_573 = arith.index_cast %parallel_loop3A_400 : i32 to index
        %parallel_loop3A_574 = tpu.vector_load %arg7[%parallel_loop3A_572, %parallel_loop3A_573] {strides = array<i32>} : memref<16x1024xf32, #tpu.memory_space<vmem>>, vector<1x16xf32>,
        %parallel_loop3A_575 = vector.shape_cast %parallel_loop3A_574 : vector<1x16xf32> to vector<16xf32>
        %parallel_loop3A_576 = arith.constant 10 : i32
        %parallel_loop3A_577 = arith.index_cast %parallel_loop3A_576 : i32 to index
        %parallel_loop3A_578 = arith.index_cast %parallel_loop3A_400 : i32 to index
        %parallel_loop3A_579 = tpu.vector_load %arg6[%parallel_loop3A_577, %parallel_loop3A_578] {strides = array<i32>} : memref<16x1024xf32, #tpu.memory_space<vmem>>, vector<1x16xf32>,
        %parallel_loop3A_580 = vector.shape_cast %parallel_loop3A_579 : vector<1x16xf32> to vector<16xf32>
        %parallel_loop3A_581 = arith.addf %parallel_loop3A_575, %parallel_loop3A_580 : vector<16xf32>
        %parallel_loop3A_582 = arith.constant 10 : i32
        %parallel_loop3A_583 = arith.index_cast %parallel_loop3A_582 : i32 to index
        %parallel_loop3A_584 = arith.index_cast %parallel_loop3A_400 : i32 to index
        %parallel_loop3A_585 = tpu.vector_load %arg7[%parallel_loop3A_583, %parallel_loop3A_584] {strides = array<i32>} : memref<16x1024xf32, #tpu.memory_space<vmem>>, vector<1x16xf32>,
        %parallel_loop3A_586 = vector.shape_cast %parallel_loop3A_585 : vector<1x16xf32> to vector<16xf32>
        %parallel_loop3A_587 = vector.shape_cast %parallel_loop3A_581 : vector<16xf32> to vector<1x16xf32>
        tpu.vector_store %arg7[%parallel_loop3A_583, %parallel_loop3A_584], %parallel_loop3A_587 {strides = array<i32>} : memref<16x1024xf32, #tpu.memory_space<vmem>>, vector<1x16xf32>,
        %parallel_loop3A_588 = arith.constant 11 : i32
        %parallel_loop3A_589 = arith.index_cast %parallel_loop3A_588 : i32 to index
        %parallel_loop3A_590 = arith.index_cast %parallel_loop3A_400 : i32 to index
        %parallel_loop3A_591 = tpu.vector_load %arg7[%parallel_loop3A_589, %parallel_loop3A_590] {strides = array<i32>} : memref<16x1024xf32, #tpu.memory_space<vmem>>, vector<1x16xf32>,
        %parallel_loop3A_592 = vector.shape_cast %parallel_loop3A_591 : vector<1x16xf32> to vector<16xf32>
        %parallel_loop3A_593 = arith.constant 11 : i32
        %parallel_loop3A_594 = arith.index_cast %parallel_loop3A_593 : i32 to index
        %parallel_loop3A_595 = arith.index_cast %parallel_loop3A_400 : i32 to index
        %parallel_loop3A_596 = tpu.vector_load %arg6[%parallel_loop3A_594, %parallel_loop3A_595] {strides = array<i32>} : memref<16x1024xf32, #tpu.memory_space<vmem>>, vector<1x16xf32>,
        %parallel_loop3A_597 = vector.shape_cast %parallel_loop3A_596 : vector<1x16xf32> to vector<16xf32>
        %parallel_loop3A_598 = arith.addf %parallel_loop3A_592, %parallel_loop3A_597 : vector<16xf32>
        %parallel_loop3A_599 = arith.constant 11 : i32
        %parallel_loop3A_600 = arith.index_cast %parallel_loop3A_599 : i32 to index
        %parallel_loop3A_601 = arith.index_cast %parallel_loop3A_400 : i32 to index
        %parallel_loop3A_602 = tpu.vector_load %arg7[%parallel_loop3A_600, %parallel_loop3A_601] {strides = array<i32>} : memref<16x1024xf32, #tpu.memory_space<vmem>>, vector<1x16xf32>,
        %parallel_loop3A_603 = vector.shape_cast %parallel_loop3A_602 : vector<1x16xf32> to vector<16xf32>
        %parallel_loop3A_604 = vector.shape_cast %parallel_loop3A_598 : vector<16xf32> to vector<1x16xf32>
        tpu.vector_store %arg7[%parallel_loop3A_600, %parallel_loop3A_601], %parallel_loop3A_604 {strides = array<i32>} : memref<16x1024xf32, #tpu.memory_space<vmem>>, vector<1x16xf32>,
        %parallel_loop3A_605 = arith.constant 12 : i32
        %parallel_loop3A_606 = arith.index_cast %parallel_loop3A_605 : i32 to index
        %parallel_loop3A_607 = arith.index_cast %parallel_loop3A_400 : i32 to index
        %parallel_loop3A_608 = tpu.vector_load %arg7[%parallel_loop3A_606, %parallel_loop3A_607] {strides = array<i32>} : memref<16x1024xf32, #tpu.memory_space<vmem>>, vector<1x16xf32>,
        %parallel_loop3A_609 = vector.shape_cast %parallel_loop3A_608 : vector<1x16xf32> to vector<16xf32>
        %parallel_loop3A_610 = arith.constant 12 : i32
        %parallel_loop3A_611 = arith.index_cast %parallel_loop3A_610 : i32 to index
        %parallel_loop3A_612 = arith.index_cast %parallel_loop3A_400 : i32 to index
        %parallel_loop3A_613 = tpu.vector_load %arg6[%parallel_loop3A_611, %parallel_loop3A_612] {strides = array<i32>} : memref<16x1024xf32, #tpu.memory_space<vmem>>, vector<1x16xf32>,
        %parallel_loop3A_614 = vector.shape_cast %parallel_loop3A_613 : vector<1x16xf32> to vector<16xf32>
        %parallel_loop3A_615 = arith.addf %parallel_loop3A_609, %parallel_loop3A_614 : vector<16xf32>
        %parallel_loop3A_616 = arith.constant 12 : i32
        %parallel_loop3A_617 = arith.index_cast %parallel_loop3A_616 : i32 to index
        %parallel_loop3A_618 = arith.index_cast %parallel_loop3A_400 : i32 to index
        %parallel_loop3A_619 = tpu.vector_load %arg7[%parallel_loop3A_617, %parallel_loop3A_618] {strides = array<i32>} : memref<16x1024xf32, #tpu.memory_space<vmem>>, vector<1x16xf32>,
        %parallel_loop3A_620 = vector.shape_cast %parallel_loop3A_619 : vector<1x16xf32> to vector<16xf32>
        %parallel_loop3A_621 = vector.shape_cast %parallel_loop3A_615 : vector<16xf32> to vector<1x16xf32>
        tpu.vector_store %arg7[%parallel_loop3A_617, %parallel_loop3A_618], %parallel_loop3A_621 {strides = array<i32>} : memref<16x1024xf32, #tpu.memory_space<vmem>>, vector<1x16xf32>,
        %parallel_loop3A_622 = arith.constant 13 : i32
        %parallel_loop3A_623 = arith.index_cast %parallel_loop3A_622 : i32 to index
        %parallel_loop3A_624 = arith.index_cast %parallel_loop3A_400 : i32 to index
        %parallel_loop3A_625 = tpu.vector_load %arg7[%parallel_loop3A_623, %parallel_loop3A_624] {strides = array<i32>} : memref<16x1024xf32, #tpu.memory_space<vmem>>, vector<1x16xf32>,
        %parallel_loop3A_626 = vector.shape_cast %parallel_loop3A_625 : vector<1x16xf32> to vector<16xf32>
        %parallel_loop3A_627 = arith.constant 13 : i32
        %parallel_loop3A_628 = arith.index_cast %parallel_loop3A_627 : i32 to index
        %parallel_loop3A_629 = arith.index_cast %parallel_loop3A_400 : i32 to index
        %parallel_loop3A_630 = tpu.vector_load %arg6[%parallel_loop3A_628, %parallel_loop3A_629] {strides = array<i32>} : memref<16x1024xf32, #tpu.memory_space<vmem>>, vector<1x16xf32>,
        %parallel_loop3A_631 = vector.shape_cast %parallel_loop3A_630 : vector<1x16xf32> to vector<16xf32>
        %parallel_loop3A_632 = arith.addf %parallel_loop3A_626, %parallel_loop3A_631 : vector<16xf32>
        %parallel_loop3A_633 = arith.constant 13 : i32
        %parallel_loop3A_634 = arith.index_cast %parallel_loop3A_633 : i32 to index
        %parallel_loop3A_635 = arith.index_cast %parallel_loop3A_400 : i32 to index
        %parallel_loop3A_636 = tpu.vector_load %arg7[%parallel_loop3A_634, %parallel_loop3A_635] {strides = array<i32>} : memref<16x1024xf32, #tpu.memory_space<vmem>>, vector<1x16xf32>,
        %parallel_loop3A_637 = vector.shape_cast %parallel_loop3A_636 : vector<1x16xf32> to vector<16xf32>
        %parallel_loop3A_638 = vector.shape_cast %parallel_loop3A_632 : vector<16xf32> to vector<1x16xf32>
        tpu.vector_store %arg7[%parallel_loop3A_634, %parallel_loop3A_635], %parallel_loop3A_638 {strides = array<i32>} : memref<16x1024xf32, #tpu.memory_space<vmem>>, vector<1x16xf32>,
        %parallel_loop3A_639 = arith.constant 14 : i32
        %parallel_loop3A_640 = arith.index_cast %parallel_loop3A_639 : i32 to index
        %parallel_loop3A_641 = arith.index_cast %parallel_loop3A_400 : i32 to index
        %parallel_loop3A_642 = tpu.vector_load %arg7[%parallel_loop3A_640, %parallel_loop3A_641] {strides = array<i32>} : memref<16x1024xf32, #tpu.memory_space<vmem>>, vector<1x16xf32>,
        %parallel_loop3A_643 = vector.shape_cast %parallel_loop3A_642 : vector<1x16xf32> to vector<16xf32>
        %parallel_loop3A_644 = arith.constant 14 : i32
        %parallel_loop3A_645 = arith.index_cast %parallel_loop3A_644 : i32 to index
        %parallel_loop3A_646 = arith.index_cast %parallel_loop3A_400 : i32 to index
        %parallel_loop3A_647 = tpu.vector_load %arg6[%parallel_loop3A_645, %parallel_loop3A_646] {strides = array<i32>} : memref<16x1024xf32, #tpu.memory_space<vmem>>, vector<1x16xf32>,
        %parallel_loop3A_648 = vector.shape_cast %parallel_loop3A_647 : vector<1x16xf32> to vector<16xf32>
        %parallel_loop3A_649 = arith.addf %parallel_loop3A_643, %parallel_loop3A_648 : vector<16xf32>
        %parallel_loop3A_650 = arith.constant 14 : i32
        %parallel_loop3A_651 = arith.index_cast %parallel_loop3A_650 : i32 to index
        %parallel_loop3A_652 = arith.index_cast %parallel_loop3A_400 : i32 to index
        %parallel_loop3A_653 = tpu.vector_load %arg7[%parallel_loop3A_651, %parallel_loop3A_652] {strides = array<i32>} : memref<16x1024xf32, #tpu.memory_space<vmem>>, vector<1x16xf32>,
        %parallel_loop3A_654 = vector.shape_cast %parallel_loop3A_653 : vector<1x16xf32> to vector<16xf32>
        %parallel_loop3A_655 = vector.shape_cast %parallel_loop3A_649 : vector<16xf32> to vector<1x16xf32>
        tpu.vector_store %arg7[%parallel_loop3A_651, %parallel_loop3A_652], %parallel_loop3A_655 {strides = array<i32>} : memref<16x1024xf32, #tpu.memory_space<vmem>>, vector<1x16xf32>,
        %parallel_loop3A_656 = arith.constant 15 : i32
        %parallel_loop3A_657 = arith.index_cast %parallel_loop3A_656 : i32 to index
        %parallel_loop3A_658 = arith.index_cast %parallel_loop3A_400 : i32 to index
        %parallel_loop3A_659 = tpu.vector_load %arg7[%parallel_loop3A_657, %parallel_loop3A_658] {strides = array<i32>} : memref<16x1024xf32, #tpu.memory_space<vmem>>, vector<1x16xf32>,
        %parallel_loop3A_660 = vector.shape_cast %parallel_loop3A_659 : vector<1x16xf32> to vector<16xf32>
        %parallel_loop3A_661 = arith.constant 15 : i32
        %parallel_loop3A_662 = arith.index_cast %parallel_loop3A_661 : i32 to index
        %parallel_loop3A_663 = arith.index_cast %parallel_loop3A_400 : i32 to index
        %parallel_loop3A_664 = tpu.vector_load %arg6[%parallel_loop3A_662, %parallel_loop3A_663] {strides = array<i32>} : memref<16x1024xf32, #tpu.memory_space<vmem>>, vector<1x16xf32>,
        %parallel_loop3A_665 = vector.shape_cast %parallel_loop3A_664 : vector<1x16xf32> to vector<16xf32>
        %parallel_loop3A_666 = arith.addf %parallel_loop3A_660, %parallel_loop3A_665 : vector<16xf32>
        %parallel_loop3A_667 = arith.constant 15 : i32
        %parallel_loop3A_668 = arith.index_cast %parallel_loop3A_667 : i32 to index
        %parallel_loop3A_669 = arith.index_cast %parallel_loop3A_400 : i32 to index
        %parallel_loop3A_670 = tpu.vector_load %arg7[%parallel_loop3A_668, %parallel_loop3A_669] {strides = array<i32>} : memref<16x1024xf32, #tpu.memory_space<vmem>>, vector<1x16xf32>,
        %parallel_loop3A_671 = vector.shape_cast %parallel_loop3A_670 : vector<1x16xf32> to vector<16xf32>
        %parallel_loop3A_672 = vector.shape_cast %parallel_loop3A_666 : vector<16xf32> to vector<1x16xf32>
        tpu.vector_store %arg7[%parallel_loop3A_668, %parallel_loop3A_669], %parallel_loop3A_672 {strides = array<i32>} : memref<16x1024xf32, #tpu.memory_space<vmem>>, vector<1x16xf32>,
      } {sc.loop_unroll_factor = 4 : i64, sc.parallel_access}
      %mul3A_263 = arith.constant 16 : i32
      %mul3A_264 = arith.muli %add3A_227, %mul3A_263 : i32
      %add3A_265 = arith.addi %mul3A_2, %mul3A_264 : i32
      %dma_start3A_266 = arith.constant 0 : i32
      %dma_start3A_267 = arith.constant 0 : i32
      %dma_start3A_268 = tpu.memref_slice %arg4[%dma_start3A_266, %add3A_265, %dma_start3A_267] : memref<4x8192x1024xf32, #tpu.memory_space<hbm>> -> memref<1x16x1024xf32, #tpu.memory_space<hbm>>
      %dma_start3A_269 = tpu.memref_squeeze %dma_start3A_268 : memref<1x16x1024xf32, #tpu.memory_space<hbm>> -> memref<16x1024xf32, #tpu.memory_space<hbm>>
      %dma_start3A_270 = arith.constant 0 : i32
      %dma_start3A_271 = tpu.memref_slice %arg4[%dma_start3A_266, %add3A_265, %dma_start3A_270] : memref<4x8192x1024xf32, #tpu.memory_space<hbm>> -> memref<1x16x1024xf32, #tpu.memory_space<hbm>>
      %dma_start3A_272 = tpu.memref_squeeze %dma_start3A_271 : memref<1x16x1024xf32, #tpu.memory_space<hbm>> -> memref<16x1024xf32, #tpu.memory_space<hbm>>
      tpu.enqueue_dma source(%arg7 : memref<16x1024xf32, #tpu.memory_space<vmem>>) target(%dma_start3A_272 : memref<16x1024xf32, #tpu.memory_space<hbm>>) target_semaphore(%arg17 : memref<!tpu.dma_semaphore, #tpu.memory_space<semaphore_mem>>)
      %ge3A_273 = arith.constant 1 : i32
      %ge3A_274 = arith.cmpi sge, %add3A_227, %ge3A_273 : i32
      %convert_element_type3A_275 = arith.extui %ge3A_274 : i1 to i32
      %cond3A_276 = arith.constant 0 : i32
      %cond3A_277 = arith.cmpi ne, %convert_element_type3A_275, %cond3A_276 : i32
      scf.if %cond3A_277 {
        %sub3A = arith.constant 1 : i32
        %sub3A_398 = arith.subi %add3A_227, %sub3A : i32
        %mul3A_399 = arith.constant 16 : i32
        %mul3A_400 = arith.muli %sub3A_398, %mul3A_399 : i32
        %add3A_401 = arith.addi %mul3A_2, %mul3A_400 : i32
        %dma_wait3A_402 = arith.constant 3 : i32
        %dma_wait3A_403 = arith.constant 0 : i32
        %dma_wait3A_404 = tpu.memref_slice %arg4[%dma_wait3A_402, %add3A_401, %dma_wait3A_403] : memref<4x8192x1024xf32, #tpu.memory_space<hbm>> -> memref<1x16x1024xf32, #tpu.memory_space<hbm>>
        %dma_wait3A_405 = tpu.memref_squeeze %dma_wait3A_404 : memref<1x16x1024xf32, #tpu.memory_space<hbm>> -> memref<16x1024xf32, #tpu.memory_space<hbm>>
        %dma_wait3A_406 = arith.constant 0 : i32
        %dma_wait3A_407 = tpu.memref_slice %arg4[%dma_wait3A_402, %add3A_401, %dma_wait3A_406] : memref<4x8192x1024xf32, #tpu.memory_space<hbm>> -> memref<1x16x1024xf32, #tpu.memory_space<hbm>>
        %dma_wait3A_408 = tpu.memref_squeeze %dma_wait3A_407 : memref<1x16x1024xf32, #tpu.memory_space<hbm>> -> memref<16x1024xf32, #tpu.memory_space<hbm>>
        tpu.wait_dma2 semaphore(%arg20 : memref<!tpu.dma_semaphore, #tpu.memory_space<semaphore_mem>>) src(%arg10 : memref<16x1024xf32, #tpu.memory_space<vmem>>) dst(%dma_wait3A_408 : memref<16x1024xf32, #tpu.memory_space<hbm>>)
      } else {
      }
      %mul3A_278 = arith.constant 16 : i32
      %mul3A_279 = arith.muli %add3A_227, %mul3A_278 : i32
      %add3A_280 = arith.addi %mul3A_2, %mul3A_279 : i32
      %dma_start3A_281 = arith.constant 3 : i32
      %dma_start3A_282 = arith.constant 0 : i32
      %dma_start3A_283 = tpu.memref_slice %arg2[%dma_start3A_281, %add3A_280, %dma_start3A_282] : memref<4x8192x1024xf32, #tpu.memory_space<hbm>> -> memref<1x16x1024xf32, #tpu.memory_space<hbm>>
      %dma_start3A_284 = tpu.memref_squeeze %dma_start3A_283 : memref<1x16x1024xf32, #tpu.memory_space<hbm>> -> memref<16x1024xf32, #tpu.memory_space<hbm>>
      %dma_start3A_285 = arith.constant 0 : i32
      %dma_start3A_286 = tpu.memref_slice %arg2[%dma_start3A_281, %add3A_280, %dma_start3A_285] : memref<4x8192x1024xf32, #tpu.memory_space<hbm>> -> memref<1x16x1024xf32, #tpu.memory_space<hbm>>
      %dma_start3A_287 = tpu.memref_squeeze %dma_start3A_286 : memref<1x16x1024xf32, #tpu.memory_space<hbm>> -> memref<16x1024xf32, #tpu.memory_space<hbm>>
      tpu.enqueue_dma source(%dma_start3A_287 : memref<16x1024xf32, #tpu.memory_space<hbm>>) target(%arg10 : memref<16x1024xf32, #tpu.memory_space<vmem>>) target_semaphore(%arg16 : memref<!tpu.dma_semaphore, #tpu.memory_space<semaphore_mem>>)
      %mul3A_288 = arith.constant 16 : i32
      %mul3A_289 = arith.muli %add3A_227, %mul3A_288 : i32
      %add3A_290 = arith.addi %mul3A_2, %mul3A_289 : i32
      %dma_wait3A_291 = arith.constant 1 : i32
      %dma_wait3A_292 = arith.constant 0 : i32
      %dma_wait3A_293 = tpu.memref_slice %arg2[%dma_wait3A_291, %add3A_290, %dma_wait3A_292] : memref<4x8192x1024xf32, #tpu.memory_space<hbm>> -> memref<1x16x1024xf32, #tpu.memory_space<hbm>>
      %dma_wait3A_294 = tpu.memref_squeeze %dma_wait3A_293 : memref<1x16x1024xf32, #tpu.memory_space<hbm>> -> memref<16x1024xf32, #tpu.memory_space<hbm>>
      %dma_wait3A_295 = arith.constant 0 : i32
      %dma_wait3A_296 = tpu.memref_slice %arg2[%dma_wait3A_291, %add3A_290, %dma_wait3A_295] : memref<4x8192x1024xf32, #tpu.memory_space<hbm>> -> memref<1x16x1024xf32, #tpu.memory_space<hbm>>
      %dma_wait3A_297 = tpu.memref_squeeze %dma_wait3A_296 : memref<1x16x1024xf32, #tpu.memory_space<hbm>> -> memref<16x1024xf32, #tpu.memory_space<hbm>>
      tpu.wait_dma2 semaphore(%arg14 : memref<!tpu.dma_semaphore, #tpu.memory_space<semaphore_mem>>) src(%dma_wait3A_297 : memref<16x1024xf32, #tpu.memory_space<hbm>>) dst(%arg8 : memref<16x1024xf32, #tpu.memory_space<vmem>>)
      %parallel_loop3A_298 = arith.constant 0 : i32
      %parallel_loop3A_299 = arith.constant 0 : i32
      %parallel_loop3A_300 = arith.constant 1 : i32
      scf.for %parallel_loop3A_398 = %parallel_loop3A_298 to %parallel_loop3A_299 step %parallel_loop3A_300  : i32 {
        %parallel_loop3A_399 = arith.constant 16 : i32
        %parallel_loop3A_400 = arith.muli %parallel_loop3A_398, %parallel_loop3A_399 : i32
        %parallel_loop3A_401 = arith.constant 0 : i32
        %parallel_loop3A_402 = arith.index_cast %parallel_loop3A_401 : i32 to index
        %parallel_loop3A_403 = arith.index_cast %parallel_loop3A_400 : i32 to index
        %parallel_loop3A_404 = tpu.vector_load %arg8[%parallel_loop3A_402, %parallel_loop3A_403] {strides = array<i32>} : memref<16x1024xf32, #tpu.memory_space<vmem>>, vector<1x16xf32>,
        %parallel_loop3A_405 = vector.shape_cast %parallel_loop3A_404 : vector<1x16xf32> to vector<16xf32>
        %parallel_loop3A_406 = arith.constant 0 : i32
        %parallel_loop3A_407 = arith.index_cast %parallel_loop3A_406 : i32 to index
        %parallel_loop3A_408 = arith.index_cast %parallel_loop3A_400 : i32 to index
        %parallel_loop3A_409 = tpu.vector_load %arg6[%parallel_loop3A_407, %parallel_loop3A_408] {strides = array<i32>} : memref<16x1024xf32, #tpu.memory_space<vmem>>, vector<1x16xf32>,
        %parallel_loop3A_410 = vector.shape_cast %parallel_loop3A_409 : vector<1x16xf32> to vector<16xf32>
        %parallel_loop3A_411 = arith.addf %parallel_loop3A_405, %parallel_loop3A_410 : vector<16xf32>
        %parallel_loop3A_412 = arith.constant 0 : i32
        %parallel_loop3A_413 = arith.index_cast %parallel_loop3A_412 : i32 to index
        %parallel_loop3A_414 = arith.index_cast %parallel_loop3A_400 : i32 to index
        %parallel_loop3A_415 = tpu.vector_load %arg8[%parallel_loop3A_413, %parallel_loop3A_414] {strides = array<i32>} : memref<16x1024xf32, #tpu.memory_space<vmem>>, vector<1x16xf32>,
        %parallel_loop3A_416 = vector.shape_cast %parallel_loop3A_415 : vector<1x16xf32> to vector<16xf32>
        %parallel_loop3A_417 = vector.shape_cast %parallel_loop3A_411 : vector<16xf32> to vector<1x16xf32>
        tpu.vector_store %arg8[%parallel_loop3A_413, %parallel_loop3A_414], %parallel_loop3A_417 {strides = array<i32>} : memref<16x1024xf32, #tpu.memory_space<vmem>>, vector<1x16xf32>,
        %parallel_loop3A_418 = arith.constant 1 : i32
        %parallel_loop3A_419 = arith.index_cast %parallel_loop3A_418 : i32 to index
        %parallel_loop3A_420 = arith.index_cast %parallel_loop3A_400 : i32 to index
        %parallel_loop3A_421 = tpu.vector_load %arg8[%parallel_loop3A_419, %parallel_loop3A_420] {strides = array<i32>} : memref<16x1024xf32, #tpu.memory_space<vmem>>, vector<1x16xf32>,
        %parallel_loop3A_422 = vector.shape_cast %parallel_loop3A_421 : vector<1x16xf32> to vector<16xf32>
        %parallel_loop3A_423 = arith.constant 1 : i32
        %parallel_loop3A_424 = arith.index_cast %parallel_loop3A_423 : i32 to index
        %parallel_loop3A_425 = arith.index_cast %parallel_loop3A_400 : i32 to index
        %parallel_loop3A_426 = tpu.vector_load %arg6[%parallel_loop3A_424, %parallel_loop3A_425] {strides = array<i32>} : memref<16x1024xf32, #tpu.memory_space<vmem>>, vector<1x16xf32>,
        %parallel_loop3A_427 = vector.shape_cast %parallel_loop3A_426 : vector<1x16xf32> to vector<16xf32>
        %parallel_loop3A_428 = arith.addf %parallel_loop3A_422, %parallel_loop3A_427 : vector<16xf32>
        %parallel_loop3A_429 = arith.constant 1 : i32
        %parallel_loop3A_430 = arith.index_cast %parallel_loop3A_429 : i32 to index
        %parallel_loop3A_431 = arith.index_cast %parallel_loop3A_400 : i32 to index
        %parallel_loop3A_432 = tpu.vector_load %arg8[%parallel_loop3A_430, %parallel_loop3A_431] {strides = array<i32>} : memref<16x1024xf32, #tpu.memory_space<vmem>>, vector<1x16xf32>,
        %parallel_loop3A_433 = vector.shape_cast %parallel_loop3A_432 : vector<1x16xf32> to vector<16xf32>
        %parallel_loop3A_434 = vector.shape_cast %parallel_loop3A_428 : vector<16xf32> to vector<1x16xf32>
        tpu.vector_store %arg8[%parallel_loop3A_430, %parallel_loop3A_431], %parallel_loop3A_434 {strides = array<i32>} : memref<16x1024xf32, #tpu.memory_space<vmem>>, vector<1x16xf32>,
        %parallel_loop3A_435 = arith.constant 2 : i32
        %parallel_loop3A_436 = arith.index_cast %parallel_loop3A_435 : i32 to index
        %parallel_loop3A_437 = arith.index_cast %parallel_loop3A_400 : i32 to index
        %parallel_loop3A_438 = tpu.vector_load %arg8[%parallel_loop3A_436, %parallel_loop3A_437] {strides = array<i32>} : memref<16x1024xf32, #tpu.memory_space<vmem>>, vector<1x16xf32>,
        %parallel_loop3A_439 = vector.shape_cast %parallel_loop3A_438 : vector<1x16xf32> to vector<16xf32>
        %parallel_loop3A_440 = arith.constant 2 : i32
        %parallel_loop3A_441 = arith.index_cast %parallel_loop3A_440 : i32 to index
        %parallel_loop3A_442 = arith.index_cast %parallel_loop3A_400 : i32 to index
        %parallel_loop3A_443 = tpu.vector_load %arg6[%parallel_loop3A_441, %parallel_loop3A_442] {strides = array<i32>} : memref<16x1024xf32, #tpu.memory_space<vmem>>, vector<1x16xf32>,
        %parallel_loop3A_444 = vector.shape_cast %parallel_loop3A_443 : vector<1x16xf32> to vector<16xf32>
        %parallel_loop3A_445 = arith.addf %parallel_loop3A_439, %parallel_loop3A_444 : vector<16xf32>
        %parallel_loop3A_446 = arith.constant 2 : i32
        %parallel_loop3A_447 = arith.index_cast %parallel_loop3A_446 : i32 to index
        %parallel_loop3A_448 = arith.index_cast %parallel_loop3A_400 : i32 to index
        %parallel_loop3A_449 = tpu.vector_load %arg8[%parallel_loop3A_447, %parallel_loop3A_448] {strides = array<i32>} : memref<16x1024xf32, #tpu.memory_space<vmem>>, vector<1x16xf32>,
        %parallel_loop3A_450 = vector.shape_cast %parallel_loop3A_449 : vector<1x16xf32> to vector<16xf32>
        %parallel_loop3A_451 = vector.shape_cast %parallel_loop3A_445 : vector<16xf32> to vector<1x16xf32>
        tpu.vector_store %arg8[%parallel_loop3A_447, %parallel_loop3A_448], %parallel_loop3A_451 {strides = array<i32>} : memref<16x1024xf32, #tpu.memory_space<vmem>>, vector<1x16xf32>,
        %parallel_loop3A_452 = arith.constant 3 : i32
        %parallel_loop3A_453 = arith.index_cast %parallel_loop3A_452 : i32 to index
        %parallel_loop3A_454 = arith.index_cast %parallel_loop3A_400 : i32 to index
        %parallel_loop3A_455 = tpu.vector_load %arg8[%parallel_loop3A_453, %parallel_loop3A_454] {strides = array<i32>} : memref<16x1024xf32, #tpu.memory_space<vmem>>, vector<1x16xf32>,
        %parallel_loop3A_456 = vector.shape_cast %parallel_loop3A_455 : vector<1x16xf32> to vector<16xf32>
        %parallel_loop3A_457 = arith.constant 3 : i32
        %parallel_loop3A_458 = arith.index_cast %parallel_loop3A_457 : i32 to index
        %parallel_loop3A_459 = arith.index_cast %parallel_loop3A_400 : i32 to index
        %parallel_loop3A_460 = tpu.vector_load %arg6[%parallel_loop3A_458, %parallel_loop3A_459] {strides = array<i32>} : memref<16x1024xf32, #tpu.memory_space<vmem>>, vector<1x16xf32>,
        %parallel_loop3A_461 = vector.shape_cast %parallel_loop3A_460 : vector<1x16xf32> to vector<16xf32>
        %parallel_loop3A_462 = arith.addf %parallel_loop3A_456, %parallel_loop3A_461 : vector<16xf32>
        %parallel_loop3A_463 = arith.constant 3 : i32
        %parallel_loop3A_464 = arith.index_cast %parallel_loop3A_463 : i32 to index
        %parallel_loop3A_465 = arith.index_cast %parallel_loop3A_400 : i32 to index
        %parallel_loop3A_466 = tpu.vector_load %arg8[%parallel_loop3A_464, %parallel_loop3A_465] {strides = array<i32>} : memref<16x1024xf32, #tpu.memory_space<vmem>>, vector<1x16xf32>,
        %parallel_loop3A_467 = vector.shape_cast %parallel_loop3A_466 : vector<1x16xf32> to vector<16xf32>
        %parallel_loop3A_468 = vector.shape_cast %parallel_loop3A_462 : vector<16xf32> to vector<1x16xf32>
        tpu.vector_store %arg8[%parallel_loop3A_464, %parallel_loop3A_465], %parallel_loop3A_468 {strides = array<i32>} : memref<16x1024xf32, #tpu.memory_space<vmem>>, vector<1x16xf32>,
        %parallel_loop3A_469 = arith.constant 4 : i32
        %parallel_loop3A_470 = arith.index_cast %parallel_loop3A_469 : i32 to index
        %parallel_loop3A_471 = arith.index_cast %parallel_loop3A_400 : i32 to index
        %parallel_loop3A_472 = tpu.vector_load %arg8[%parallel_loop3A_470, %parallel_loop3A_471] {strides = array<i32>} : memref<16x1024xf32, #tpu.memory_space<vmem>>, vector<1x16xf32>,
        %parallel_loop3A_473 = vector.shape_cast %parallel_loop3A_472 : vector<1x16xf32> to vector<16xf32>
        %parallel_loop3A_474 = arith.constant 4 : i32
        %parallel_loop3A_475 = arith.index_cast %parallel_loop3A_474 : i32 to index
        %parallel_loop3A_476 = arith.index_cast %parallel_loop3A_400 : i32 to index
        %parallel_loop3A_477 = tpu.vector_load %arg6[%parallel_loop3A_475, %parallel_loop3A_476] {strides = array<i32>} : memref<16x1024xf32, #tpu.memory_space<vmem>>, vector<1x16xf32>,
        %parallel_loop3A_478 = vector.shape_cast %parallel_loop3A_477 : vector<1x16xf32> to vector<16xf32>
        %parallel_loop3A_479 = arith.addf %parallel_loop3A_473, %parallel_loop3A_478 : vector<16xf32>
        %parallel_loop3A_480 = arith.constant 4 : i32
        %parallel_loop3A_481 = arith.index_cast %parallel_loop3A_480 : i32 to index
        %parallel_loop3A_482 = arith.index_cast %parallel_loop3A_400 : i32 to index
        %parallel_loop3A_483 = tpu.vector_load %arg8[%parallel_loop3A_481, %parallel_loop3A_482] {strides = array<i32>} : memref<16x1024xf32, #tpu.memory_space<vmem>>, vector<1x16xf32>,
        %parallel_loop3A_484 = vector.shape_cast %parallel_loop3A_483 : vector<1x16xf32> to vector<16xf32>
        %parallel_loop3A_485 = vector.shape_cast %parallel_loop3A_479 : vector<16xf32> to vector<1x16xf32>
        tpu.vector_store %arg8[%parallel_loop3A_481, %parallel_loop3A_482], %parallel_loop3A_485 {strides = array<i32>} : memref<16x1024xf32, #tpu.memory_space<vmem>>, vector<1x16xf32>,
        %parallel_loop3A_486 = arith.constant 5 : i32
        %parallel_loop3A_487 = arith.index_cast %parallel_loop3A_486 : i32 to index
        %parallel_loop3A_488 = arith.index_cast %parallel_loop3A_400 : i32 to index
        %parallel_loop3A_489 = tpu.vector_load %arg8[%parallel_loop3A_487, %parallel_loop3A_488] {strides = array<i32>} : memref<16x1024xf32, #tpu.memory_space<vmem>>, vector<1x16xf32>,
        %parallel_loop3A_490 = vector.shape_cast %parallel_loop3A_489 : vector<1x16xf32> to vector<16xf32>
        %parallel_loop3A_491 = arith.constant 5 : i32
        %parallel_loop3A_492 = arith.index_cast %parallel_loop3A_491 : i32 to index
        %parallel_loop3A_493 = arith.index_cast %parallel_loop3A_400 : i32 to index
        %parallel_loop3A_494 = tpu.vector_load %arg6[%parallel_loop3A_492, %parallel_loop3A_493] {strides = array<i32>} : memref<16x1024xf32, #tpu.memory_space<vmem>>, vector<1x16xf32>,
        %parallel_loop3A_495 = vector.shape_cast %parallel_loop3A_494 : vector<1x16xf32> to vector<16xf32>
        %parallel_loop3A_496 = arith.addf %parallel_loop3A_490, %parallel_loop3A_495 : vector<16xf32>
        %parallel_loop3A_497 = arith.constant 5 : i32
        %parallel_loop3A_498 = arith.index_cast %parallel_loop3A_497 : i32 to index
        %parallel_loop3A_499 = arith.index_cast %parallel_loop3A_400 : i32 to index
        %parallel_loop3A_500 = tpu.vector_load %arg8[%parallel_loop3A_498, %parallel_loop3A_499] {strides = array<i32>} : memref<16x1024xf32, #tpu.memory_space<vmem>>, vector<1x16xf32>,
        %parallel_loop3A_501 = vector.shape_cast %parallel_loop3A_500 : vector<1x16xf32> to vector<16xf32>
        %parallel_loop3A_502 = vector.shape_cast %parallel_loop3A_496 : vector<16xf32> to vector<1x16xf32>
        tpu.vector_store %arg8[%parallel_loop3A_498, %parallel_loop3A_499], %parallel_loop3A_502 {strides = array<i32>} : memref<16x1024xf32, #tpu.memory_space<vmem>>, vector<1x16xf32>,
        %parallel_loop3A_503 = arith.constant 6 : i32
        %parallel_loop3A_504 = arith.index_cast %parallel_loop3A_503 : i32 to index
        %parallel_loop3A_505 = arith.index_cast %parallel_loop3A_400 : i32 to index
        %parallel_loop3A_506 = tpu.vector_load %arg8[%parallel_loop3A_504, %parallel_loop3A_505] {strides = array<i32>} : memref<16x1024xf32, #tpu.memory_space<vmem>>, vector<1x16xf32>,
        %parallel_loop3A_507 = vector.shape_cast %parallel_loop3A_506 : vector<1x16xf32> to vector<16xf32>
        %parallel_loop3A_508 = arith.constant 6 : i32
        %parallel_loop3A_509 = arith.index_cast %parallel_loop3A_508 : i32 to index
        %parallel_loop3A_510 = arith.index_cast %parallel_loop3A_400 : i32 to index
        %parallel_loop3A_511 = tpu.vector_load %arg6[%parallel_loop3A_509, %parallel_loop3A_510] {strides = array<i32>} : memref<16x1024xf32, #tpu.memory_space<vmem>>, vector<1x16xf32>,
        %parallel_loop3A_512 = vector.shape_cast %parallel_loop3A_511 : vector<1x16xf32> to vector<16xf32>
        %parallel_loop3A_513 = arith.addf %parallel_loop3A_507, %parallel_loop3A_512 : vector<16xf32>
        %parallel_loop3A_514 = arith.constant 6 : i32
        %parallel_loop3A_515 = arith.index_cast %parallel_loop3A_514 : i32 to index
        %parallel_loop3A_516 = arith.index_cast %parallel_loop3A_400 : i32 to index
        %parallel_loop3A_517 = tpu.vector_load %arg8[%parallel_loop3A_515, %parallel_loop3A_516] {strides = array<i32>} : memref<16x1024xf32, #tpu.memory_space<vmem>>, vector<1x16xf32>,
        %parallel_loop3A_518 = vector.shape_cast %parallel_loop3A_517 : vector<1x16xf32> to vector<16xf32>
        %parallel_loop3A_519 = vector.shape_cast %parallel_loop3A_513 : vector<16xf32> to vector<1x16xf32>
        tpu.vector_store %arg8[%parallel_loop3A_515, %parallel_loop3A_516], %parallel_loop3A_519 {strides = array<i32>} : memref<16x1024xf32, #tpu.memory_space<vmem>>, vector<1x16xf32>,
        %parallel_loop3A_520 = arith.constant 7 : i32
        %parallel_loop3A_521 = arith.index_cast %parallel_loop3A_520 : i32 to index
        %parallel_loop3A_522 = arith.index_cast %parallel_loop3A_400 : i32 to index
        %parallel_loop3A_523 = tpu.vector_load %arg8[%parallel_loop3A_521, %parallel_loop3A_522] {strides = array<i32>} : memref<16x1024xf32, #tpu.memory_space<vmem>>, vector<1x16xf32>,
        %parallel_loop3A_524 = vector.shape_cast %parallel_loop3A_523 : vector<1x16xf32> to vector<16xf32>
        %parallel_loop3A_525 = arith.constant 7 : i32
        %parallel_loop3A_526 = arith.index_cast %parallel_loop3A_525 : i32 to index
        %parallel_loop3A_527 = arith.index_cast %parallel_loop3A_400 : i32 to index
        %parallel_loop3A_528 = tpu.vector_load %arg6[%parallel_loop3A_526, %parallel_loop3A_527] {strides = array<i32>} : memref<16x1024xf32, #tpu.memory_space<vmem>>, vector<1x16xf32>,
        %parallel_loop3A_529 = vector.shape_cast %parallel_loop3A_528 : vector<1x16xf32> to vector<16xf32>
        %parallel_loop3A_530 = arith.addf %parallel_loop3A_524, %parallel_loop3A_529 : vector<16xf32>
        %parallel_loop3A_531 = arith.constant 7 : i32
        %parallel_loop3A_532 = arith.index_cast %parallel_loop3A_531 : i32 to index
        %parallel_loop3A_533 = arith.index_cast %parallel_loop3A_400 : i32 to index
        %parallel_loop3A_534 = tpu.vector_load %arg8[%parallel_loop3A_532, %parallel_loop3A_533] {strides = array<i32>} : memref<16x1024xf32, #tpu.memory_space<vmem>>, vector<1x16xf32>,
        %parallel_loop3A_535 = vector.shape_cast %parallel_loop3A_534 : vector<1x16xf32> to vector<16xf32>
        %parallel_loop3A_536 = vector.shape_cast %parallel_loop3A_530 : vector<16xf32> to vector<1x16xf32>
        tpu.vector_store %arg8[%parallel_loop3A_532, %parallel_loop3A_533], %parallel_loop3A_536 {strides = array<i32>} : memref<16x1024xf32, #tpu.memory_space<vmem>>, vector<1x16xf32>,
        %parallel_loop3A_537 = arith.constant 8 : i32
        %parallel_loop3A_538 = arith.index_cast %parallel_loop3A_537 : i32 to index
        %parallel_loop3A_539 = arith.index_cast %parallel_loop3A_400 : i32 to index
        %parallel_loop3A_540 = tpu.vector_load %arg8[%parallel_loop3A_538, %parallel_loop3A_539] {strides = array<i32>} : memref<16x1024xf32, #tpu.memory_space<vmem>>, vector<1x16xf32>,
        %parallel_loop3A_541 = vector.shape_cast %parallel_loop3A_540 : vector<1x16xf32> to vector<16xf32>
        %parallel_loop3A_542 = arith.constant 8 : i32
        %parallel_loop3A_543 = arith.index_cast %parallel_loop3A_542 : i32 to index
        %parallel_loop3A_544 = arith.index_cast %parallel_loop3A_400 : i32 to index
        %parallel_loop3A_545 = tpu.vector_load %arg6[%parallel_loop3A_543, %parallel_loop3A_544] {strides = array<i32>} : memref<16x1024xf32, #tpu.memory_space<vmem>>, vector<1x16xf32>,
        %parallel_loop3A_546 = vector.shape_cast %parallel_loop3A_545 : vector<1x16xf32> to vector<16xf32>
        %parallel_loop3A_547 = arith.addf %parallel_loop3A_541, %parallel_loop3A_546 : vector<16xf32>
        %parallel_loop3A_548 = arith.constant 8 : i32
        %parallel_loop3A_549 = arith.index_cast %parallel_loop3A_548 : i32 to index
        %parallel_loop3A_550 = arith.index_cast %parallel_loop3A_400 : i32 to index
        %parallel_loop3A_551 = tpu.vector_load %arg8[%parallel_loop3A_549, %parallel_loop3A_550] {strides = array<i32>} : memref<16x1024xf32, #tpu.memory_space<vmem>>, vector<1x16xf32>,
        %parallel_loop3A_552 = vector.shape_cast %parallel_loop3A_551 : vector<1x16xf32> to vector<16xf32>
        %parallel_loop3A_553 = vector.shape_cast %parallel_loop3A_547 : vector<16xf32> to vector<1x16xf32>
        tpu.vector_store %arg8[%parallel_loop3A_549, %parallel_loop3A_550], %parallel_loop3A_553 {strides = array<i32>} : memref<16x1024xf32, #tpu.memory_space<vmem>>, vector<1x16xf32>,
        %parallel_loop3A_554 = arith.constant 9 : i32
        %parallel_loop3A_555 = arith.index_cast %parallel_loop3A_554 : i32 to index
        %parallel_loop3A_556 = arith.index_cast %parallel_loop3A_400 : i32 to index
        %parallel_loop3A_557 = tpu.vector_load %arg8[%parallel_loop3A_555, %parallel_loop3A_556] {strides = array<i32>} : memref<16x1024xf32, #tpu.memory_space<vmem>>, vector<1x16xf32>,
        %parallel_loop3A_558 = vector.shape_cast %parallel_loop3A_557 : vector<1x16xf32> to vector<16xf32>
        %parallel_loop3A_559 = arith.constant 9 : i32
        %parallel_loop3A_560 = arith.index_cast %parallel_loop3A_559 : i32 to index
        %parallel_loop3A_561 = arith.index_cast %parallel_loop3A_400 : i32 to index
        %parallel_loop3A_562 = tpu.vector_load %arg6[%parallel_loop3A_560, %parallel_loop3A_561] {strides = array<i32>} : memref<16x1024xf32, #tpu.memory_space<vmem>>, vector<1x16xf32>,
        %parallel_loop3A_563 = vector.shape_cast %parallel_loop3A_562 : vector<1x16xf32> to vector<16xf32>
        %parallel_loop3A_564 = arith.addf %parallel_loop3A_558, %parallel_loop3A_563 : vector<16xf32>
        %parallel_loop3A_565 = arith.constant 9 : i32
        %parallel_loop3A_566 = arith.index_cast %parallel_loop3A_565 : i32 to index
        %parallel_loop3A_567 = arith.index_cast %parallel_loop3A_400 : i32 to index
        %parallel_loop3A_568 = tpu.vector_load %arg8[%parallel_loop3A_566, %parallel_loop3A_567] {strides = array<i32>} : memref<16x1024xf32, #tpu.memory_space<vmem>>, vector<1x16xf32>,
        %parallel_loop3A_569 = vector.shape_cast %parallel_loop3A_568 : vector<1x16xf32> to vector<16xf32>
        %parallel_loop3A_570 = vector.shape_cast %parallel_loop3A_564 : vector<16xf32> to vector<1x16xf32>
        tpu.vector_store %arg8[%parallel_loop3A_566, %parallel_loop3A_567], %parallel_loop3A_570 {strides = array<i32>} : memref<16x1024xf32, #tpu.memory_space<vmem>>, vector<1x16xf32>,
        %parallel_loop3A_571 = arith.constant 10 : i32
        %parallel_loop3A_572 = arith.index_cast %parallel_loop3A_571 : i32 to index
        %parallel_loop3A_573 = arith.index_cast %parallel_loop3A_400 : i32 to index
        %parallel_loop3A_574 = tpu.vector_load %arg8[%parallel_loop3A_572, %parallel_loop3A_573] {strides = array<i32>} : memref<16x1024xf32, #tpu.memory_space<vmem>>, vector<1x16xf32>,
        %parallel_loop3A_575 = vector.shape_cast %parallel_loop3A_574 : vector<1x16xf32> to vector<16xf32>
        %parallel_loop3A_576 = arith.constant 10 : i32
        %parallel_loop3A_577 = arith.index_cast %parallel_loop3A_576 : i32 to index
        %parallel_loop3A_578 = arith.index_cast %parallel_loop3A_400 : i32 to index
        %parallel_loop3A_579 = tpu.vector_load %arg6[%parallel_loop3A_577, %parallel_loop3A_578] {strides = array<i32>} : memref<16x1024xf32, #tpu.memory_space<vmem>>, vector<1x16xf32>,
        %parallel_loop3A_580 = vector.shape_cast %parallel_loop3A_579 : vector<1x16xf32> to vector<16xf32>
        %parallel_loop3A_581 = arith.addf %parallel_loop3A_575, %parallel_loop3A_580 : vector<16xf32>
        %parallel_loop3A_582 = arith.constant 10 : i32
        %parallel_loop3A_583 = arith.index_cast %parallel_loop3A_582 : i32 to index
        %parallel_loop3A_584 = arith.index_cast %parallel_loop3A_400 : i32 to index
        %parallel_loop3A_585 = tpu.vector_load %arg8[%parallel_loop3A_583, %parallel_loop3A_584] {strides = array<i32>} : memref<16x1024xf32, #tpu.memory_space<vmem>>, vector<1x16xf32>,
        %parallel_loop3A_586 = vector.shape_cast %parallel_loop3A_585 : vector<1x16xf32> to vector<16xf32>
        %parallel_loop3A_587 = vector.shape_cast %parallel_loop3A_581 : vector<16xf32> to vector<1x16xf32>
        tpu.vector_store %arg8[%parallel_loop3A_583, %parallel_loop3A_584], %parallel_loop3A_587 {strides = array<i32>} : memref<16x1024xf32, #tpu.memory_space<vmem>>, vector<1x16xf32>,
        %parallel_loop3A_588 = arith.constant 11 : i32
        %parallel_loop3A_589 = arith.index_cast %parallel_loop3A_588 : i32 to index
        %parallel_loop3A_590 = arith.index_cast %parallel_loop3A_400 : i32 to index
        %parallel_loop3A_591 = tpu.vector_load %arg8[%parallel_loop3A_589, %parallel_loop3A_590] {strides = array<i32>} : memref<16x1024xf32, #tpu.memory_space<vmem>>, vector<1x16xf32>,
        %parallel_loop3A_592 = vector.shape_cast %parallel_loop3A_591 : vector<1x16xf32> to vector<16xf32>
        %parallel_loop3A_593 = arith.constant 11 : i32
        %parallel_loop3A_594 = arith.index_cast %parallel_loop3A_593 : i32 to index
        %parallel_loop3A_595 = arith.index_cast %parallel_loop3A_400 : i32 to index
        %parallel_loop3A_596 = tpu.vector_load %arg6[%parallel_loop3A_594, %parallel_loop3A_595] {strides = array<i32>} : memref<16x1024xf32, #tpu.memory_space<vmem>>, vector<1x16xf32>,
        %parallel_loop3A_597 = vector.shape_cast %parallel_loop3A_596 : vector<1x16xf32> to vector<16xf32>
        %parallel_loop3A_598 = arith.addf %parallel_loop3A_592, %parallel_loop3A_597 : vector<16xf32>
        %parallel_loop3A_599 = arith.constant 11 : i32
        %parallel_loop3A_600 = arith.index_cast %parallel_loop3A_599 : i32 to index
        %parallel_loop3A_601 = arith.index_cast %parallel_loop3A_400 : i32 to index
        %parallel_loop3A_602 = tpu.vector_load %arg8[%parallel_loop3A_600, %parallel_loop3A_601] {strides = array<i32>} : memref<16x1024xf32, #tpu.memory_space<vmem>>, vector<1x16xf32>,
        %parallel_loop3A_603 = vector.shape_cast %parallel_loop3A_602 : vector<1x16xf32> to vector<16xf32>
        %parallel_loop3A_604 = vector.shape_cast %parallel_loop3A_598 : vector<16xf32> to vector<1x16xf32>
        tpu.vector_store %arg8[%parallel_loop3A_600, %parallel_loop3A_601], %parallel_loop3A_604 {strides = array<i32>} : memref<16x1024xf32, #tpu.memory_space<vmem>>, vector<1x16xf32>,
        %parallel_loop3A_605 = arith.constant 12 : i32
        %parallel_loop3A_606 = arith.index_cast %parallel_loop3A_605 : i32 to index
        %parallel_loop3A_607 = arith.index_cast %parallel_loop3A_400 : i32 to index
        %parallel_loop3A_608 = tpu.vector_load %arg8[%parallel_loop3A_606, %parallel_loop3A_607] {strides = array<i32>} : memref<16x1024xf32, #tpu.memory_space<vmem>>, vector<1x16xf32>,
        %parallel_loop3A_609 = vector.shape_cast %parallel_loop3A_608 : vector<1x16xf32> to vector<16xf32>
        %parallel_loop3A_610 = arith.constant 12 : i32
        %parallel_loop3A_611 = arith.index_cast %parallel_loop3A_610 : i32 to index
        %parallel_loop3A_612 = arith.index_cast %parallel_loop3A_400 : i32 to index
        %parallel_loop3A_613 = tpu.vector_load %arg6[%parallel_loop3A_611, %parallel_loop3A_612] {strides = array<i32>} : memref<16x1024xf32, #tpu.memory_space<vmem>>, vector<1x16xf32>,
        %parallel_loop3A_614 = vector.shape_cast %parallel_loop3A_613 : vector<1x16xf32> to vector<16xf32>
        %parallel_loop3A_615 = arith.addf %parallel_loop3A_609, %parallel_loop3A_614 : vector<16xf32>
        %parallel_loop3A_616 = arith.constant 12 : i32
        %parallel_loop3A_617 = arith.index_cast %parallel_loop3A_616 : i32 to index
        %parallel_loop3A_618 = arith.index_cast %parallel_loop3A_400 : i32 to index
        %parallel_loop3A_619 = tpu.vector_load %arg8[%parallel_loop3A_617, %parallel_loop3A_618] {strides = array<i32>} : memref<16x1024xf32, #tpu.memory_space<vmem>>, vector<1x16xf32>,
        %parallel_loop3A_620 = vector.shape_cast %parallel_loop3A_619 : vector<1x16xf32> to vector<16xf32>
        %parallel_loop3A_621 = vector.shape_cast %parallel_loop3A_615 : vector<16xf32> to vector<1x16xf32>
        tpu.vector_store %arg8[%parallel_loop3A_617, %parallel_loop3A_618], %parallel_loop3A_621 {strides = array<i32>} : memref<16x1024xf32, #tpu.memory_space<vmem>>, vector<1x16xf32>,
        %parallel_loop3A_622 = arith.constant 13 : i32
        %parallel_loop3A_623 = arith.index_cast %parallel_loop3A_622 : i32 to index
        %parallel_loop3A_624 = arith.index_cast %parallel_loop3A_400 : i32 to index
        %parallel_loop3A_625 = tpu.vector_load %arg8[%parallel_loop3A_623, %parallel_loop3A_624] {strides = array<i32>} : memref<16x1024xf32, #tpu.memory_space<vmem>>, vector<1x16xf32>,
        %parallel_loop3A_626 = vector.shape_cast %parallel_loop3A_625 : vector<1x16xf32> to vector<16xf32>
        %parallel_loop3A_627 = arith.constant 13 : i32
        %parallel_loop3A_628 = arith.index_cast %parallel_loop3A_627 : i32 to index
        %parallel_loop3A_629 = arith.index_cast %parallel_loop3A_400 : i32 to index
        %parallel_loop3A_630 = tpu.vector_load %arg6[%parallel_loop3A_628, %parallel_loop3A_629] {strides = array<i32>} : memref<16x1024xf32, #tpu.memory_space<vmem>>, vector<1x16xf32>,
        %parallel_loop3A_631 = vector.shape_cast %parallel_loop3A_630 : vector<1x16xf32> to vector<16xf32>
        %parallel_loop3A_632 = arith.addf %parallel_loop3A_626, %parallel_loop3A_631 : vector<16xf32>
        %parallel_loop3A_633 = arith.constant 13 : i32
        %parallel_loop3A_634 = arith.index_cast %parallel_loop3A_633 : i32 to index
        %parallel_loop3A_635 = arith.index_cast %parallel_loop3A_400 : i32 to index
        %parallel_loop3A_636 = tpu.vector_load %arg8[%parallel_loop3A_634, %parallel_loop3A_635] {strides = array<i32>} : memref<16x1024xf32, #tpu.memory_space<vmem>>, vector<1x16xf32>,
        %parallel_loop3A_637 = vector.shape_cast %parallel_loop3A_636 : vector<1x16xf32> to vector<16xf32>
        %parallel_loop3A_638 = vector.shape_cast %parallel_loop3A_632 : vector<16xf32> to vector<1x16xf32>
        tpu.vector_store %arg8[%parallel_loop3A_634, %parallel_loop3A_635], %parallel_loop3A_638 {strides = array<i32>} : memref<16x1024xf32, #tpu.memory_space<vmem>>, vector<1x16xf32>,
        %parallel_loop3A_639 = arith.constant 14 : i32
        %parallel_loop3A_640 = arith.index_cast %parallel_loop3A_639 : i32 to index
        %parallel_loop3A_641 = arith.index_cast %parallel_loop3A_400 : i32 to index
        %parallel_loop3A_642 = tpu.vector_load %arg8[%parallel_loop3A_640, %parallel_loop3A_641] {strides = array<i32>} : memref<16x1024xf32, #tpu.memory_space<vmem>>, vector<1x16xf32>,
        %parallel_loop3A_643 = vector.shape_cast %parallel_loop3A_642 : vector<1x16xf32> to vector<16xf32>
        %parallel_loop3A_644 = arith.constant 14 : i32
        %parallel_loop3A_645 = arith.index_cast %parallel_loop3A_644 : i32 to index
        %parallel_loop3A_646 = arith.index_cast %parallel_loop3A_400 : i32 to index
        %parallel_loop3A_647 = tpu.vector_load %arg6[%parallel_loop3A_645, %parallel_loop3A_646] {strides = array<i32>} : memref<16x1024xf32, #tpu.memory_space<vmem>>, vector<1x16xf32>,
        %parallel_loop3A_648 = vector.shape_cast %parallel_loop3A_647 : vector<1x16xf32> to vector<16xf32>
        %parallel_loop3A_649 = arith.addf %parallel_loop3A_643, %parallel_loop3A_648 : vector<16xf32>
        %parallel_loop3A_650 = arith.constant 14 : i32
        %parallel_loop3A_651 = arith.index_cast %parallel_loop3A_650 : i32 to index
        %parallel_loop3A_652 = arith.index_cast %parallel_loop3A_400 : i32 to index
        %parallel_loop3A_653 = tpu.vector_load %arg8[%parallel_loop3A_651, %parallel_loop3A_652] {strides = array<i32>} : memref<16x1024xf32, #tpu.memory_space<vmem>>, vector<1x16xf32>,
        %parallel_loop3A_654 = vector.shape_cast %parallel_loop3A_653 : vector<1x16xf32> to vector<16xf32>
        %parallel_loop3A_655 = vector.shape_cast %parallel_loop3A_649 : vector<16xf32> to vector<1x16xf32>
        tpu.vector_store %arg8[%parallel_loop3A_651, %parallel_loop3A_652], %parallel_loop3A_655 {strides = array<i32>} : memref<16x1024xf32, #tpu.memory_space<vmem>>, vector<1x16xf32>,
        %parallel_loop3A_656 = arith.constant 15 : i32
        %parallel_loop3A_657 = arith.index_cast %parallel_loop3A_656 : i32 to index
        %parallel_loop3A_658 = arith.index_cast %parallel_loop3A_400 : i32 to index
        %parallel_loop3A_659 = tpu.vector_load %arg8[%parallel_loop3A_657, %parallel_loop3A_658] {strides = array<i32>} : memref<16x1024xf32, #tpu.memory_space<vmem>>, vector<1x16xf32>,
        %parallel_loop3A_660 = vector.shape_cast %parallel_loop3A_659 : vector<1x16xf32> to vector<16xf32>
        %parallel_loop3A_661 = arith.constant 15 : i32
        %parallel_loop3A_662 = arith.index_cast %parallel_loop3A_661 : i32 to index
        %parallel_loop3A_663 = arith.index_cast %parallel_loop3A_400 : i32 to index
        %parallel_loop3A_664 = tpu.vector_load %arg6[%parallel_loop3A_662, %parallel_loop3A_663] {strides = array<i32>} : memref<16x1024xf32, #tpu.memory_space<vmem>>, vector<1x16xf32>,
        %parallel_loop3A_665 = vector.shape_cast %parallel_loop3A_664 : vector<1x16xf32> to vector<16xf32>
        %parallel_loop3A_666 = arith.addf %parallel_loop3A_660, %parallel_loop3A_665 : vector<16xf32>
        %parallel_loop3A_667 = arith.constant 15 : i32
        %parallel_loop3A_668 = arith.index_cast %parallel_loop3A_667 : i32 to index
        %parallel_loop3A_669 = arith.index_cast %parallel_loop3A_400 : i32 to index
        %parallel_loop3A_670 = tpu.vector_load %arg8[%parallel_loop3A_668, %parallel_loop3A_669] {strides = array<i32>} : memref<16x1024xf32, #tpu.memory_space<vmem>>, vector<1x16xf32>,
        %parallel_loop3A_671 = vector.shape_cast %parallel_loop3A_670 : vector<1x16xf32> to vector<16xf32>
        %parallel_loop3A_672 = vector.shape_cast %parallel_loop3A_666 : vector<16xf32> to vector<1x16xf32>
        tpu.vector_store %arg8[%parallel_loop3A_668, %parallel_loop3A_669], %parallel_loop3A_672 {strides = array<i32>} : memref<16x1024xf32, #tpu.memory_space<vmem>>, vector<1x16xf32>,
      } {sc.loop_unroll_factor = 4 : i64, sc.parallel_access}
      %mul3A_301 = arith.constant 16 : i32
      %mul3A_302 = arith.muli %add3A_227, %mul3A_301 : i32
      %add3A_303 = arith.addi %mul3A_2, %mul3A_302 : i32
      %dma_start3A_304 = arith.constant 1 : i32
      %dma_start3A_305 = arith.constant 0 : i32
      %dma_start3A_306 = tpu.memref_slice %arg4[%dma_start3A_304, %add3A_303, %dma_start3A_305] : memref<4x8192x1024xf32, #tpu.memory_space<hbm>> -> memref<1x16x1024xf32, #tpu.memory_space<hbm>>
      %dma_start3A_307 = tpu.memref_squeeze %dma_start3A_306 : memref<1x16x1024xf32, #tpu.memory_space<hbm>> -> memref<16x1024xf32, #tpu.memory_space<hbm>>
      %dma_start3A_308 = arith.constant 0 : i32
      %dma_start3A_309 = tpu.memref_slice %arg4[%dma_start3A_304, %add3A_303, %dma_start3A_308] : memref<4x8192x1024xf32, #tpu.memory_space<hbm>> -> memref<1x16x1024xf32, #tpu.memory_space<hbm>>
      %dma_start3A_310 = tpu.memref_squeeze %dma_start3A_309 : memref<1x16x1024xf32, #tpu.memory_space<hbm>> -> memref<16x1024xf32, #tpu.memory_space<hbm>>
      tpu.enqueue_dma source(%arg8 : memref<16x1024xf32, #tpu.memory_space<vmem>>) target(%dma_start3A_310 : memref<16x1024xf32, #tpu.memory_space<hbm>>) target_semaphore(%arg18 : memref<!tpu.dma_semaphore, #tpu.memory_space<semaphore_mem>>)
      %mul3A_311 = arith.constant 16 : i32
      %mul3A_312 = arith.muli %add3A_227, %mul3A_311 : i32
      %add3A_313 = arith.addi %mul3A_2, %mul3A_312 : i32
      %dma_wait3A_314 = arith.constant 0 : i32
      %dma_wait3A_315 = arith.constant 0 : i32
      %dma_wait3A_316 = tpu.memref_slice %arg4[%dma_wait3A_314, %add3A_313, %dma_wait3A_315] : memref<4x8192x1024xf32, #tpu.memory_space<hbm>> -> memref<1x16x1024xf32, #tpu.memory_space<hbm>>
      %dma_wait3A_317 = tpu.memref_squeeze %dma_wait3A_316 : memref<1x16x1024xf32, #tpu.memory_space<hbm>> -> memref<16x1024xf32, #tpu.memory_space<hbm>>
      %dma_wait3A_318 = arith.constant 0 : i32
      %dma_wait3A_319 = tpu.memref_slice %arg4[%dma_wait3A_314, %add3A_313, %dma_wait3A_318] : memref<4x8192x1024xf32, #tpu.memory_space<hbm>> -> memref<1x16x1024xf32, #tpu.memory_space<hbm>>
      %dma_wait3A_320 = tpu.memref_squeeze %dma_wait3A_319 : memref<1x16x1024xf32, #tpu.memory_space<hbm>> -> memref<16x1024xf32, #tpu.memory_space<hbm>>
      tpu.wait_dma2 semaphore(%arg17 : memref<!tpu.dma_semaphore, #tpu.memory_space<semaphore_mem>>) src(%arg7 : memref<16x1024xf32, #tpu.memory_space<vmem>>) dst(%dma_wait3A_320 : memref<16x1024xf32, #tpu.memory_space<hbm>>)
      %add3A_321 = arith.constant 1 : i32
      %add3A_322 = arith.addi %add3A_227, %add3A_321 : i32
      %lt3A_323 = arith.constant 16 : i32
      %lt3A_324 = arith.cmpi slt, %add3A_322, %lt3A_323 : i32
      %convert_element_type3A_325 = arith.extui %lt3A_324 : i1 to i32
      %cond3A_326 = arith.constant 0 : i32
      %cond3A_327 = arith.cmpi ne, %convert_element_type3A_325, %cond3A_326 : i32
      scf.if %cond3A_327 {
        %add3A_398 = arith.constant 1 : i32
        %add3A_399 = arith.addi %add3A_227, %add3A_398 : i32
        %mul3A_400 = arith.constant 16 : i32
        %mul3A_401 = arith.muli %add3A_399, %mul3A_400 : i32
        %add3A_402 = arith.addi %mul3A_2, %mul3A_401 : i32
        %dma_start3A_403 = arith.constant 0 : i32
        %dma_start3A_404 = arith.constant 0 : i32
        %dma_start3A_405 = tpu.memref_slice %arg2[%dma_start3A_403, %add3A_402, %dma_start3A_404] : memref<4x8192x1024xf32, #tpu.memory_space<hbm>> -> memref<1x16x1024xf32, #tpu.memory_space<hbm>>
        %dma_start3A_406 = tpu.memref_squeeze %dma_start3A_405 : memref<1x16x1024xf32, #tpu.memory_space<hbm>> -> memref<16x1024xf32, #tpu.memory_space<hbm>>
        %dma_start3A_407 = arith.constant 0 : i32
        %dma_start3A_408 = tpu.memref_slice %arg2[%dma_start3A_403, %add3A_402, %dma_start3A_407] : memref<4x8192x1024xf32, #tpu.memory_space<hbm>> -> memref<1x16x1024xf32, #tpu.memory_space<hbm>>
        %dma_start3A_409 = tpu.memref_squeeze %dma_start3A_408 : memref<1x16x1024xf32, #tpu.memory_space<hbm>> -> memref<16x1024xf32, #tpu.memory_space<hbm>>
        tpu.enqueue_dma source(%dma_start3A_409 : memref<16x1024xf32, #tpu.memory_space<hbm>>) target(%arg7 : memref<16x1024xf32, #tpu.memory_space<vmem>>) target_semaphore(%arg13 : memref<!tpu.dma_semaphore, #tpu.memory_space<semaphore_mem>>)
      } else {
      }
      %mul3A_328 = arith.constant 16 : i32
      %mul3A_329 = arith.muli %add3A_227, %mul3A_328 : i32
      %add3A_330 = arith.addi %mul3A_2, %mul3A_329 : i32
      %dma_wait3A_331 = arith.constant 2 : i32
      %dma_wait3A_332 = arith.constant 0 : i32
      %dma_wait3A_333 = tpu.memref_slice %arg2[%dma_wait3A_331, %add3A_330, %dma_wait3A_332] : memref<4x8192x1024xf32, #tpu.memory_space<hbm>> -> memref<1x16x1024xf32, #tpu.memory_space<hbm>>
      %dma_wait3A_334 = tpu.memref_squeeze %dma_wait3A_333 : memref<1x16x1024xf32, #tpu.memory_space<hbm>> -> memref<16x1024xf32, #tpu.memory_space<hbm>>
      %dma_wait3A_335 = arith.constant 0 : i32
      %dma_wait3A_336 = tpu.memref_slice %arg2[%dma_wait3A_331, %add3A_330, %dma_wait3A_335] : memref<4x8192x1024xf32, #tpu.memory_space<hbm>> -> memref<1x16x1024xf32, #tpu.memory_space<hbm>>
      %dma_wait3A_337 = tpu.memref_squeeze %dma_wait3A_336 : memref<1x16x1024xf32, #tpu.memory_space<hbm>> -> memref<16x1024xf32, #tpu.memory_space<hbm>>
      tpu.wait_dma2 semaphore(%arg15 : memref<!tpu.dma_semaphore, #tpu.memory_space<semaphore_mem>>) src(%dma_wait3A_337 : memref<16x1024xf32, #tpu.memory_space<hbm>>) dst(%arg9 : memref<16x1024xf32, #tpu.memory_space<vmem>>)
      %parallel_loop3A_338 = arith.constant 0 : i32
      %parallel_loop3A_339 = arith.constant 0 : i32
      %parallel_loop3A_340 = arith.constant 1 : i32
      scf.for %parallel_loop3A_398 = %parallel_loop3A_338 to %parallel_loop3A_339 step %parallel_loop3A_340  : i32 {
        %parallel_loop3A_399 = arith.constant 16 : i32
        %parallel_loop3A_400 = arith.muli %parallel_loop3A_398, %parallel_loop3A_399 : i32
        %parallel_loop3A_401 = arith.constant 0 : i32
        %parallel_loop3A_402 = arith.index_cast %parallel_loop3A_401 : i32 to index
        %parallel_loop3A_403 = arith.index_cast %parallel_loop3A_400 : i32 to index
        %parallel_loop3A_404 = tpu.vector_load %arg9[%parallel_loop3A_402, %parallel_loop3A_403] {strides = array<i32>} : memref<16x1024xf32, #tpu.memory_space<vmem>>, vector<1x16xf32>,
        %parallel_loop3A_405 = vector.shape_cast %parallel_loop3A_404 : vector<1x16xf32> to vector<16xf32>
        %parallel_loop3A_406 = arith.constant 0 : i32
        %parallel_loop3A_407 = arith.index_cast %parallel_loop3A_406 : i32 to index
        %parallel_loop3A_408 = arith.index_cast %parallel_loop3A_400 : i32 to index
        %parallel_loop3A_409 = tpu.vector_load %arg6[%parallel_loop3A_407, %parallel_loop3A_408] {strides = array<i32>} : memref<16x1024xf32, #tpu.memory_space<vmem>>, vector<1x16xf32>,
        %parallel_loop3A_410 = vector.shape_cast %parallel_loop3A_409 : vector<1x16xf32> to vector<16xf32>
        %parallel_loop3A_411 = arith.addf %parallel_loop3A_405, %parallel_loop3A_410 : vector<16xf32>
        %parallel_loop3A_412 = arith.constant 0 : i32
        %parallel_loop3A_413 = arith.index_cast %parallel_loop3A_412 : i32 to index
        %parallel_loop3A_414 = arith.index_cast %parallel_loop3A_400 : i32 to index
        %parallel_loop3A_415 = tpu.vector_load %arg9[%parallel_loop3A_413, %parallel_loop3A_414] {strides = array<i32>} : memref<16x1024xf32, #tpu.memory_space<vmem>>, vector<1x16xf32>,
        %parallel_loop3A_416 = vector.shape_cast %parallel_loop3A_415 : vector<1x16xf32> to vector<16xf32>
        %parallel_loop3A_417 = vector.shape_cast %parallel_loop3A_411 : vector<16xf32> to vector<1x16xf32>
        tpu.vector_store %arg9[%parallel_loop3A_413, %parallel_loop3A_414], %parallel_loop3A_417 {strides = array<i32>} : memref<16x1024xf32, #tpu.memory_space<vmem>>, vector<1x16xf32>,
        %parallel_loop3A_418 = arith.constant 1 : i32
        %parallel_loop3A_419 = arith.index_cast %parallel_loop3A_418 : i32 to index
        %parallel_loop3A_420 = arith.index_cast %parallel_loop3A_400 : i32 to index
        %parallel_loop3A_421 = tpu.vector_load %arg9[%parallel_loop3A_419, %parallel_loop3A_420] {strides = array<i32>} : memref<16x1024xf32, #tpu.memory_space<vmem>>, vector<1x16xf32>,
        %parallel_loop3A_422 = vector.shape_cast %parallel_loop3A_421 : vector<1x16xf32> to vector<16xf32>
        %parallel_loop3A_423 = arith.constant 1 : i32
        %parallel_loop3A_424 = arith.index_cast %parallel_loop3A_423 : i32 to index
        %parallel_loop3A_425 = arith.index_cast %parallel_loop3A_400 : i32 to index
        %parallel_loop3A_426 = tpu.vector_load %arg6[%parallel_loop3A_424, %parallel_loop3A_425] {strides = array<i32>} : memref<16x1024xf32, #tpu.memory_space<vmem>>, vector<1x16xf32>,
        %parallel_loop3A_427 = vector.shape_cast %parallel_loop3A_426 : vector<1x16xf32> to vector<16xf32>
        %parallel_loop3A_428 = arith.addf %parallel_loop3A_422, %parallel_loop3A_427 : vector<16xf32>
        %parallel_loop3A_429 = arith.constant 1 : i32
        %parallel_loop3A_430 = arith.index_cast %parallel_loop3A_429 : i32 to index
        %parallel_loop3A_431 = arith.index_cast %parallel_loop3A_400 : i32 to index
        %parallel_loop3A_432 = tpu.vector_load %arg9[%parallel_loop3A_430, %parallel_loop3A_431] {strides = array<i32>} : memref<16x1024xf32, #tpu.memory_space<vmem>>, vector<1x16xf32>,
        %parallel_loop3A_433 = vector.shape_cast %parallel_loop3A_432 : vector<1x16xf32> to vector<16xf32>
        %parallel_loop3A_434 = vector.shape_cast %parallel_loop3A_428 : vector<16xf32> to vector<1x16xf32>
        tpu.vector_store %arg9[%parallel_loop3A_430, %parallel_loop3A_431], %parallel_loop3A_434 {strides = array<i32>} : memref<16x1024xf32, #tpu.memory_space<vmem>>, vector<1x16xf32>,
        %parallel_loop3A_435 = arith.constant 2 : i32
        %parallel_loop3A_436 = arith.index_cast %parallel_loop3A_435 : i32 to index
        %parallel_loop3A_437 = arith.index_cast %parallel_loop3A_400 : i32 to index
        %parallel_loop3A_438 = tpu.vector_load %arg9[%parallel_loop3A_436, %parallel_loop3A_437] {strides = array<i32>} : memref<16x1024xf32, #tpu.memory_space<vmem>>, vector<1x16xf32>,
        %parallel_loop3A_439 = vector.shape_cast %parallel_loop3A_438 : vector<1x16xf32> to vector<16xf32>
        %parallel_loop3A_440 = arith.constant 2 : i32
        %parallel_loop3A_441 = arith.index_cast %parallel_loop3A_440 : i32 to index
        %parallel_loop3A_442 = arith.index_cast %parallel_loop3A_400 : i32 to index
        %parallel_loop3A_443 = tpu.vector_load %arg6[%parallel_loop3A_441, %parallel_loop3A_442] {strides = array<i32>} : memref<16x1024xf32, #tpu.memory_space<vmem>>, vector<1x16xf32>,
        %parallel_loop3A_444 = vector.shape_cast %parallel_loop3A_443 : vector<1x16xf32> to vector<16xf32>
        %parallel_loop3A_445 = arith.addf %parallel_loop3A_439, %parallel_loop3A_444 : vector<16xf32>
        %parallel_loop3A_446 = arith.constant 2 : i32
        %parallel_loop3A_447 = arith.index_cast %parallel_loop3A_446 : i32 to index
        %parallel_loop3A_448 = arith.index_cast %parallel_loop3A_400 : i32 to index
        %parallel_loop3A_449 = tpu.vector_load %arg9[%parallel_loop3A_447, %parallel_loop3A_448] {strides = array<i32>} : memref<16x1024xf32, #tpu.memory_space<vmem>>, vector<1x16xf32>,
        %parallel_loop3A_450 = vector.shape_cast %parallel_loop3A_449 : vector<1x16xf32> to vector<16xf32>
        %parallel_loop3A_451 = vector.shape_cast %parallel_loop3A_445 : vector<16xf32> to vector<1x16xf32>
        tpu.vector_store %arg9[%parallel_loop3A_447, %parallel_loop3A_448], %parallel_loop3A_451 {strides = array<i32>} : memref<16x1024xf32, #tpu.memory_space<vmem>>, vector<1x16xf32>,
        %parallel_loop3A_452 = arith.constant 3 : i32
        %parallel_loop3A_453 = arith.index_cast %parallel_loop3A_452 : i32 to index
        %parallel_loop3A_454 = arith.index_cast %parallel_loop3A_400 : i32 to index
        %parallel_loop3A_455 = tpu.vector_load %arg9[%parallel_loop3A_453, %parallel_loop3A_454] {strides = array<i32>} : memref<16x1024xf32, #tpu.memory_space<vmem>>, vector<1x16xf32>,
        %parallel_loop3A_456 = vector.shape_cast %parallel_loop3A_455 : vector<1x16xf32> to vector<16xf32>
        %parallel_loop3A_457 = arith.constant 3 : i32
        %parallel_loop3A_458 = arith.index_cast %parallel_loop3A_457 : i32 to index
        %parallel_loop3A_459 = arith.index_cast %parallel_loop3A_400 : i32 to index
        %parallel_loop3A_460 = tpu.vector_load %arg6[%parallel_loop3A_458, %parallel_loop3A_459] {strides = array<i32>} : memref<16x1024xf32, #tpu.memory_space<vmem>>, vector<1x16xf32>,
        %parallel_loop3A_461 = vector.shape_cast %parallel_loop3A_460 : vector<1x16xf32> to vector<16xf32>
        %parallel_loop3A_462 = arith.addf %parallel_loop3A_456, %parallel_loop3A_461 : vector<16xf32>
        %parallel_loop3A_463 = arith.constant 3 : i32
        %parallel_loop3A_464 = arith.index_cast %parallel_loop3A_463 : i32 to index
        %parallel_loop3A_465 = arith.index_cast %parallel_loop3A_400 : i32 to index
        %parallel_loop3A_466 = tpu.vector_load %arg9[%parallel_loop3A_464, %parallel_loop3A_465] {strides = array<i32>} : memref<16x1024xf32, #tpu.memory_space<vmem>>, vector<1x16xf32>,
        %parallel_loop3A_467 = vector.shape_cast %parallel_loop3A_466 : vector<1x16xf32> to vector<16xf32>
        %parallel_loop3A_468 = vector.shape_cast %parallel_loop3A_462 : vector<16xf32> to vector<1x16xf32>
        tpu.vector_store %arg9[%parallel_loop3A_464, %parallel_loop3A_465], %parallel_loop3A_468 {strides = array<i32>} : memref<16x1024xf32, #tpu.memory_space<vmem>>, vector<1x16xf32>,
        %parallel_loop3A_469 = arith.constant 4 : i32
        %parallel_loop3A_470 = arith.index_cast %parallel_loop3A_469 : i32 to index
        %parallel_loop3A_471 = arith.index_cast %parallel_loop3A_400 : i32 to index
        %parallel_loop3A_472 = tpu.vector_load %arg9[%parallel_loop3A_470, %parallel_loop3A_471] {strides = array<i32>} : memref<16x1024xf32, #tpu.memory_space<vmem>>, vector<1x16xf32>,
        %parallel_loop3A_473 = vector.shape_cast %parallel_loop3A_472 : vector<1x16xf32> to vector<16xf32>
        %parallel_loop3A_474 = arith.constant 4 : i32
        %parallel_loop3A_475 = arith.index_cast %parallel_loop3A_474 : i32 to index
        %parallel_loop3A_476 = arith.index_cast %parallel_loop3A_400 : i32 to index
        %parallel_loop3A_477 = tpu.vector_load %arg6[%parallel_loop3A_475, %parallel_loop3A_476] {strides = array<i32>} : memref<16x1024xf32, #tpu.memory_space<vmem>>, vector<1x16xf32>,
        %parallel_loop3A_478 = vector.shape_cast %parallel_loop3A_477 : vector<1x16xf32> to vector<16xf32>
        %parallel_loop3A_479 = arith.addf %parallel_loop3A_473, %parallel_loop3A_478 : vector<16xf32>
        %parallel_loop3A_480 = arith.constant 4 : i32
        %parallel_loop3A_481 = arith.index_cast %parallel_loop3A_480 : i32 to index
        %parallel_loop3A_482 = arith.index_cast %parallel_loop3A_400 : i32 to index
        %parallel_loop3A_483 = tpu.vector_load %arg9[%parallel_loop3A_481, %parallel_loop3A_482] {strides = array<i32>} : memref<16x1024xf32, #tpu.memory_space<vmem>>, vector<1x16xf32>,
        %parallel_loop3A_484 = vector.shape_cast %parallel_loop3A_483 : vector<1x16xf32> to vector<16xf32>
        %parallel_loop3A_485 = vector.shape_cast %parallel_loop3A_479 : vector<16xf32> to vector<1x16xf32>
        tpu.vector_store %arg9[%parallel_loop3A_481, %parallel_loop3A_482], %parallel_loop3A_485 {strides = array<i32>} : memref<16x1024xf32, #tpu.memory_space<vmem>>, vector<1x16xf32>,
        %parallel_loop3A_486 = arith.constant 5 : i32
        %parallel_loop3A_487 = arith.index_cast %parallel_loop3A_486 : i32 to index
        %parallel_loop3A_488 = arith.index_cast %parallel_loop3A_400 : i32 to index
        %parallel_loop3A_489 = tpu.vector_load %arg9[%parallel_loop3A_487, %parallel_loop3A_488] {strides = array<i32>} : memref<16x1024xf32, #tpu.memory_space<vmem>>, vector<1x16xf32>,
        %parallel_loop3A_490 = vector.shape_cast %parallel_loop3A_489 : vector<1x16xf32> to vector<16xf32>
        %parallel_loop3A_491 = arith.constant 5 : i32
        %parallel_loop3A_492 = arith.index_cast %parallel_loop3A_491 : i32 to index
        %parallel_loop3A_493 = arith.index_cast %parallel_loop3A_400 : i32 to index
        %parallel_loop3A_494 = tpu.vector_load %arg6[%parallel_loop3A_492, %parallel_loop3A_493] {strides = array<i32>} : memref<16x1024xf32, #tpu.memory_space<vmem>>, vector<1x16xf32>,
        %parallel_loop3A_495 = vector.shape_cast %parallel_loop3A_494 : vector<1x16xf32> to vector<16xf32>
        %parallel_loop3A_496 = arith.addf %parallel_loop3A_490, %parallel_loop3A_495 : vector<16xf32>
        %parallel_loop3A_497 = arith.constant 5 : i32
        %parallel_loop3A_498 = arith.index_cast %parallel_loop3A_497 : i32 to index
        %parallel_loop3A_499 = arith.index_cast %parallel_loop3A_400 : i32 to index
        %parallel_loop3A_500 = tpu.vector_load %arg9[%parallel_loop3A_498, %parallel_loop3A_499] {strides = array<i32>} : memref<16x1024xf32, #tpu.memory_space<vmem>>, vector<1x16xf32>,
        %parallel_loop3A_501 = vector.shape_cast %parallel_loop3A_500 : vector<1x16xf32> to vector<16xf32>
        %parallel_loop3A_502 = vector.shape_cast %parallel_loop3A_496 : vector<16xf32> to vector<1x16xf32>
        tpu.vector_store %arg9[%parallel_loop3A_498, %parallel_loop3A_499], %parallel_loop3A_502 {strides = array<i32>} : memref<16x1024xf32, #tpu.memory_space<vmem>>, vector<1x16xf32>,
        %parallel_loop3A_503 = arith.constant 6 : i32
        %parallel_loop3A_504 = arith.index_cast %parallel_loop3A_503 : i32 to index
        %parallel_loop3A_505 = arith.index_cast %parallel_loop3A_400 : i32 to index
        %parallel_loop3A_506 = tpu.vector_load %arg9[%parallel_loop3A_504, %parallel_loop3A_505] {strides = array<i32>} : memref<16x1024xf32, #tpu.memory_space<vmem>>, vector<1x16xf32>,
        %parallel_loop3A_507 = vector.shape_cast %parallel_loop3A_506 : vector<1x16xf32> to vector<16xf32>
        %parallel_loop3A_508 = arith.constant 6 : i32
        %parallel_loop3A_509 = arith.index_cast %parallel_loop3A_508 : i32 to index
        %parallel_loop3A_510 = arith.index_cast %parallel_loop3A_400 : i32 to index
        %parallel_loop3A_511 = tpu.vector_load %arg6[%parallel_loop3A_509, %parallel_loop3A_510] {strides = array<i32>} : memref<16x1024xf32, #tpu.memory_space<vmem>>, vector<1x16xf32>,
        %parallel_loop3A_512 = vector.shape_cast %parallel_loop3A_511 : vector<1x16xf32> to vector<16xf32>
        %parallel_loop3A_513 = arith.addf %parallel_loop3A_507, %parallel_loop3A_512 : vector<16xf32>
        %parallel_loop3A_514 = arith.constant 6 : i32
        %parallel_loop3A_515 = arith.index_cast %parallel_loop3A_514 : i32 to index
        %parallel_loop3A_516 = arith.index_cast %parallel_loop3A_400 : i32 to index
        %parallel_loop3A_517 = tpu.vector_load %arg9[%parallel_loop3A_515, %parallel_loop3A_516] {strides = array<i32>} : memref<16x1024xf32, #tpu.memory_space<vmem>>, vector<1x16xf32>,
        %parallel_loop3A_518 = vector.shape_cast %parallel_loop3A_517 : vector<1x16xf32> to vector<16xf32>
        %parallel_loop3A_519 = vector.shape_cast %parallel_loop3A_513 : vector<16xf32> to vector<1x16xf32>
        tpu.vector_store %arg9[%parallel_loop3A_515, %parallel_loop3A_516], %parallel_loop3A_519 {strides = array<i32>} : memref<16x1024xf32, #tpu.memory_space<vmem>>, vector<1x16xf32>,
        %parallel_loop3A_520 = arith.constant 7 : i32
        %parallel_loop3A_521 = arith.index_cast %parallel_loop3A_520 : i32 to index
        %parallel_loop3A_522 = arith.index_cast %parallel_loop3A_400 : i32 to index
        %parallel_loop3A_523 = tpu.vector_load %arg9[%parallel_loop3A_521, %parallel_loop3A_522] {strides = array<i32>} : memref<16x1024xf32, #tpu.memory_space<vmem>>, vector<1x16xf32>,
        %parallel_loop3A_524 = vector.shape_cast %parallel_loop3A_523 : vector<1x16xf32> to vector<16xf32>
        %parallel_loop3A_525 = arith.constant 7 : i32
        %parallel_loop3A_526 = arith.index_cast %parallel_loop3A_525 : i32 to index
        %parallel_loop3A_527 = arith.index_cast %parallel_loop3A_400 : i32 to index
        %parallel_loop3A_528 = tpu.vector_load %arg6[%parallel_loop3A_526, %parallel_loop3A_527] {strides = array<i32>} : memref<16x1024xf32, #tpu.memory_space<vmem>>, vector<1x16xf32>,
        %parallel_loop3A_529 = vector.shape_cast %parallel_loop3A_528 : vector<1x16xf32> to vector<16xf32>
        %parallel_loop3A_530 = arith.addf %parallel_loop3A_524, %parallel_loop3A_529 : vector<16xf32>
        %parallel_loop3A_531 = arith.constant 7 : i32
        %parallel_loop3A_532 = arith.index_cast %parallel_loop3A_531 : i32 to index
        %parallel_loop3A_533 = arith.index_cast %parallel_loop3A_400 : i32 to index
        %parallel_loop3A_534 = tpu.vector_load %arg9[%parallel_loop3A_532, %parallel_loop3A_533] {strides = array<i32>} : memref<16x1024xf32, #tpu.memory_space<vmem>>, vector<1x16xf32>,
        %parallel_loop3A_535 = vector.shape_cast %parallel_loop3A_534 : vector<1x16xf32> to vector<16xf32>
        %parallel_loop3A_536 = vector.shape_cast %parallel_loop3A_530 : vector<16xf32> to vector<1x16xf32>
        tpu.vector_store %arg9[%parallel_loop3A_532, %parallel_loop3A_533], %parallel_loop3A_536 {strides = array<i32>} : memref<16x1024xf32, #tpu.memory_space<vmem>>, vector<1x16xf32>,
        %parallel_loop3A_537 = arith.constant 8 : i32
        %parallel_loop3A_538 = arith.index_cast %parallel_loop3A_537 : i32 to index
        %parallel_loop3A_539 = arith.index_cast %parallel_loop3A_400 : i32 to index
        %parallel_loop3A_540 = tpu.vector_load %arg9[%parallel_loop3A_538, %parallel_loop3A_539] {strides = array<i32>} : memref<16x1024xf32, #tpu.memory_space<vmem>>, vector<1x16xf32>,
        %parallel_loop3A_541 = vector.shape_cast %parallel_loop3A_540 : vector<1x16xf32> to vector<16xf32>
        %parallel_loop3A_542 = arith.constant 8 : i32
        %parallel_loop3A_543 = arith.index_cast %parallel_loop3A_542 : i32 to index
        %parallel_loop3A_544 = arith.index_cast %parallel_loop3A_400 : i32 to index
        %parallel_loop3A_545 = tpu.vector_load %arg6[%parallel_loop3A_543, %parallel_loop3A_544] {strides = array<i32>} : memref<16x1024xf32, #tpu.memory_space<vmem>>, vector<1x16xf32>,
        %parallel_loop3A_546 = vector.shape_cast %parallel_loop3A_545 : vector<1x16xf32> to vector<16xf32>
        %parallel_loop3A_547 = arith.addf %parallel_loop3A_541, %parallel_loop3A_546 : vector<16xf32>
        %parallel_loop3A_548 = arith.constant 8 : i32
        %parallel_loop3A_549 = arith.index_cast %parallel_loop3A_548 : i32 to index
        %parallel_loop3A_550 = arith.index_cast %parallel_loop3A_400 : i32 to index
        %parallel_loop3A_551 = tpu.vector_load %arg9[%parallel_loop3A_549, %parallel_loop3A_550] {strides = array<i32>} : memref<16x1024xf32, #tpu.memory_space<vmem>>, vector<1x16xf32>,
        %parallel_loop3A_552 = vector.shape_cast %parallel_loop3A_551 : vector<1x16xf32> to vector<16xf32>
        %parallel_loop3A_553 = vector.shape_cast %parallel_loop3A_547 : vector<16xf32> to vector<1x16xf32>
        tpu.vector_store %arg9[%parallel_loop3A_549, %parallel_loop3A_550], %parallel_loop3A_553 {strides = array<i32>} : memref<16x1024xf32, #tpu.memory_space<vmem>>, vector<1x16xf32>,
        %parallel_loop3A_554 = arith.constant 9 : i32
        %parallel_loop3A_555 = arith.index_cast %parallel_loop3A_554 : i32 to index
        %parallel_loop3A_556 = arith.index_cast %parallel_loop3A_400 : i32 to index
        %parallel_loop3A_557 = tpu.vector_load %arg9[%parallel_loop3A_555, %parallel_loop3A_556] {strides = array<i32>} : memref<16x1024xf32, #tpu.memory_space<vmem>>, vector<1x16xf32>,
        %parallel_loop3A_558 = vector.shape_cast %parallel_loop3A_557 : vector<1x16xf32> to vector<16xf32>
        %parallel_loop3A_559 = arith.constant 9 : i32
        %parallel_loop3A_560 = arith.index_cast %parallel_loop3A_559 : i32 to index
        %parallel_loop3A_561 = arith.index_cast %parallel_loop3A_400 : i32 to index
        %parallel_loop3A_562 = tpu.vector_load %arg6[%parallel_loop3A_560, %parallel_loop3A_561] {strides = array<i32>} : memref<16x1024xf32, #tpu.memory_space<vmem>>, vector<1x16xf32>,
        %parallel_loop3A_563 = vector.shape_cast %parallel_loop3A_562 : vector<1x16xf32> to vector<16xf32>
        %parallel_loop3A_564 = arith.addf %parallel_loop3A_558, %parallel_loop3A_563 : vector<16xf32>
        %parallel_loop3A_565 = arith.constant 9 : i32
        %parallel_loop3A_566 = arith.index_cast %parallel_loop3A_565 : i32 to index
        %parallel_loop3A_567 = arith.index_cast %parallel_loop3A_400 : i32 to index
        %parallel_loop3A_568 = tpu.vector_load %arg9[%parallel_loop3A_566, %parallel_loop3A_567] {strides = array<i32>} : memref<16x1024xf32, #tpu.memory_space<vmem>>, vector<1x16xf32>,
        %parallel_loop3A_569 = vector.shape_cast %parallel_loop3A_568 : vector<1x16xf32> to vector<16xf32>
        %parallel_loop3A_570 = vector.shape_cast %parallel_loop3A_564 : vector<16xf32> to vector<1x16xf32>
        tpu.vector_store %arg9[%parallel_loop3A_566, %parallel_loop3A_567], %parallel_loop3A_570 {strides = array<i32>} : memref<16x1024xf32, #tpu.memory_space<vmem>>, vector<1x16xf32>,
        %parallel_loop3A_571 = arith.constant 10 : i32
        %parallel_loop3A_572 = arith.index_cast %parallel_loop3A_571 : i32 to index
        %parallel_loop3A_573 = arith.index_cast %parallel_loop3A_400 : i32 to index
        %parallel_loop3A_574 = tpu.vector_load %arg9[%parallel_loop3A_572, %parallel_loop3A_573] {strides = array<i32>} : memref<16x1024xf32, #tpu.memory_space<vmem>>, vector<1x16xf32>,
        %parallel_loop3A_575 = vector.shape_cast %parallel_loop3A_574 : vector<1x16xf32> to vector<16xf32>
        %parallel_loop3A_576 = arith.constant 10 : i32
        %parallel_loop3A_577 = arith.index_cast %parallel_loop3A_576 : i32 to index
        %parallel_loop3A_578 = arith.index_cast %parallel_loop3A_400 : i32 to index
        %parallel_loop3A_579 = tpu.vector_load %arg6[%parallel_loop3A_577, %parallel_loop3A_578] {strides = array<i32>} : memref<16x1024xf32, #tpu.memory_space<vmem>>, vector<1x16xf32>,
        %parallel_loop3A_580 = vector.shape_cast %parallel_loop3A_579 : vector<1x16xf32> to vector<16xf32>
        %parallel_loop3A_581 = arith.addf %parallel_loop3A_575, %parallel_loop3A_580 : vector<16xf32>
        %parallel_loop3A_582 = arith.constant 10 : i32
        %parallel_loop3A_583 = arith.index_cast %parallel_loop3A_582 : i32 to index
        %parallel_loop3A_584 = arith.index_cast %parallel_loop3A_400 : i32 to index
        %parallel_loop3A_585 = tpu.vector_load %arg9[%parallel_loop3A_583, %parallel_loop3A_584] {strides = array<i32>} : memref<16x1024xf32, #tpu.memory_space<vmem>>, vector<1x16xf32>,
        %parallel_loop3A_586 = vector.shape_cast %parallel_loop3A_585 : vector<1x16xf32> to vector<16xf32>
        %parallel_loop3A_587 = vector.shape_cast %parallel_loop3A_581 : vector<16xf32> to vector<1x16xf32>
        tpu.vector_store %arg9[%parallel_loop3A_583, %parallel_loop3A_584], %parallel_loop3A_587 {strides = array<i32>} : memref<16x1024xf32, #tpu.memory_space<vmem>>, vector<1x16xf32>,
        %parallel_loop3A_588 = arith.constant 11 : i32
        %parallel_loop3A_589 = arith.index_cast %parallel_loop3A_588 : i32 to index
        %parallel_loop3A_590 = arith.index_cast %parallel_loop3A_400 : i32 to index
        %parallel_loop3A_591 = tpu.vector_load %arg9[%parallel_loop3A_589, %parallel_loop3A_590] {strides = array<i32>} : memref<16x1024xf32, #tpu.memory_space<vmem>>, vector<1x16xf32>,
        %parallel_loop3A_592 = vector.shape_cast %parallel_loop3A_591 : vector<1x16xf32> to vector<16xf32>
        %parallel_loop3A_593 = arith.constant 11 : i32
        %parallel_loop3A_594 = arith.index_cast %parallel_loop3A_593 : i32 to index
        %parallel_loop3A_595 = arith.index_cast %parallel_loop3A_400 : i32 to index
        %parallel_loop3A_596 = tpu.vector_load %arg6[%parallel_loop3A_594, %parallel_loop3A_595] {strides = array<i32>} : memref<16x1024xf32, #tpu.memory_space<vmem>>, vector<1x16xf32>,
        %parallel_loop3A_597 = vector.shape_cast %parallel_loop3A_596 : vector<1x16xf32> to vector<16xf32>
        %parallel_loop3A_598 = arith.addf %parallel_loop3A_592, %parallel_loop3A_597 : vector<16xf32>
        %parallel_loop3A_599 = arith.constant 11 : i32
        %parallel_loop3A_600 = arith.index_cast %parallel_loop3A_599 : i32 to index
        %parallel_loop3A_601 = arith.index_cast %parallel_loop3A_400 : i32 to index
        %parallel_loop3A_602 = tpu.vector_load %arg9[%parallel_loop3A_600, %parallel_loop3A_601] {strides = array<i32>} : memref<16x1024xf32, #tpu.memory_space<vmem>>, vector<1x16xf32>,
        %parallel_loop3A_603 = vector.shape_cast %parallel_loop3A_602 : vector<1x16xf32> to vector<16xf32>
        %parallel_loop3A_604 = vector.shape_cast %parallel_loop3A_598 : vector<16xf32> to vector<1x16xf32>
        tpu.vector_store %arg9[%parallel_loop3A_600, %parallel_loop3A_601], %parallel_loop3A_604 {strides = array<i32>} : memref<16x1024xf32, #tpu.memory_space<vmem>>, vector<1x16xf32>,
        %parallel_loop3A_605 = arith.constant 12 : i32
        %parallel_loop3A_606 = arith.index_cast %parallel_loop3A_605 : i32 to index
        %parallel_loop3A_607 = arith.index_cast %parallel_loop3A_400 : i32 to index
        %parallel_loop3A_608 = tpu.vector_load %arg9[%parallel_loop3A_606, %parallel_loop3A_607] {strides = array<i32>} : memref<16x1024xf32, #tpu.memory_space<vmem>>, vector<1x16xf32>,
        %parallel_loop3A_609 = vector.shape_cast %parallel_loop3A_608 : vector<1x16xf32> to vector<16xf32>
        %parallel_loop3A_610 = arith.constant 12 : i32
        %parallel_loop3A_611 = arith.index_cast %parallel_loop3A_610 : i32 to index
        %parallel_loop3A_612 = arith.index_cast %parallel_loop3A_400 : i32 to index
        %parallel_loop3A_613 = tpu.vector_load %arg6[%parallel_loop3A_611, %parallel_loop3A_612] {strides = array<i32>} : memref<16x1024xf32, #tpu.memory_space<vmem>>, vector<1x16xf32>,
        %parallel_loop3A_614 = vector.shape_cast %parallel_loop3A_613 : vector<1x16xf32> to vector<16xf32>
        %parallel_loop3A_615 = arith.addf %parallel_loop3A_609, %parallel_loop3A_614 : vector<16xf32>
        %parallel_loop3A_616 = arith.constant 12 : i32
        %parallel_loop3A_617 = arith.index_cast %parallel_loop3A_616 : i32 to index
        %parallel_loop3A_618 = arith.index_cast %parallel_loop3A_400 : i32 to index
        %parallel_loop3A_619 = tpu.vector_load %arg9[%parallel_loop3A_617, %parallel_loop3A_618] {strides = array<i32>} : memref<16x1024xf32, #tpu.memory_space<vmem>>, vector<1x16xf32>,
        %parallel_loop3A_620 = vector.shape_cast %parallel_loop3A_619 : vector<1x16xf32> to vector<16xf32>
        %parallel_loop3A_621 = vector.shape_cast %parallel_loop3A_615 : vector<16xf32> to vector<1x16xf32>
        tpu.vector_store %arg9[%parallel_loop3A_617, %parallel_loop3A_618], %parallel_loop3A_621 {strides = array<i32>} : memref<16x1024xf32, #tpu.memory_space<vmem>>, vector<1x16xf32>,
        %parallel_loop3A_622 = arith.constant 13 : i32
        %parallel_loop3A_623 = arith.index_cast %parallel_loop3A_622 : i32 to index
        %parallel_loop3A_624 = arith.index_cast %parallel_loop3A_400 : i32 to index
        %parallel_loop3A_625 = tpu.vector_load %arg9[%parallel_loop3A_623, %parallel_loop3A_624] {strides = array<i32>} : memref<16x1024xf32, #tpu.memory_space<vmem>>, vector<1x16xf32>,
        %parallel_loop3A_626 = vector.shape_cast %parallel_loop3A_625 : vector<1x16xf32> to vector<16xf32>
        %parallel_loop3A_627 = arith.constant 13 : i32
        %parallel_loop3A_628 = arith.index_cast %parallel_loop3A_627 : i32 to index
        %parallel_loop3A_629 = arith.index_cast %parallel_loop3A_400 : i32 to index
        %parallel_loop3A_630 = tpu.vector_load %arg6[%parallel_loop3A_628, %parallel_loop3A_629] {strides = array<i32>} : memref<16x1024xf32, #tpu.memory_space<vmem>>, vector<1x16xf32>,
        %parallel_loop3A_631 = vector.shape_cast %parallel_loop3A_630 : vector<1x16xf32> to vector<16xf32>
        %parallel_loop3A_632 = arith.addf %parallel_loop3A_626, %parallel_loop3A_631 : vector<16xf32>
        %parallel_loop3A_633 = arith.constant 13 : i32
        %parallel_loop3A_634 = arith.index_cast %parallel_loop3A_633 : i32 to index
        %parallel_loop3A_635 = arith.index_cast %parallel_loop3A_400 : i32 to index
        %parallel_loop3A_636 = tpu.vector_load %arg9[%parallel_loop3A_634, %parallel_loop3A_635] {strides = array<i32>} : memref<16x1024xf32, #tpu.memory_space<vmem>>, vector<1x16xf32>,
        %parallel_loop3A_637 = vector.shape_cast %parallel_loop3A_636 : vector<1x16xf32> to vector<16xf32>
        %parallel_loop3A_638 = vector.shape_cast %parallel_loop3A_632 : vector<16xf32> to vector<1x16xf32>
        tpu.vector_store %arg9[%parallel_loop3A_634, %parallel_loop3A_635], %parallel_loop3A_638 {strides = array<i32>} : memref<16x1024xf32, #tpu.memory_space<vmem>>, vector<1x16xf32>,
        %parallel_loop3A_639 = arith.constant 14 : i32
        %parallel_loop3A_640 = arith.index_cast %parallel_loop3A_639 : i32 to index
        %parallel_loop3A_641 = arith.index_cast %parallel_loop3A_400 : i32 to index
        %parallel_loop3A_642 = tpu.vector_load %arg9[%parallel_loop3A_640, %parallel_loop3A_641] {strides = array<i32>} : memref<16x1024xf32, #tpu.memory_space<vmem>>, vector<1x16xf32>,
        %parallel_loop3A_643 = vector.shape_cast %parallel_loop3A_642 : vector<1x16xf32> to vector<16xf32>
        %parallel_loop3A_644 = arith.constant 14 : i32
        %parallel_loop3A_645 = arith.index_cast %parallel_loop3A_644 : i32 to index
        %parallel_loop3A_646 = arith.index_cast %parallel_loop3A_400 : i32 to index
        %parallel_loop3A_647 = tpu.vector_load %arg6[%parallel_loop3A_645, %parallel_loop3A_646] {strides = array<i32>} : memref<16x1024xf32, #tpu.memory_space<vmem>>, vector<1x16xf32>,
        %parallel_loop3A_648 = vector.shape_cast %parallel_loop3A_647 : vector<1x16xf32> to vector<16xf32>
        %parallel_loop3A_649 = arith.addf %parallel_loop3A_643, %parallel_loop3A_648 : vector<16xf32>
        %parallel_loop3A_650 = arith.constant 14 : i32
        %parallel_loop3A_651 = arith.index_cast %parallel_loop3A_650 : i32 to index
        %parallel_loop3A_652 = arith.index_cast %parallel_loop3A_400 : i32 to index
        %parallel_loop3A_653 = tpu.vector_load %arg9[%parallel_loop3A_651, %parallel_loop3A_652] {strides = array<i32>} : memref<16x1024xf32, #tpu.memory_space<vmem>>, vector<1x16xf32>,
        %parallel_loop3A_654 = vector.shape_cast %parallel_loop3A_653 : vector<1x16xf32> to vector<16xf32>
        %parallel_loop3A_655 = vector.shape_cast %parallel_loop3A_649 : vector<16xf32> to vector<1x16xf32>
        tpu.vector_store %arg9[%parallel_loop3A_651, %parallel_loop3A_652], %parallel_loop3A_655 {strides = array<i32>} : memref<16x1024xf32, #tpu.memory_space<vmem>>, vector<1x16xf32>,
        %parallel_loop3A_656 = arith.constant 15 : i32
        %parallel_loop3A_657 = arith.index_cast %parallel_loop3A_656 : i32 to index
        %parallel_loop3A_658 = arith.index_cast %parallel_loop3A_400 : i32 to index
        %parallel_loop3A_659 = tpu.vector_load %arg9[%parallel_loop3A_657, %parallel_loop3A_658] {strides = array<i32>} : memref<16x1024xf32, #tpu.memory_space<vmem>>, vector<1x16xf32>,
        %parallel_loop3A_660 = vector.shape_cast %parallel_loop3A_659 : vector<1x16xf32> to vector<16xf32>
        %parallel_loop3A_661 = arith.constant 15 : i32
        %parallel_loop3A_662 = arith.index_cast %parallel_loop3A_661 : i32 to index
        %parallel_loop3A_663 = arith.index_cast %parallel_loop3A_400 : i32 to index
        %parallel_loop3A_664 = tpu.vector_load %arg6[%parallel_loop3A_662, %parallel_loop3A_663] {strides = array<i32>} : memref<16x1024xf32, #tpu.memory_space<vmem>>, vector<1x16xf32>,
        %parallel_loop3A_665 = vector.shape_cast %parallel_loop3A_664 : vector<1x16xf32> to vector<16xf32>
        %parallel_loop3A_666 = arith.addf %parallel_loop3A_660, %parallel_loop3A_665 : vector<16xf32>
        %parallel_loop3A_667 = arith.constant 15 : i32
        %parallel_loop3A_668 = arith.index_cast %parallel_loop3A_667 : i32 to index
        %parallel_loop3A_669 = arith.index_cast %parallel_loop3A_400 : i32 to index
        %parallel_loop3A_670 = tpu.vector_load %arg9[%parallel_loop3A_668, %parallel_loop3A_669] {strides = array<i32>} : memref<16x1024xf32, #tpu.memory_space<vmem>>, vector<1x16xf32>,
        %parallel_loop3A_671 = vector.shape_cast %parallel_loop3A_670 : vector<1x16xf32> to vector<16xf32>
        %parallel_loop3A_672 = vector.shape_cast %parallel_loop3A_666 : vector<16xf32> to vector<1x16xf32>
        tpu.vector_store %arg9[%parallel_loop3A_668, %parallel_loop3A_669], %parallel_loop3A_672 {strides = array<i32>} : memref<16x1024xf32, #tpu.memory_space<vmem>>, vector<1x16xf32>,
      } {sc.loop_unroll_factor = 4 : i64, sc.parallel_access}
      %mul3A_341 = arith.constant 16 : i32
      %mul3A_342 = arith.muli %add3A_227, %mul3A_341 : i32
      %add3A_343 = arith.addi %mul3A_2, %mul3A_342 : i32
      %dma_start3A_344 = arith.constant 2 : i32
      %dma_start3A_345 = arith.constant 0 : i32
      %dma_start3A_346 = tpu.memref_slice %arg4[%dma_start3A_344, %add3A_343, %dma_start3A_345] : memref<4x8192x1024xf32, #tpu.memory_space<hbm>> -> memref<1x16x1024xf32, #tpu.memory_space<hbm>>
      %dma_start3A_347 = tpu.memref_squeeze %dma_start3A_346 : memref<1x16x1024xf32, #tpu.memory_space<hbm>> -> memref<16x1024xf32, #tpu.memory_space<hbm>>
      %dma_start3A_348 = arith.constant 0 : i32
      %dma_start3A_349 = tpu.memref_slice %arg4[%dma_start3A_344, %add3A_343, %dma_start3A_348] : memref<4x8192x1024xf32, #tpu.memory_space<hbm>> -> memref<1x16x1024xf32, #tpu.memory_space<hbm>>
      %dma_start3A_350 = tpu.memref_squeeze %dma_start3A_349 : memref<1x16x1024xf32, #tpu.memory_space<hbm>> -> memref<16x1024xf32, #tpu.memory_space<hbm>>
      tpu.enqueue_dma source(%arg9 : memref<16x1024xf32, #tpu.memory_space<vmem>>) target(%dma_start3A_350 : memref<16x1024xf32, #tpu.memory_space<hbm>>) target_semaphore(%arg19 : memref<!tpu.dma_semaphore, #tpu.memory_space<semaphore_mem>>)
      %mul3A_351 = arith.constant 16 : i32
      %mul3A_352 = arith.muli %add3A_227, %mul3A_351 : i32
      %add3A_353 = arith.addi %mul3A_2, %mul3A_352 : i32
      %dma_wait3A_354 = arith.constant 1 : i32
      %dma_wait3A_355 = arith.constant 0 : i32
      %dma_wait3A_356 = tpu.memref_slice %arg4[%dma_wait3A_354, %add3A_353, %dma_wait3A_355] : memref<4x8192x1024xf32, #tpu.memory_space<hbm>> -> memref<1x16x1024xf32, #tpu.memory_space<hbm>>
      %dma_wait3A_357 = tpu.memref_squeeze %dma_wait3A_356 : memref<1x16x1024xf32, #tpu.memory_space<hbm>> -> memref<16x1024xf32, #tpu.memory_space<hbm>>
      %dma_wait3A_358 = arith.constant 0 : i32
      %dma_wait3A_359 = tpu.memref_slice %arg4[%dma_wait3A_354, %add3A_353, %dma_wait3A_358] : memref<4x8192x1024xf32, #tpu.memory_space<hbm>> -> memref<1x16x1024xf32, #tpu.memory_space<hbm>>
      %dma_wait3A_360 = tpu.memref_squeeze %dma_wait3A_359 : memref<1x16x1024xf32, #tpu.memory_space<hbm>> -> memref<16x1024xf32, #tpu.memory_space<hbm>>
      tpu.wait_dma2 semaphore(%arg18 : memref<!tpu.dma_semaphore, #tpu.memory_space<semaphore_mem>>) src(%arg8 : memref<16x1024xf32, #tpu.memory_space<vmem>>) dst(%dma_wait3A_360 : memref<16x1024xf32, #tpu.memory_space<hbm>>)
      %add3A_361 = arith.constant 1 : i32
      %add3A_362 = arith.addi %add3A_227, %add3A_361 : i32
      %lt3A_363 = arith.constant 16 : i32
      %lt3A_364 = arith.cmpi slt, %add3A_362, %lt3A_363 : i32
      %convert_element_type3A_365 = arith.extui %lt3A_364 : i1 to i32
      %cond3A_366 = arith.constant 0 : i32
      %cond3A_367 = arith.cmpi ne, %convert_element_type3A_365, %cond3A_366 : i32
      scf.if %cond3A_367 {
        %add3A_398 = arith.constant 1 : i32
        %add3A_399 = arith.addi %add3A_227, %add3A_398 : i32
        %mul3A_400 = arith.constant 16 : i32
        %mul3A_401 = arith.muli %add3A_399, %mul3A_400 : i32
        %add3A_402 = arith.addi %mul3A_2, %mul3A_401 : i32
        %dma_start3A_403 = arith.constant 1 : i32
        %dma_start3A_404 = arith.constant 0 : i32
        %dma_start3A_405 = tpu.memref_slice %arg2[%dma_start3A_403, %add3A_402, %dma_start3A_404] : memref<4x8192x1024xf32, #tpu.memory_space<hbm>> -> memref<1x16x1024xf32, #tpu.memory_space<hbm>>
        %dma_start3A_406 = tpu.memref_squeeze %dma_start3A_405 : memref<1x16x1024xf32, #tpu.memory_space<hbm>> -> memref<16x1024xf32, #tpu.memory_space<hbm>>
        %dma_start3A_407 = arith.constant 0 : i32
        %dma_start3A_408 = tpu.memref_slice %arg2[%dma_start3A_403, %add3A_402, %dma_start3A_407] : memref<4x8192x1024xf32, #tpu.memory_space<hbm>> -> memref<1x16x1024xf32, #tpu.memory_space<hbm>>
        %dma_start3A_409 = tpu.memref_squeeze %dma_start3A_408 : memref<1x16x1024xf32, #tpu.memory_space<hbm>> -> memref<16x1024xf32, #tpu.memory_space<hbm>>
        tpu.enqueue_dma source(%dma_start3A_409 : memref<16x1024xf32, #tpu.memory_space<hbm>>) target(%arg8 : memref<16x1024xf32, #tpu.memory_space<vmem>>) target_semaphore(%arg14 : memref<!tpu.dma_semaphore, #tpu.memory_space<semaphore_mem>>)
      } else {
      }
      %mul3A_368 = arith.constant 16 : i32
      %mul3A_369 = arith.muli %add3A_227, %mul3A_368 : i32
      %add3A_370 = arith.addi %mul3A_2, %mul3A_369 : i32
      %dma_wait3A_371 = arith.constant 3 : i32
      %dma_wait3A_372 = arith.constant 0 : i32
      %dma_wait3A_373 = tpu.memref_slice %arg2[%dma_wait3A_371, %add3A_370, %dma_wait3A_372] : memref<4x8192x1024xf32, #tpu.memory_space<hbm>> -> memref<1x16x1024xf32, #tpu.memory_space<hbm>>
      %dma_wait3A_374 = tpu.memref_squeeze %dma_wait3A_373 : memref<1x16x1024xf32, #tpu.memory_space<hbm>> -> memref<16x1024xf32, #tpu.memory_space<hbm>>
      %dma_wait3A_375 = arith.constant 0 : i32
      %dma_wait3A_376 = tpu.memref_slice %arg2[%dma_wait3A_371, %add3A_370, %dma_wait3A_375] : memref<4x8192x1024xf32, #tpu.memory_space<hbm>> -> memref<1x16x1024xf32, #tpu.memory_space<hbm>>
      %dma_wait3A_377 = tpu.memref_squeeze %dma_wait3A_376 : memref<1x16x1024xf32, #tpu.memory_space<hbm>> -> memref<16x1024xf32, #tpu.memory_space<hbm>>
      tpu.wait_dma2 semaphore(%arg16 : memref<!tpu.dma_semaphore, #tpu.memory_space<semaphore_mem>>) src(%dma_wait3A_377 : memref<16x1024xf32, #tpu.memory_space<hbm>>) dst(%arg10 : memref<16x1024xf32, #tpu.memory_space<vmem>>)
      %parallel_loop3A_378 = arith.constant 0 : i32
      %parallel_loop3A_379 = arith.constant 0 : i32
      %parallel_loop3A_380 = arith.constant 1 : i32
      scf.for %parallel_loop3A_398 = %parallel_loop3A_378 to %parallel_loop3A_379 step %parallel_loop3A_380  : i32 {
        %parallel_loop3A_399 = arith.constant 16 : i32
        %parallel_loop3A_400 = arith.muli %parallel_loop3A_398, %parallel_loop3A_399 : i32
        %parallel_loop3A_401 = arith.constant 0 : i32
        %parallel_loop3A_402 = arith.index_cast %parallel_loop3A_401 : i32 to index
        %parallel_loop3A_403 = arith.index_cast %parallel_loop3A_400 : i32 to index
        %parallel_loop3A_404 = tpu.vector_load %arg10[%parallel_loop3A_402, %parallel_loop3A_403] {strides = array<i32>} : memref<16x1024xf32, #tpu.memory_space<vmem>>, vector<1x16xf32>,
        %parallel_loop3A_405 = vector.shape_cast %parallel_loop3A_404 : vector<1x16xf32> to vector<16xf32>
        %parallel_loop3A_406 = arith.constant 0 : i32
        %parallel_loop3A_407 = arith.index_cast %parallel_loop3A_406 : i32 to index
        %parallel_loop3A_408 = arith.index_cast %parallel_loop3A_400 : i32 to index
        %parallel_loop3A_409 = tpu.vector_load %arg6[%parallel_loop3A_407, %parallel_loop3A_408] {strides = array<i32>} : memref<16x1024xf32, #tpu.memory_space<vmem>>, vector<1x16xf32>,
        %parallel_loop3A_410 = vector.shape_cast %parallel_loop3A_409 : vector<1x16xf32> to vector<16xf32>
        %parallel_loop3A_411 = arith.addf %parallel_loop3A_405, %parallel_loop3A_410 : vector<16xf32>
        %parallel_loop3A_412 = arith.constant 0 : i32
        %parallel_loop3A_413 = arith.index_cast %parallel_loop3A_412 : i32 to index
        %parallel_loop3A_414 = arith.index_cast %parallel_loop3A_400 : i32 to index
        %parallel_loop3A_415 = tpu.vector_load %arg10[%parallel_loop3A_413, %parallel_loop3A_414] {strides = array<i32>} : memref<16x1024xf32, #tpu.memory_space<vmem>>, vector<1x16xf32>,
        %parallel_loop3A_416 = vector.shape_cast %parallel_loop3A_415 : vector<1x16xf32> to vector<16xf32>
        %parallel_loop3A_417 = vector.shape_cast %parallel_loop3A_411 : vector<16xf32> to vector<1x16xf32>
        tpu.vector_store %arg10[%parallel_loop3A_413, %parallel_loop3A_414], %parallel_loop3A_417 {strides = array<i32>} : memref<16x1024xf32, #tpu.memory_space<vmem>>, vector<1x16xf32>,
        %parallel_loop3A_418 = arith.constant 1 : i32
        %parallel_loop3A_419 = arith.index_cast %parallel_loop3A_418 : i32 to index
        %parallel_loop3A_420 = arith.index_cast %parallel_loop3A_400 : i32 to index
        %parallel_loop3A_421 = tpu.vector_load %arg10[%parallel_loop3A_419, %parallel_loop3A_420] {strides = array<i32>} : memref<16x1024xf32, #tpu.memory_space<vmem>>, vector<1x16xf32>,
        %parallel_loop3A_422 = vector.shape_cast %parallel_loop3A_421 : vector<1x16xf32> to vector<16xf32>
        %parallel_loop3A_423 = arith.constant 1 : i32
        %parallel_loop3A_424 = arith.index_cast %parallel_loop3A_423 : i32 to index
        %parallel_loop3A_425 = arith.index_cast %parallel_loop3A_400 : i32 to index
        %parallel_loop3A_426 = tpu.vector_load %arg6[%parallel_loop3A_424, %parallel_loop3A_425] {strides = array<i32>} : memref<16x1024xf32, #tpu.memory_space<vmem>>, vector<1x16xf32>,
        %parallel_loop3A_427 = vector.shape_cast %parallel_loop3A_426 : vector<1x16xf32> to vector<16xf32>
        %parallel_loop3A_428 = arith.addf %parallel_loop3A_422, %parallel_loop3A_427 : vector<16xf32>
        %parallel_loop3A_429 = arith.constant 1 : i32
        %parallel_loop3A_430 = arith.index_cast %parallel_loop3A_429 : i32 to index
        %parallel_loop3A_431 = arith.index_cast %parallel_loop3A_400 : i32 to index
        %parallel_loop3A_432 = tpu.vector_load %arg10[%parallel_loop3A_430, %parallel_loop3A_431] {strides = array<i32>} : memref<16x1024xf32, #tpu.memory_space<vmem>>, vector<1x16xf32>,
        %parallel_loop3A_433 = vector.shape_cast %parallel_loop3A_432 : vector<1x16xf32> to vector<16xf32>
        %parallel_loop3A_434 = vector.shape_cast %parallel_loop3A_428 : vector<16xf32> to vector<1x16xf32>
        tpu.vector_store %arg10[%parallel_loop3A_430, %parallel_loop3A_431], %parallel_loop3A_434 {strides = array<i32>} : memref<16x1024xf32, #tpu.memory_space<vmem>>, vector<1x16xf32>,
        %parallel_loop3A_435 = arith.constant 2 : i32
        %parallel_loop3A_436 = arith.index_cast %parallel_loop3A_435 : i32 to index
        %parallel_loop3A_437 = arith.index_cast %parallel_loop3A_400 : i32 to index
        %parallel_loop3A_438 = tpu.vector_load %arg10[%parallel_loop3A_436, %parallel_loop3A_437] {strides = array<i32>} : memref<16x1024xf32, #tpu.memory_space<vmem>>, vector<1x16xf32>,
        %parallel_loop3A_439 = vector.shape_cast %parallel_loop3A_438 : vector<1x16xf32> to vector<16xf32>
        %parallel_loop3A_440 = arith.constant 2 : i32
        %parallel_loop3A_441 = arith.index_cast %parallel_loop3A_440 : i32 to index
        %parallel_loop3A_442 = arith.index_cast %parallel_loop3A_400 : i32 to index
        %parallel_loop3A_443 = tpu.vector_load %arg6[%parallel_loop3A_441, %parallel_loop3A_442] {strides = array<i32>} : memref<16x1024xf32, #tpu.memory_space<vmem>>, vector<1x16xf32>,
        %parallel_loop3A_444 = vector.shape_cast %parallel_loop3A_443 : vector<1x16xf32> to vector<16xf32>
        %parallel_loop3A_445 = arith.addf %parallel_loop3A_439, %parallel_loop3A_444 : vector<16xf32>
        %parallel_loop3A_446 = arith.constant 2 : i32
        %parallel_loop3A_447 = arith.index_cast %parallel_loop3A_446 : i32 to index
        %parallel_loop3A_448 = arith.index_cast %parallel_loop3A_400 : i32 to index
        %parallel_loop3A_449 = tpu.vector_load %arg10[%parallel_loop3A_447, %parallel_loop3A_448] {strides = array<i32>} : memref<16x1024xf32, #tpu.memory_space<vmem>>, vector<1x16xf32>,
        %parallel_loop3A_450 = vector.shape_cast %parallel_loop3A_449 : vector<1x16xf32> to vector<16xf32>
        %parallel_loop3A_451 = vector.shape_cast %parallel_loop3A_445 : vector<16xf32> to vector<1x16xf32>
        tpu.vector_store %arg10[%parallel_loop3A_447, %parallel_loop3A_448], %parallel_loop3A_451 {strides = array<i32>} : memref<16x1024xf32, #tpu.memory_space<vmem>>, vector<1x16xf32>,
        %parallel_loop3A_452 = arith.constant 3 : i32
        %parallel_loop3A_453 = arith.index_cast %parallel_loop3A_452 : i32 to index
        %parallel_loop3A_454 = arith.index_cast %parallel_loop3A_400 : i32 to index
        %parallel_loop3A_455 = tpu.vector_load %arg10[%parallel_loop3A_453, %parallel_loop3A_454] {strides = array<i32>} : memref<16x1024xf32, #tpu.memory_space<vmem>>, vector<1x16xf32>,
        %parallel_loop3A_456 = vector.shape_cast %parallel_loop3A_455 : vector<1x16xf32> to vector<16xf32>
        %parallel_loop3A_457 = arith.constant 3 : i32
        %parallel_loop3A_458 = arith.index_cast %parallel_loop3A_457 : i32 to index
        %parallel_loop3A_459 = arith.index_cast %parallel_loop3A_400 : i32 to index
        %parallel_loop3A_460 = tpu.vector_load %arg6[%parallel_loop3A_458, %parallel_loop3A_459] {strides = array<i32>} : memref<16x1024xf32, #tpu.memory_space<vmem>>, vector<1x16xf32>,
        %parallel_loop3A_461 = vector.shape_cast %parallel_loop3A_460 : vector<1x16xf32> to vector<16xf32>
        %parallel_loop3A_462 = arith.addf %parallel_loop3A_456, %parallel_loop3A_461 : vector<16xf32>
        %parallel_loop3A_463 = arith.constant 3 : i32
        %parallel_loop3A_464 = arith.index_cast %parallel_loop3A_463 : i32 to index
        %parallel_loop3A_465 = arith.index_cast %parallel_loop3A_400 : i32 to index
        %parallel_loop3A_466 = tpu.vector_load %arg10[%parallel_loop3A_464, %parallel_loop3A_465] {strides = array<i32>} : memref<16x1024xf32, #tpu.memory_space<vmem>>, vector<1x16xf32>,
        %parallel_loop3A_467 = vector.shape_cast %parallel_loop3A_466 : vector<1x16xf32> to vector<16xf32>
        %parallel_loop3A_468 = vector.shape_cast %parallel_loop3A_462 : vector<16xf32> to vector<1x16xf32>
        tpu.vector_store %arg10[%parallel_loop3A_464, %parallel_loop3A_465], %parallel_loop3A_468 {strides = array<i32>} : memref<16x1024xf32, #tpu.memory_space<vmem>>, vector<1x16xf32>,
        %parallel_loop3A_469 = arith.constant 4 : i32
        %parallel_loop3A_470 = arith.index_cast %parallel_loop3A_469 : i32 to index
        %parallel_loop3A_471 = arith.index_cast %parallel_loop3A_400 : i32 to index
        %parallel_loop3A_472 = tpu.vector_load %arg10[%parallel_loop3A_470, %parallel_loop3A_471] {strides = array<i32>} : memref<16x1024xf32, #tpu.memory_space<vmem>>, vector<1x16xf32>,
        %parallel_loop3A_473 = vector.shape_cast %parallel_loop3A_472 : vector<1x16xf32> to vector<16xf32>
        %parallel_loop3A_474 = arith.constant 4 : i32
        %parallel_loop3A_475 = arith.index_cast %parallel_loop3A_474 : i32 to index
        %parallel_loop3A_476 = arith.index_cast %parallel_loop3A_400 : i32 to index
        %parallel_loop3A_477 = tpu.vector_load %arg6[%parallel_loop3A_475, %parallel_loop3A_476] {strides = array<i32>} : memref<16x1024xf32, #tpu.memory_space<vmem>>, vector<1x16xf32>,
        %parallel_loop3A_478 = vector.shape_cast %parallel_loop3A_477 : vector<1x16xf32> to vector<16xf32>
        %parallel_loop3A_479 = arith.addf %parallel_loop3A_473, %parallel_loop3A_478 : vector<16xf32>
        %parallel_loop3A_480 = arith.constant 4 : i32
        %parallel_loop3A_481 = arith.index_cast %parallel_loop3A_480 : i32 to index
        %parallel_loop3A_482 = arith.index_cast %parallel_loop3A_400 : i32 to index
        %parallel_loop3A_483 = tpu.vector_load %arg10[%parallel_loop3A_481, %parallel_loop3A_482] {strides = array<i32>} : memref<16x1024xf32, #tpu.memory_space<vmem>>, vector<1x16xf32>,
        %parallel_loop3A_484 = vector.shape_cast %parallel_loop3A_483 : vector<1x16xf32> to vector<16xf32>
        %parallel_loop3A_485 = vector.shape_cast %parallel_loop3A_479 : vector<16xf32> to vector<1x16xf32>
        tpu.vector_store %arg10[%parallel_loop3A_481, %parallel_loop3A_482], %parallel_loop3A_485 {strides = array<i32>} : memref<16x1024xf32, #tpu.memory_space<vmem>>, vector<1x16xf32>,
        %parallel_loop3A_486 = arith.constant 5 : i32
        %parallel_loop3A_487 = arith.index_cast %parallel_loop3A_486 : i32 to index
        %parallel_loop3A_488 = arith.index_cast %parallel_loop3A_400 : i32 to index
        %parallel_loop3A_489 = tpu.vector_load %arg10[%parallel_loop3A_487, %parallel_loop3A_488] {strides = array<i32>} : memref<16x1024xf32, #tpu.memory_space<vmem>>, vector<1x16xf32>,
        %parallel_loop3A_490 = vector.shape_cast %parallel_loop3A_489 : vector<1x16xf32> to vector<16xf32>
        %parallel_loop3A_491 = arith.constant 5 : i32
        %parallel_loop3A_492 = arith.index_cast %parallel_loop3A_491 : i32 to index
        %parallel_loop3A_493 = arith.index_cast %parallel_loop3A_400 : i32 to index
        %parallel_loop3A_494 = tpu.vector_load %arg6[%parallel_loop3A_492, %parallel_loop3A_493] {strides = array<i32>} : memref<16x1024xf32, #tpu.memory_space<vmem>>, vector<1x16xf32>,
        %parallel_loop3A_495 = vector.shape_cast %parallel_loop3A_494 : vector<1x16xf32> to vector<16xf32>
        %parallel_loop3A_496 = arith.addf %parallel_loop3A_490, %parallel_loop3A_495 : vector<16xf32>
        %parallel_loop3A_497 = arith.constant 5 : i32
        %parallel_loop3A_498 = arith.index_cast %parallel_loop3A_497 : i32 to index
        %parallel_loop3A_499 = arith.index_cast %parallel_loop3A_400 : i32 to index
        %parallel_loop3A_500 = tpu.vector_load %arg10[%parallel_loop3A_498, %parallel_loop3A_499] {strides = array<i32>} : memref<16x1024xf32, #tpu.memory_space<vmem>>, vector<1x16xf32>,
        %parallel_loop3A_501 = vector.shape_cast %parallel_loop3A_500 : vector<1x16xf32> to vector<16xf32>
        %parallel_loop3A_502 = vector.shape_cast %parallel_loop3A_496 : vector<16xf32> to vector<1x16xf32>
        tpu.vector_store %arg10[%parallel_loop3A_498, %parallel_loop3A_499], %parallel_loop3A_502 {strides = array<i32>} : memref<16x1024xf32, #tpu.memory_space<vmem>>, vector<1x16xf32>,
        %parallel_loop3A_503 = arith.constant 6 : i32
        %parallel_loop3A_504 = arith.index_cast %parallel_loop3A_503 : i32 to index
        %parallel_loop3A_505 = arith.index_cast %parallel_loop3A_400 : i32 to index
        %parallel_loop3A_506 = tpu.vector_load %arg10[%parallel_loop3A_504, %parallel_loop3A_505] {strides = array<i32>} : memref<16x1024xf32, #tpu.memory_space<vmem>>, vector<1x16xf32>,
        %parallel_loop3A_507 = vector.shape_cast %parallel_loop3A_506 : vector<1x16xf32> to vector<16xf32>
        %parallel_loop3A_508 = arith.constant 6 : i32
        %parallel_loop3A_509 = arith.index_cast %parallel_loop3A_508 : i32 to index
        %parallel_loop3A_510 = arith.index_cast %parallel_loop3A_400 : i32 to index
        %parallel_loop3A_511 = tpu.vector_load %arg6[%parallel_loop3A_509, %parallel_loop3A_510] {strides = array<i32>} : memref<16x1024xf32, #tpu.memory_space<vmem>>, vector<1x16xf32>,
        %parallel_loop3A_512 = vector.shape_cast %parallel_loop3A_511 : vector<1x16xf32> to vector<16xf32>
        %parallel_loop3A_513 = arith.addf %parallel_loop3A_507, %parallel_loop3A_512 : vector<16xf32>
        %parallel_loop3A_514 = arith.constant 6 : i32
        %parallel_loop3A_515 = arith.index_cast %parallel_loop3A_514 : i32 to index
        %parallel_loop3A_516 = arith.index_cast %parallel_loop3A_400 : i32 to index
        %parallel_loop3A_517 = tpu.vector_load %arg10[%parallel_loop3A_515, %parallel_loop3A_516] {strides = array<i32>} : memref<16x1024xf32, #tpu.memory_space<vmem>>, vector<1x16xf32>,
        %parallel_loop3A_518 = vector.shape_cast %parallel_loop3A_517 : vector<1x16xf32> to vector<16xf32>
        %parallel_loop3A_519 = vector.shape_cast %parallel_loop3A_513 : vector<16xf32> to vector<1x16xf32>
        tpu.vector_store %arg10[%parallel_loop3A_515, %parallel_loop3A_516], %parallel_loop3A_519 {strides = array<i32>} : memref<16x1024xf32, #tpu.memory_space<vmem>>, vector<1x16xf32>,
        %parallel_loop3A_520 = arith.constant 7 : i32
        %parallel_loop3A_521 = arith.index_cast %parallel_loop3A_520 : i32 to index
        %parallel_loop3A_522 = arith.index_cast %parallel_loop3A_400 : i32 to index
        %parallel_loop3A_523 = tpu.vector_load %arg10[%parallel_loop3A_521, %parallel_loop3A_522] {strides = array<i32>} : memref<16x1024xf32, #tpu.memory_space<vmem>>, vector<1x16xf32>,
        %parallel_loop3A_524 = vector.shape_cast %parallel_loop3A_523 : vector<1x16xf32> to vector<16xf32>
        %parallel_loop3A_525 = arith.constant 7 : i32
        %parallel_loop3A_526 = arith.index_cast %parallel_loop3A_525 : i32 to index
        %parallel_loop3A_527 = arith.index_cast %parallel_loop3A_400 : i32 to index
        %parallel_loop3A_528 = tpu.vector_load %arg6[%parallel_loop3A_526, %parallel_loop3A_527] {strides = array<i32>} : memref<16x1024xf32, #tpu.memory_space<vmem>>, vector<1x16xf32>,
        %parallel_loop3A_529 = vector.shape_cast %parallel_loop3A_528 : vector<1x16xf32> to vector<16xf32>
        %parallel_loop3A_530 = arith.addf %parallel_loop3A_524, %parallel_loop3A_529 : vector<16xf32>
        %parallel_loop3A_531 = arith.constant 7 : i32
        %parallel_loop3A_532 = arith.index_cast %parallel_loop3A_531 : i32 to index
        %parallel_loop3A_533 = arith.index_cast %parallel_loop3A_400 : i32 to index
        %parallel_loop3A_534 = tpu.vector_load %arg10[%parallel_loop3A_532, %parallel_loop3A_533] {strides = array<i32>} : memref<16x1024xf32, #tpu.memory_space<vmem>>, vector<1x16xf32>,
        %parallel_loop3A_535 = vector.shape_cast %parallel_loop3A_534 : vector<1x16xf32> to vector<16xf32>
        %parallel_loop3A_536 = vector.shape_cast %parallel_loop3A_530 : vector<16xf32> to vector<1x16xf32>
        tpu.vector_store %arg10[%parallel_loop3A_532, %parallel_loop3A_533], %parallel_loop3A_536 {strides = array<i32>} : memref<16x1024xf32, #tpu.memory_space<vmem>>, vector<1x16xf32>,
        %parallel_loop3A_537 = arith.constant 8 : i32
        %parallel_loop3A_538 = arith.index_cast %parallel_loop3A_537 : i32 to index
        %parallel_loop3A_539 = arith.index_cast %parallel_loop3A_400 : i32 to index
        %parallel_loop3A_540 = tpu.vector_load %arg10[%parallel_loop3A_538, %parallel_loop3A_539] {strides = array<i32>} : memref<16x1024xf32, #tpu.memory_space<vmem>>, vector<1x16xf32>,
        %parallel_loop3A_541 = vector.shape_cast %parallel_loop3A_540 : vector<1x16xf32> to vector<16xf32>
        %parallel_loop3A_542 = arith.constant 8 : i32
        %parallel_loop3A_543 = arith.index_cast %parallel_loop3A_542 : i32 to index
        %parallel_loop3A_544 = arith.index_cast %parallel_loop3A_400 : i32 to index
        %parallel_loop3A_545 = tpu.vector_load %arg6[%parallel_loop3A_543, %parallel_loop3A_544] {strides = array<i32>} : memref<16x1024xf32, #tpu.memory_space<vmem>>, vector<1x16xf32>,
        %parallel_loop3A_546 = vector.shape_cast %parallel_loop3A_545 : vector<1x16xf32> to vector<16xf32>
        %parallel_loop3A_547 = arith.addf %parallel_loop3A_541, %parallel_loop3A_546 : vector<16xf32>
        %parallel_loop3A_548 = arith.constant 8 : i32
        %parallel_loop3A_549 = arith.index_cast %parallel_loop3A_548 : i32 to index
        %parallel_loop3A_550 = arith.index_cast %parallel_loop3A_400 : i32 to index
        %parallel_loop3A_551 = tpu.vector_load %arg10[%parallel_loop3A_549, %parallel_loop3A_550] {strides = array<i32>} : memref<16x1024xf32, #tpu.memory_space<vmem>>, vector<1x16xf32>,
        %parallel_loop3A_552 = vector.shape_cast %parallel_loop3A_551 : vector<1x16xf32> to vector<16xf32>
        %parallel_loop3A_553 = vector.shape_cast %parallel_loop3A_547 : vector<16xf32> to vector<1x16xf32>
        tpu.vector_store %arg10[%parallel_loop3A_549, %parallel_loop3A_550], %parallel_loop3A_553 {strides = array<i32>} : memref<16x1024xf32, #tpu.memory_space<vmem>>, vector<1x16xf32>,
        %parallel_loop3A_554 = arith.constant 9 : i32
        %parallel_loop3A_555 = arith.index_cast %parallel_loop3A_554 : i32 to index
        %parallel_loop3A_556 = arith.index_cast %parallel_loop3A_400 : i32 to index
        %parallel_loop3A_557 = tpu.vector_load %arg10[%parallel_loop3A_555, %parallel_loop3A_556] {strides = array<i32>} : memref<16x1024xf32, #tpu.memory_space<vmem>>, vector<1x16xf32>,
        %parallel_loop3A_558 = vector.shape_cast %parallel_loop3A_557 : vector<1x16xf32> to vector<16xf32>
        %parallel_loop3A_559 = arith.constant 9 : i32
        %parallel_loop3A_560 = arith.index_cast %parallel_loop3A_559 : i32 to index
        %parallel_loop3A_561 = arith.index_cast %parallel_loop3A_400 : i32 to index
        %parallel_loop3A_562 = tpu.vector_load %arg6[%parallel_loop3A_560, %parallel_loop3A_561] {strides = array<i32>} : memref<16x1024xf32, #tpu.memory_space<vmem>>, vector<1x16xf32>,
        %parallel_loop3A_563 = vector.shape_cast %parallel_loop3A_562 : vector<1x16xf32> to vector<16xf32>
        %parallel_loop3A_564 = arith.addf %parallel_loop3A_558, %parallel_loop3A_563 : vector<16xf32>
        %parallel_loop3A_565 = arith.constant 9 : i32
        %parallel_loop3A_566 = arith.index_cast %parallel_loop3A_565 : i32 to index
        %parallel_loop3A_567 = arith.index_cast %parallel_loop3A_400 : i32 to index
        %parallel_loop3A_568 = tpu.vector_load %arg10[%parallel_loop3A_566, %parallel_loop3A_567] {strides = array<i32>} : memref<16x1024xf32, #tpu.memory_space<vmem>>, vector<1x16xf32>,
        %parallel_loop3A_569 = vector.shape_cast %parallel_loop3A_568 : vector<1x16xf32> to vector<16xf32>
        %parallel_loop3A_570 = vector.shape_cast %parallel_loop3A_564 : vector<16xf32> to vector<1x16xf32>
        tpu.vector_store %arg10[%parallel_loop3A_566, %parallel_loop3A_567], %parallel_loop3A_570 {strides = array<i32>} : memref<16x1024xf32, #tpu.memory_space<vmem>>, vector<1x16xf32>,
        %parallel_loop3A_571 = arith.constant 10 : i32
        %parallel_loop3A_572 = arith.index_cast %parallel_loop3A_571 : i32 to index
        %parallel_loop3A_573 = arith.index_cast %parallel_loop3A_400 : i32 to index
        %parallel_loop3A_574 = tpu.vector_load %arg10[%parallel_loop3A_572, %parallel_loop3A_573] {strides = array<i32>} : memref<16x1024xf32, #tpu.memory_space<vmem>>, vector<1x16xf32>,
        %parallel_loop3A_575 = vector.shape_cast %parallel_loop3A_574 : vector<1x16xf32> to vector<16xf32>
        %parallel_loop3A_576 = arith.constant 10 : i32
        %parallel_loop3A_577 = arith.index_cast %parallel_loop3A_576 : i32 to index
        %parallel_loop3A_578 = arith.index_cast %parallel_loop3A_400 : i32 to index
        %parallel_loop3A_579 = tpu.vector_load %arg6[%parallel_loop3A_577, %parallel_loop3A_578] {strides = array<i32>} : memref<16x1024xf32, #tpu.memory_space<vmem>>, vector<1x16xf32>,
        %parallel_loop3A_580 = vector.shape_cast %parallel_loop3A_579 : vector<1x16xf32> to vector<16xf32>
        %parallel_loop3A_581 = arith.addf %parallel_loop3A_575, %parallel_loop3A_580 : vector<16xf32>
        %parallel_loop3A_582 = arith.constant 10 : i32
        %parallel_loop3A_583 = arith.index_cast %parallel_loop3A_582 : i32 to index
        %parallel_loop3A_584 = arith.index_cast %parallel_loop3A_400 : i32 to index
        %parallel_loop3A_585 = tpu.vector_load %arg10[%parallel_loop3A_583, %parallel_loop3A_584] {strides = array<i32>} : memref<16x1024xf32, #tpu.memory_space<vmem>>, vector<1x16xf32>,
        %parallel_loop3A_586 = vector.shape_cast %parallel_loop3A_585 : vector<1x16xf32> to vector<16xf32>
        %parallel_loop3A_587 = vector.shape_cast %parallel_loop3A_581 : vector<16xf32> to vector<1x16xf32>
        tpu.vector_store %arg10[%parallel_loop3A_583, %parallel_loop3A_584], %parallel_loop3A_587 {strides = array<i32>} : memref<16x1024xf32, #tpu.memory_space<vmem>>, vector<1x16xf32>,
        %parallel_loop3A_588 = arith.constant 11 : i32
        %parallel_loop3A_589 = arith.index_cast %parallel_loop3A_588 : i32 to index
        %parallel_loop3A_590 = arith.index_cast %parallel_loop3A_400 : i32 to index
        %parallel_loop3A_591 = tpu.vector_load %arg10[%parallel_loop3A_589, %parallel_loop3A_590] {strides = array<i32>} : memref<16x1024xf32, #tpu.memory_space<vmem>>, vector<1x16xf32>,
        %parallel_loop3A_592 = vector.shape_cast %parallel_loop3A_591 : vector<1x16xf32> to vector<16xf32>
        %parallel_loop3A_593 = arith.constant 11 : i32
        %parallel_loop3A_594 = arith.index_cast %parallel_loop3A_593 : i32 to index
        %parallel_loop3A_595 = arith.index_cast %parallel_loop3A_400 : i32 to index
        %parallel_loop3A_596 = tpu.vector_load %arg6[%parallel_loop3A_594, %parallel_loop3A_595] {strides = array<i32>} : memref<16x1024xf32, #tpu.memory_space<vmem>>, vector<1x16xf32>,
        %parallel_loop3A_597 = vector.shape_cast %parallel_loop3A_596 : vector<1x16xf32> to vector<16xf32>
        %parallel_loop3A_598 = arith.addf %parallel_loop3A_592, %parallel_loop3A_597 : vector<16xf32>
        %parallel_loop3A_599 = arith.constant 11 : i32
        %parallel_loop3A_600 = arith.index_cast %parallel_loop3A_599 : i32 to index
        %parallel_loop3A_601 = arith.index_cast %parallel_loop3A_400 : i32 to index
        %parallel_loop3A_602 = tpu.vector_load %arg10[%parallel_loop3A_600, %parallel_loop3A_601] {strides = array<i32>} : memref<16x1024xf32, #tpu.memory_space<vmem>>, vector<1x16xf32>,
        %parallel_loop3A_603 = vector.shape_cast %parallel_loop3A_602 : vector<1x16xf32> to vector<16xf32>
        %parallel_loop3A_604 = vector.shape_cast %parallel_loop3A_598 : vector<16xf32> to vector<1x16xf32>
        tpu.vector_store %arg10[%parallel_loop3A_600, %parallel_loop3A_601], %parallel_loop3A_604 {strides = array<i32>} : memref<16x1024xf32, #tpu.memory_space<vmem>>, vector<1x16xf32>,
        %parallel_loop3A_605 = arith.constant 12 : i32
        %parallel_loop3A_606 = arith.index_cast %parallel_loop3A_605 : i32 to index
        %parallel_loop3A_607 = arith.index_cast %parallel_loop3A_400 : i32 to index
        %parallel_loop3A_608 = tpu.vector_load %arg10[%parallel_loop3A_606, %parallel_loop3A_607] {strides = array<i32>} : memref<16x1024xf32, #tpu.memory_space<vmem>>, vector<1x16xf32>,
        %parallel_loop3A_609 = vector.shape_cast %parallel_loop3A_608 : vector<1x16xf32> to vector<16xf32>
        %parallel_loop3A_610 = arith.constant 12 : i32
        %parallel_loop3A_611 = arith.index_cast %parallel_loop3A_610 : i32 to index
        %parallel_loop3A_612 = arith.index_cast %parallel_loop3A_400 : i32 to index
        %parallel_loop3A_613 = tpu.vector_load %arg6[%parallel_loop3A_611, %parallel_loop3A_612] {strides = array<i32>} : memref<16x1024xf32, #tpu.memory_space<vmem>>, vector<1x16xf32>,
        %parallel_loop3A_614 = vector.shape_cast %parallel_loop3A_613 : vector<1x16xf32> to vector<16xf32>
        %parallel_loop3A_615 = arith.addf %parallel_loop3A_609, %parallel_loop3A_614 : vector<16xf32>
        %parallel_loop3A_616 = arith.constant 12 : i32
        %parallel_loop3A_617 = arith.index_cast %parallel_loop3A_616 : i32 to index
        %parallel_loop3A_618 = arith.index_cast %parallel_loop3A_400 : i32 to index
        %parallel_loop3A_619 = tpu.vector_load %arg10[%parallel_loop3A_617, %parallel_loop3A_618] {strides = array<i32>} : memref<16x1024xf32, #tpu.memory_space<vmem>>, vector<1x16xf32>,
        %parallel_loop3A_620 = vector.shape_cast %parallel_loop3A_619 : vector<1x16xf32> to vector<16xf32>
        %parallel_loop3A_621 = vector.shape_cast %parallel_loop3A_615 : vector<16xf32> to vector<1x16xf32>
        tpu.vector_store %arg10[%parallel_loop3A_617, %parallel_loop3A_618], %parallel_loop3A_621 {strides = array<i32>} : memref<16x1024xf32, #tpu.memory_space<vmem>>, vector<1x16xf32>,
        %parallel_loop3A_622 = arith.constant 13 : i32
        %parallel_loop3A_623 = arith.index_cast %parallel_loop3A_622 : i32 to index
        %parallel_loop3A_624 = arith.index_cast %parallel_loop3A_400 : i32 to index
        %parallel_loop3A_625 = tpu.vector_load %arg10[%parallel_loop3A_623, %parallel_loop3A_624] {strides = array<i32>} : memref<16x1024xf32, #tpu.memory_space<vmem>>, vector<1x16xf32>,
        %parallel_loop3A_626 = vector.shape_cast %parallel_loop3A_625 : vector<1x16xf32> to vector<16xf32>
        %parallel_loop3A_627 = arith.constant 13 : i32
        %parallel_loop3A_628 = arith.index_cast %parallel_loop3A_627 : i32 to index
        %parallel_loop3A_629 = arith.index_cast %parallel_loop3A_400 : i32 to index
        %parallel_loop3A_630 = tpu.vector_load %arg6[%parallel_loop3A_628, %parallel_loop3A_629] {strides = array<i32>} : memref<16x1024xf32, #tpu.memory_space<vmem>>, vector<1x16xf32>,
        %parallel_loop3A_631 = vector.shape_cast %parallel_loop3A_630 : vector<1x16xf32> to vector<16xf32>
        %parallel_loop3A_632 = arith.addf %parallel_loop3A_626, %parallel_loop3A_631 : vector<16xf32>
        %parallel_loop3A_633 = arith.constant 13 : i32
        %parallel_loop3A_634 = arith.index_cast %parallel_loop3A_633 : i32 to index
        %parallel_loop3A_635 = arith.index_cast %parallel_loop3A_400 : i32 to index
        %parallel_loop3A_636 = tpu.vector_load %arg10[%parallel_loop3A_634, %parallel_loop3A_635] {strides = array<i32>} : memref<16x1024xf32, #tpu.memory_space<vmem>>, vector<1x16xf32>,
        %parallel_loop3A_637 = vector.shape_cast %parallel_loop3A_636 : vector<1x16xf32> to vector<16xf32>
        %parallel_loop3A_638 = vector.shape_cast %parallel_loop3A_632 : vector<16xf32> to vector<1x16xf32>
        tpu.vector_store %arg10[%parallel_loop3A_634, %parallel_loop3A_635], %parallel_loop3A_638 {strides = array<i32>} : memref<16x1024xf32, #tpu.memory_space<vmem>>, vector<1x16xf32>,
        %parallel_loop3A_639 = arith.constant 14 : i32
        %parallel_loop3A_640 = arith.index_cast %parallel_loop3A_639 : i32 to index
        %parallel_loop3A_641 = arith.index_cast %parallel_loop3A_400 : i32 to index
        %parallel_loop3A_642 = tpu.vector_load %arg10[%parallel_loop3A_640, %parallel_loop3A_641] {strides = array<i32>} : memref<16x1024xf32, #tpu.memory_space<vmem>>, vector<1x16xf32>,
        %parallel_loop3A_643 = vector.shape_cast %parallel_loop3A_642 : vector<1x16xf32> to vector<16xf32>
        %parallel_loop3A_644 = arith.constant 14 : i32
        %parallel_loop3A_645 = arith.index_cast %parallel_loop3A_644 : i32 to index
        %parallel_loop3A_646 = arith.index_cast %parallel_loop3A_400 : i32 to index
        %parallel_loop3A_647 = tpu.vector_load %arg6[%parallel_loop3A_645, %parallel_loop3A_646] {strides = array<i32>} : memref<16x1024xf32, #tpu.memory_space<vmem>>, vector<1x16xf32>,
        %parallel_loop3A_648 = vector.shape_cast %parallel_loop3A_647 : vector<1x16xf32> to vector<16xf32>
        %parallel_loop3A_649 = arith.addf %parallel_loop3A_643, %parallel_loop3A_648 : vector<16xf32>
        %parallel_loop3A_650 = arith.constant 14 : i32
        %parallel_loop3A_651 = arith.index_cast %parallel_loop3A_650 : i32 to index
        %parallel_loop3A_652 = arith.index_cast %parallel_loop3A_400 : i32 to index
        %parallel_loop3A_653 = tpu.vector_load %arg10[%parallel_loop3A_651, %parallel_loop3A_652] {strides = array<i32>} : memref<16x1024xf32, #tpu.memory_space<vmem>>, vector<1x16xf32>,
        %parallel_loop3A_654 = vector.shape_cast %parallel_loop3A_653 : vector<1x16xf32> to vector<16xf32>
        %parallel_loop3A_655 = vector.shape_cast %parallel_loop3A_649 : vector<16xf32> to vector<1x16xf32>
        tpu.vector_store %arg10[%parallel_loop3A_651, %parallel_loop3A_652], %parallel_loop3A_655 {strides = array<i32>} : memref<16x1024xf32, #tpu.memory_space<vmem>>, vector<1x16xf32>,
        %parallel_loop3A_656 = arith.constant 15 : i32
        %parallel_loop3A_657 = arith.index_cast %parallel_loop3A_656 : i32 to index
        %parallel_loop3A_658 = arith.index_cast %parallel_loop3A_400 : i32 to index
        %parallel_loop3A_659 = tpu.vector_load %arg10[%parallel_loop3A_657, %parallel_loop3A_658] {strides = array<i32>} : memref<16x1024xf32, #tpu.memory_space<vmem>>, vector<1x16xf32>,
        %parallel_loop3A_660 = vector.shape_cast %parallel_loop3A_659 : vector<1x16xf32> to vector<16xf32>
        %parallel_loop3A_661 = arith.constant 15 : i32
        %parallel_loop3A_662 = arith.index_cast %parallel_loop3A_661 : i32 to index
        %parallel_loop3A_663 = arith.index_cast %parallel_loop3A_400 : i32 to index
        %parallel_loop3A_664 = tpu.vector_load %arg6[%parallel_loop3A_662, %parallel_loop3A_663] {strides = array<i32>} : memref<16x1024xf32, #tpu.memory_space<vmem>>, vector<1x16xf32>,
        %parallel_loop3A_665 = vector.shape_cast %parallel_loop3A_664 : vector<1x16xf32> to vector<16xf32>
        %parallel_loop3A_666 = arith.addf %parallel_loop3A_660, %parallel_loop3A_665 : vector<16xf32>
        %parallel_loop3A_667 = arith.constant 15 : i32
        %parallel_loop3A_668 = arith.index_cast %parallel_loop3A_667 : i32 to index
        %parallel_loop3A_669 = arith.index_cast %parallel_loop3A_400 : i32 to index
        %parallel_loop3A_670 = tpu.vector_load %arg10[%parallel_loop3A_668, %parallel_loop3A_669] {strides = array<i32>} : memref<16x1024xf32, #tpu.memory_space<vmem>>, vector<1x16xf32>,
        %parallel_loop3A_671 = vector.shape_cast %parallel_loop3A_670 : vector<1x16xf32> to vector<16xf32>
        %parallel_loop3A_672 = vector.shape_cast %parallel_loop3A_666 : vector<16xf32> to vector<1x16xf32>
        tpu.vector_store %arg10[%parallel_loop3A_668, %parallel_loop3A_669], %parallel_loop3A_672 {strides = array<i32>} : memref<16x1024xf32, #tpu.memory_space<vmem>>, vector<1x16xf32>,
      } {sc.loop_unroll_factor = 4 : i64, sc.parallel_access}
      %mul3A_381 = arith.constant 16 : i32
      %mul3A_382 = arith.muli %add3A_227, %mul3A_381 : i32
      %add3A_383 = arith.addi %mul3A_2, %mul3A_382 : i32
      %dma_start3A_384 = arith.constant 3 : i32
      %dma_start3A_385 = arith.constant 0 : i32
      %dma_start3A_386 = tpu.memref_slice %arg4[%dma_start3A_384, %add3A_383, %dma_start3A_385] : memref<4x8192x1024xf32, #tpu.memory_space<hbm>> -> memref<1x16x1024xf32, #tpu.memory_space<hbm>>
      %dma_start3A_387 = tpu.memref_squeeze %dma_start3A_386 : memref<1x16x1024xf32, #tpu.memory_space<hbm>> -> memref<16x1024xf32, #tpu.memory_space<hbm>>
      %dma_start3A_388 = arith.constant 0 : i32
      %dma_start3A_389 = tpu.memref_slice %arg4[%dma_start3A_384, %add3A_383, %dma_start3A_388] : memref<4x8192x1024xf32, #tpu.memory_space<hbm>> -> memref<1x16x1024xf32, #tpu.memory_space<hbm>>
      %dma_start3A_390 = tpu.memref_squeeze %dma_start3A_389 : memref<1x16x1024xf32, #tpu.memory_space<hbm>> -> memref<16x1024xf32, #tpu.memory_space<hbm>>
      tpu.enqueue_dma source(%arg10 : memref<16x1024xf32, #tpu.memory_space<vmem>>) target(%dma_start3A_390 : memref<16x1024xf32, #tpu.memory_space<hbm>>) target_semaphore(%arg20 : memref<!tpu.dma_semaphore, #tpu.memory_space<semaphore_mem>>)
      %add3A_391 = arith.constant 2 : i32
      %add3A_392 = arith.addi %add3A_227, %add3A_391 : i32
      %lt3A_393 = arith.constant 16 : i32
      %lt3A_394 = arith.cmpi slt, %add3A_392, %lt3A_393 : i32
      %convert_element_type3A_395 = arith.extui %lt3A_394 : i1 to i32
      %cond3A_396 = arith.constant 0 : i32
      %cond3A_397 = arith.cmpi ne, %convert_element_type3A_395, %cond3A_396 : i32
      scf.if %cond3A_397 {
        %add3A_398 = arith.constant 2 : i32
        %add3A_399 = arith.addi %add3A_227, %add3A_398 : i32
        %mul3A_400 = arith.constant 16 : i32
        %mul3A_401 = arith.muli %add3A_399, %mul3A_400 : i32
        %add3A_402 = arith.addi %mul3A_2, %mul3A_401 : i32
        %dma_start3A_403 = arith.constant 0 : i32
        %dma_start3A_404 = tpu.memref_slice %arg3[%add3A_402, %dma_start3A_403] : memref<8192x1024xf32, #tpu.memory_space<hbm>> -> memref<16x1024xf32, #tpu.memory_space<hbm>>
        %dma_start3A_405 = arith.constant 0 : i32
        %dma_start3A_406 = tpu.memref_slice %arg3[%add3A_402, %dma_start3A_405] : memref<8192x1024xf32, #tpu.memory_space<hbm>> -> memref<16x1024xf32, #tpu.memory_space<hbm>>
        tpu.enqueue_dma source(%dma_start3A_406 : memref<16x1024xf32, #tpu.memory_space<hbm>>) target(%arg6 : memref<16x1024xf32, #tpu.memory_space<vmem>>) target_semaphore(%arg12 : memref<!tpu.dma_semaphore, #tpu.memory_space<semaphore_mem>>)
      } else {
      }
    }
    %scan3A_36 = arith.constant 8 : i32
    %add3A_37 = arith.constant 240 : i32
    %add3A_38 = arith.addi %mul3A_2, %add3A_37 : i32
    %dma_wait3A = arith.constant 2 : i32
    %dma_wait3A_39 = arith.constant 0 : i32
    %dma_wait3A_40 = tpu.memref_slice %arg4[%dma_wait3A, %add3A_38, %dma_wait3A_39] : memref<4x8192x1024xf32, #tpu.memory_space<hbm>> -> memref<1x16x1024xf32, #tpu.memory_space<hbm>>
    %dma_wait3A_41 = tpu.memref_squeeze %dma_wait3A_40 : memref<1x16x1024xf32, #tpu.memory_space<hbm>> -> memref<16x1024xf32, #tpu.memory_space<hbm>>
    %dma_wait3A_42 = arith.constant 0 : i32
    %dma_wait3A_43 = tpu.memref_slice %arg4[%dma_wait3A, %add3A_38, %dma_wait3A_42] : memref<4x8192x1024xf32, #tpu.memory_space<hbm>> -> memref<1x16x1024xf32, #tpu.memory_space<hbm>>
    %dma_wait3A_44 = tpu.memref_squeeze %dma_wait3A_43 : memref<1x16x1024xf32, #tpu.memory_space<hbm>> -> memref<16x1024xf32, #tpu.memory_space<hbm>>
    tpu.wait_dma2 semaphore(%arg19 : memref<!tpu.dma_semaphore, #tpu.memory_space<semaphore_mem>>) src(%arg9 : memref<16x1024xf32, #tpu.memory_space<vmem>>) dst(%dma_wait3A_44 : memref<16x1024xf32, #tpu.memory_space<hbm>>)
    %add3A_45 = arith.constant 240 : i32
    %add3A_46 = arith.addi %mul3A_2, %add3A_45 : i32
    %dma_wait3A_47 = arith.constant 3 : i32
    %dma_wait3A_48 = arith.constant 0 : i32
    %dma_wait3A_49 = tpu.memref_slice %arg4[%dma_wait3A_47, %add3A_46, %dma_wait3A_48] : memref<4x8192x1024xf32, #tpu.memory_space<hbm>> -> memref<1x16x1024xf32, #tpu.memory_space<hbm>>
    %dma_wait3A_50 = tpu.memref_squeeze %dma_wait3A_49 : memref<1x16x1024xf32, #tpu.memory_space<hbm>> -> memref<16x1024xf32, #tpu.memory_space<hbm>>
    %dma_wait3A_51 = arith.constant 0 : i32
    %dma_wait3A_52 = tpu.memref_slice %arg4[%dma_wait3A_47, %add3A_46, %dma_wait3A_51] : memref<4x8192x1024xf32, #tpu.memory_space<hbm>> -> memref<1x16x1024xf32, #tpu.memory_space<hbm>>
    %dma_wait3A_53 = tpu.memref_squeeze %dma_wait3A_52 : memref<1x16x1024xf32, #tpu.memory_space<hbm>> -> memref<16x1024xf32, #tpu.memory_space<hbm>>
    tpu.wait_dma2 semaphore(%arg20 : memref<!tpu.dma_semaphore, #tpu.memory_space<semaphore_mem>>) src(%arg10 : memref<16x1024xf32, #tpu.memory_space<vmem>>) dst(%dma_wait3A_53 : memref<16x1024xf32, #tpu.memory_space<hbm>>)
    return
  }
}

</mosaic_0001>

<sc_bundles>
// kernel: kernel.3.cloned.1.call-start
scs
__scs_entry_jumppad:
0x0: {  	(pc) =	sbr.rel $0x88, $3  }
0x1: {  	(tag) =	ssettag $0x0;
	lr =	simm.s32 $0x1  }
0x2: {  	[smem:$0x3F9F] =	sst lr;
	_ =	strace $0xD0000000  }
0x3: {  	_ = 	snop  }
0x4: {  	_ = 	snop  }
0x5: {  	_ = 	snop  }
0x6: {  	_ = 	snop  }
0x7: {  	_ = 	snop  }
__scs_overlays_trampoline_lowered:
0x8: {  	[smem:$0x3FAE] =	sst s0  }
0x9: {  	[smem:$0x3FAF] =	sst s1  }
0xa: {  	[smem:$0x3FB0] =	sst s2  }
0xb: {  	[smem:$0x3FB1] =	sst s3  }
0xc: {  	[smem:$0x3FB2] =	sst s4  }
0xd: {  	[smem:$0x3FB3] =	sst s5  }
0xe: {  	[smem:$0x3FB4] =	sst s6  }
0xf: {  	[smem:$0x3FB5] =	sst s7  }
0x10: {  	[smem:$0x3FB6] =	sst s8  }
0x11: {  	[smem:$0x3FB7] =	sst s9;
	s0 =	simm.s32 @!p0 $0x0  }
0x12: {  	s1 =	sld [smem:$0x3F9D];
	s0 =	simm.s32 @p0 $0x1  }
0x13: {  	[smem:$0x3FB8] =	sst s0;
	s0 =	simm.s32 @!p1 $0x0  }
0x14: {  	s2 =	sld [smem:$0x3F9C];
	s0 =	simm.s32 @p1 $0x1  }
0x15: {  	[smem:$0x3FB9] =	sst s0;
	s0 =	simm.s32 @!p2 $0x0  }
0x16: {  	s3 =	sld [smem:$0x3FDB];
	s0 =	simm.s32 @p2 $0x1  }
0x17: {  	s4 =	simm.s32 $0x1BF5;
	[smem:$0x3FBB] =	sst s0  }
0x18: {  	s0 =	sld [smem:$0x3F9E];
	_ =	swait.ge [sflag:s4], $0x0  }
0x19: {  	s7 =	sld [smem:$0x3F9F]  }
0x1a: {  	s8 =	sadd.s32 $0xFFFFE003, lr  }
0x1b: {  	s9 =	sadd.s32 $0xFFFFFEF7, lr;
	s5 =	simm.s32 $0xFFFFFFFF;
	p2 =	slt.u32 s8, $0xFFFFF086  }
0x1c: {  	p1 =	slt.u32 s9, $0xF7A;
	s5 =	simm.s32 @!p2 $0x0  }
0x1d: {  	s5 =	simm.s32 @p1 $0x1;
	p0 =	seq.s32 s7, s2  }
0x1e: {  	s7 =	smul.u32 @!p0 $0xF7A, s2;
	p2 =	seq.s32 @!p0 s5, $0x0  }
0x1f: {  	s9 =	smul.u32 $0xF7A, s1;
	s8 =	simm.s32 @!p0 $0x1BF5;
	p2 =	por !p2, p0  }
0x20: {  	[sflag:s8] =	ssyncset.s32 @!p0 $0xFFFFF086;
	s6 =	sadd.s32 @!p0 s3, s7;
	s7 =	simm.s32 @!p0 $0x108  }
0x21: {  	s3 =	sadd.s32 s3, s9;
	s6 =	sadd.s32 @!p0 $0x88, s6;
	s7 =	simm.s32 @p2 $0x1082  }
0x22: {  	[simem:s7], [sflag:s8] =	dma.local @!p0 [hbm:s6], $0xF7A  }
0x23: {  	s9 =	sor.u32 $0xD0000000, s2;
	s6 =	simm.s32 $0x108;
	_ =	swait.ge @!p0 [sflag:s8], $0x0  }
0x24: {  	s3 =	sadd.s32 $0x88, s3;
	s6 =	simm.s32 @!p1 $0x1082;
	[sflag:s4] =	ssyncset.s32 $0xFFFFF086  }
0x25: {  	[simem:s6], [sflag:s4] =	dma.local [hbm:s3], $0xF7A  }
0x26: {  	[smem:$0x3F9F] =	sst s1;
	(tag) =	ssettag s2;
	_ =	strace s9  }
0x27: {  	s1 =	sld [smem:$0x3FAF]  }
0x28: {  	s2 =	sld [smem:$0x3FB0]  }
0x29: {  	s4 =	sld [smem:$0x3FB2]  }
0x2a: {  	p0 =	seq.s32 s5, $0x0;
	s5 =	sld [smem:$0x3FB3]  }
0x2b: {  	s6 =	sld [smem:$0x3FB4]  }
0x2c: {  	s7 =	sld [smem:$0x3FB5]  }
0x2d: {  	s3 =	simm.s32 $0x108;
	s8 =	sld [smem:$0x3FB6]  }
0x2e: {  	s3 =	simm.s32 @!p0 $0x1082;
	s9 =	sld [smem:$0x3FB7]  }
0x2f: {  	lr =	sadd.s32 s0, s3;
	s0 =	sld [smem:$0x3FAE]  }
0x30: {  	s3 =	sld [smem:$0x3FB1]  }
0x31: {  	[smem:$0x3FBA] =	sst s10  }
0x32: {  	s10 =	sld [smem:$0x3FB8];
	_ =	sdelay $0x3  }
0x33: {  	p0 =	seq.s32 s10, $0x1;
	s10 =	sld [smem:$0x3FBA];
	_ =	sdelay $0x3  }
0x34: {  	[smem:$0x3FBA] =	sst s10  }
0x35: {  	s10 =	sld [smem:$0x3FB9];
	_ =	sdelay $0x3  }
0x36: {  	p1 =	seq.s32 s10, $0x1;
	s10 =	sld [smem:$0x3FBA];
	_ =	sdelay $0x3  }
0x37: {  	[smem:$0x3FBA] =	sst s10  }
0x38: {  	s10 =	sld [smem:$0x3FBB]  }
0x39: {  	_ = 	snop;
	(pc) =	sbr.ind lr, $3  }
0x3a: {  	_ = 	snop  }
0x3b: {  	_ = 	snop  }
0x3c: {  	p2 =	seq.s32 s10, $0x1;
	s10 =	sld [smem:$0x3FBA]  }
0x3d: {  	_ =	shalt  }
0x3e: {  	_ =	shalt  }
0x3f: {  	_ =	shalt  }
0x40: {  	_ =	shalt  }
0x41: {  	_ =	shalt  }
0x42: {  	_ =	shalt  }
0x43: {  	_ =	shalt  }
0x44: {  	_ =	shalt  }
0x45: {  	_ =	shalt  }
0x46: {  	_ =	shalt  }
0x47: {  	_ =	shalt  }
0x48: {  	_ =	shalt  }
0x49: {  	_ =	shalt  }
0x4a: {  	_ =	shalt  }
0x4b: {  	_ =	shalt  }
0x4c: {  	_ =	shalt  }
0x4d: {  	_ =	shalt  }
0x4e: {  	_ =	shalt  }
0x4f: {  	_ =	shalt  }
0x50: {  	_ =	shalt  }
0x51: {  	_ =	shalt  }
0x52: {  	_ =	shalt  }
0x53: {  	_ =	shalt  }
0x54: {  	_ =	shalt  }
0x55: {  	_ =	shalt  }
0x56: {  	_ =	shalt  }
0x57: {  	_ =	shalt  }
0x58: {  	_ =	shalt  }
0x59: {  	_ =	shalt  }
0x5a: {  	_ =	shalt  }
0x5b: {  	_ =	shalt  }
0x5c: {  	_ =	shalt  }
0x5d: {  	_ =	shalt  }
0x5e: {  	_ =	shalt  }
0x5f: {  	_ =	shalt  }
0x60: {  	_ =	shalt  }
0x61: {  	_ =	shalt  }
0x62: {  	_ =	shalt  }
0x63: {  	_ =	shalt  }
0x64: {  	_ =	shalt  }
0x65: {  	_ =	shalt  }
0x66: {  	_ =	shalt  }
0x67: {  	_ =	shalt  }
0x68: {  	_ =	shalt  }
0x69: {  	_ =	shalt  }
0x6a: {  	_ =	shalt  }
0x6b: {  	_ =	shalt  }
0x6c: {  	_ =	shalt  }
0x6d: {  	_ =	shalt  }
0x6e: {  	_ =	shalt  }
0x6f: {  	_ =	shalt  }
0x70: {  	_ =	shalt  }
0x71: {  	_ =	shalt  }
0x72: {  	_ =	shalt  }
0x73: {  	_ =	shalt  }
0x74: {  	_ =	shalt  }
0x75: {  	_ =	shalt  }
0x76: {  	_ =	shalt  }
0x77: {  	_ =	shalt  }
0x78: {  	_ =	shalt  }
0x79: {  	_ =	shalt  }
0x7a: {  	_ =	shalt  }
0x7b: {  	_ =	shalt  }
0x7c: {  	_ =	shalt  }
0x7d: {  	_ =	shalt  }
0x7e: {  	_ =	shalt  }
0x7f: {  	_ =	shalt  }
0x80: {  	_ =	shalt  }
0x81: {  	_ =	shalt  }
0x82: {  	_ =	shalt  }
0x83: {  	_ =	shalt  }
0x84: {  	_ =	shalt  }
0x85: {  	_ =	shalt  }
0x86: {  	_ =	shalt  }
0x87: {  	_ =	shalt  }
.Lfunc_end0:
.L_simem_size_0:
called_computation_lowered:
.L_overlay_start_0:
0x88: {  	s2 =	sld [smem:$0x3FD9]  }
0x89: {  	s3 =	sld [smem:$0x3FFE];
	_ =	sdelay $0x1  }
0x8a: {  	s1 =	srdreg.scid  }
0x8b: {  	s0 =	sand.u32 $0x1, s1  }
0x8c: {  	s18 =	sshll.u32 s0, $0xA;
	s2 =	sadd.s32 s3, s2  }
0x8d: {  	s2 =	sadd.s32 s2, s18  }
0x8e: {  	[smem:$0x3FC6] =	sst s2  }
0x8f: {  	_ = 	snop  }
0x90: {  	s2 =	sld [smem:$0x3FC9]  }
0x91: {  	s19 =	sld [smem:$0x3FC8]  }
0x92: {  	s4 =	sld [smem:$0x3FD0];
	(tm) =	ssettm $0x1  }
0x93: {  	s5 =	sld [smem:$0x3FFB];
	_ =	sdelay $0x3  }
0x94: {  	_ =	strace s5  }
0x95: {  	s5 =	sld [smem:$0x3FFC];
	_ =	sdelay $0x3  }
0x96: {  	_ =	strace s5  }
0x97: {  	s5 =	sld [smem:$0x3FFD];
	_ =	sdelay $0x3  }
0x98: {  	_ =	strace s5  }
0x99: {  	_ =	strace $0x8FFFFFFF  }
0x9a: {  	s20 =	sld [smem:$0x3FDB];
	_ =	sdelay $0x1  }
0x9b: {  	s6 =	simm.s32 $_scs_section_size  }
0x9c: {  	s7 =	simm.s32 $_size__tile_overlayer_lowered;
	s8 =	simm.s32 $_tile_overlayer_lowered  }
0x9d: {  	s23 =	simm.s32 $0x1BFF;
	s22 =	sshll.u32 s8, $0x1;
	s5 =	sadd.s32 s6, s20  }
0x9e: {  	s9 =	simm.s32 $0x0;
	s21 =	sshll.u32 s7, $0x1;
	s7 =	sadd.s32 s22, s5  }
0x9f: {  	[timem:s9], [sflag:s23] =	dma.local [hbm:s7], s21  }
0xa0: {  	_ =	swait.ge [sflag:s23], s21  }
0xa1: {  	s6 =	ssub.s32 $0x0, s21;
	[sflag:s23] =	ssyncset.done $0x0  }
0xa2: {  	[sflag:s23] =	ssyncadd.s32 s6;
	_ =	sdelay $0x1  }
0xa3: {  	s24 =	simm.s32 $0x1B8B  }
0xa4: {  	_ =	swait.ge [sflag:s24], $0x1  }
0xa5: {  	[sflag:s24] =	ssyncset.done $0x0  }
0xa6: {  	s25 =	simm.s32 $0x1B8E;
	[sflag:s24] =	ssyncadd.s32 $0xFFFFFFFF  }
0xa7: {  	s26 =	simm.s32 $execute0_lowered;
	[smem:$0x3FD2] =	sst s25  }
0xa8: {  	s6 =	sshll.u32 s26, $0x1;
	_ =	strace $0x80000046;
	[dreg:$0x1] =	wrdreg $0xFFFFFFFF  }
0xa9: {  	s28 =	simm.s32 $_size_execute0_lowered;
	s5 =	sadd.s32 s5, s6;
	[dreg:$0x0] =	wrdreg $0x0  }
0xaa: {  	s6 =	sshll.u32 s28, $0x1;
	[dreg:$0x2] =	wrdreg s5  }
0xab: {  	[dreg:$0x3] =	wrdreg s6  }
0xac: {  	[dreg:$0x4] =	wrdreg $0xC0  }
0xad: {  	_ =	task [dreg:s9], $0x5FFFF  }
0xae: {  	[dreg:$0x1] =	wrdreg $0xFFFFFFFF  }
0xaf: {  	[dreg:$0x0] =	wrdreg $0x60  }
0xb0: {  	[dreg:$0x2] =	wrdreg s2  }
0xb1: {  	[dreg:$0x3] =	wrdreg s19  }
0xb2: {  	[dreg:$0x4] =	wrdreg s4  }
0xb3: {  	[dreg:$0x5] =	wrdreg $0x9  }
0xb4: {  	_ =	task.clear_ibuf [dreg:s9], $0x6FFFF;
	_ =	strace $0x90000046  }
0xb5: {  	s29 =	simm.s32 $0x9;
	_ =	strace $0x80000048  }
0xb6: {  	_ =	swait.ge [sflag:s29], $0x1  }
0xb7: {  	[sflag:s29] =	ssyncadd.s32 $0xFFFFFFFF  }
0xb8: {  	_ =	strace $0x90000048  }
0xb9: {  	_ =	sfence  }
0xba: {  	s30 =	sld [smem:$0x0];
	_ =	sdelay $0x2  }
0xbb: {  	s31 =	sshll.u32 s1, $0xD;
	s1 =	sshrl.u32 s1, $0x2  }
0xbc: {  	s3 =	sand.u32 $0x4000, s31;
	s1 =	sadd.s32 s1, s30  }
0xbd: {  	s0 =	sor.u32 s3, s0;
	s1 =	sshll.u32 s1, $0x11  }
0xbe: {  	s0 =	sor.u32 s1, s0  }
0xbf: {  	s0 =	sadd.s32 $0x8F2B, s0  }
0xc0: {  	[sflag:s0] =	ssyncadd.remote.s32 $0x1  }
0xc1: {  	_ =	sfence.sel $0xFFFF  }
0xc2: {  	[dreg:$0x0] =	wrdreg $0xFFFFFFFF;
	(pc) =	sbr.abs _section_cstart, $3  }
0xc3: {  	[dreg:$0x1] =	wrdreg $0xFFFFFFFF  }
0xc4: {  	_ =	task.clear_ibuf [dreg:s9], $0x2FFFF;
	_ =	strace $0x9FFFFFFF  }
0xc5: {  	(tm) =	ssettm $0x7FFFFFFF  }
tec
execute0_lowered:
.L_overlay_start_1:
0x0: {  	(tag) =	ssettag $0x1  }
0x1: {  	s1 =	rddreg [dreg:$0x0]  }
0x2: {  	s0 =	rddreg [dreg:$0x1]  }
0x3: {  	s3 =	rddreg [dreg:$0x2]  }
0x4: {  	s2 =	srdreg.scid;
	s5 =	stileid.u32;
	s4 =	simm.s32 $0x0  }
0x5: {  	s16 =	simm.s32 $0x4000;
	s17 =	simm.s32 $0x8000;
	s18 =	simm.s32 $0xC000  }
0x6: {  	s19 =	simm.s32 $0x1;
	s20 =	simm.s32 $0x10000;
	s28 =	simm.s32 $0x6  }
0x7: {  	s29 =	simm.s32 $0x2;
	s30 =	simm.s32 $0x9;
	s31 =	simm.s32 $0xA  }
0x8: {  	s2 =	sand.u32 $0x1, s2;
	s6 =	sshll.u32 s5, $0x10;
	[smem:$0x7FF] =	sst s4  }
0x9: {  	s23 =	sshll.u32 s5, $0x13;
	s8 =	sshll.u32 s2, $0xF;
	s7 =	ssub.s32 $0x2, s2  }
0xa: {  	_ =	strace $0x80000047;
	s2 =	sshll.u32 s2, $0x12;
	s26 =	sadd.s32 s6, s1  }
0xb: {  	s9 =	sor.u32 s8, s6;
	s10 =	sshrl.u32 s7, $0x1;
	s2 =	sor.u32 s2, s23  }
0xc: {  	s14 =	sadd.s32 s8, s26;
	s23 =	simm.s32 $0x4;
	s26 =	simm.s32 $0x8  }
0xd: {  	s11 =	sadd.s32 s0, s9;
	s10 =	ssub.s32 s7, s10;
	s22 =	sadd.s32 s1, s9  }
0xe: {  	s0 =	sadd.s32 s6, s0;
	s25 =	sor.u32 $0x4000, s2;
	[dreg:$0x4] =	wrdreg s11  }
0xf: {  	s21 =	sadd.s32 $0x800, s11;
	[dreg:$0x6] =	wrdreg s22;
	s7 =	sadd.s32 $0x100000, s22  }
.Ltmp0:
0x10: {  	s24 =	smax.u32 s10, $0x1;
	s10 =	sadd.s32 s8, s0;
	(pc) =	sbr.rel .LBB2_1-.Ltmp0, $4  }
0x11: {  	s11 =	sshrl.u32 s2, $0x3;
	s13 =	sshrl.u32 s25, $0x3;
	[dreg:$0x5] =	wrdreg s21  }
0x12: {  	s22 =	simm.s32 $0x14000;
	s25 =	simm.s32 $0x5;
	[dreg:$0x7] =	wrdreg s7  }
0x13: {  	s2 =	simm.s32 $0x0;
	[dreg:$0x8] =	wrdreg s24;
	s12 =	sadd.s32 s11, s3  }
0x14: {  	s15 =	sadd.s32 s13, s3;
	s21 =	simm.s32 $0x3;
	s24 =	simm.s32 $0x7  }
.LBB2_4:
0x15: {  	_ =	swait.ge [sflag:s28], $0x4000  }
0x16: {  	[sflag:s28] =	ssyncset.done $0x0  }
0x17: {  	[sflag:s28] =	ssyncadd.s32 $0xFFFFC000  }
0x18: {  	[hbm4b:s8+s4] =	stream.linear.scatter [tilespmem:s22], [sflag:$0xA], $0x4000, $0x38;
	[tilespmem:$0x18000] =	vst v63  }
0x19: {  	_ =	swait.ge [sflag:s30], $0x4000  }
0x1a: {  	[sflag:s30] =	ssyncset.done $0x0  }
0x1b: {  	[sflag:s30] =	ssyncadd.s32 $0xFFFFC000  }
0x1c: {  	_ =	swait.ge [sflag:s31], $0x4000  }
0x1d: {  	s2 =	rddreg [dreg:$0x9]  }
0x1e: {  	s0 =	rddreg [dreg:$0x8];
	s2 =	sadd.s32 $0x1, s2  }
0x1f: {  	p0 =	sne.s32 s2, s0  }
.Ltmp1:
0x20: {  	_ = 	snop;
	(pc) =	sbr.rel @!p0 .LBB2_5-.Ltmp1, $3  }
0x21: {  	_ =	sdelay $0x1  }
0x22: {  	[sflag:s31] =	ssyncset.done $0x0  }
0x23: {  	[sflag:s31] =	ssyncadd.s32 $0xFFFFC000  }
.LBB2_1:
0x24: {  	[dreg:$0x9] =	wrdreg s2  }
0x25: {  	s0 =	rddreg [dreg:$0x4]  }
0x26: {  	[tilespmem:s4], [sflag:$0x1] =	stream.linear.gather [hbm4b:s0+s4], $0x4000, $0x38;
	[tilespmem:$0x18000] =	vst v63  }
0x27: {  	s7 =	rddreg [dreg:$0x5]  }
0x28: {  	[tilespmem:s16], [sflag:$0x2] =	stream.linear.gather [hbm4b:s7+s4], $0x4000, $0x38;
	[tilespmem:$0x18000] =	vst v63  }
0x29: {  	s8 =	rddreg [dreg:$0x6]  }
0x2a: {  	[tilespmem:s17], [sflag:$0x3] =	stream.linear.gather [hbm4b:s8+s4], $0x4000, $0x38;
	[tilespmem:$0x18000] =	vst v63  }
0x2b: {  	s9 =	rddreg [dreg:$0x7];
	s2 =	simm.s32 $0x0  }
0x2c: {  	[tilespmem:s18], [sflag:$0x4] =	stream.linear.gather [hbm4b:s9+s4], $0x4000, $0x38;
	[tilespmem:$0x18000] =	vst v63  }
.LBB2_2:
0x2d: {  	_ =	swait.ge [sflag:s19], $0x4000  }
0x2e: {  	p0 =	seq.s32 s2, $0x0;
	[sflag:s19] =	ssyncset.done $0x0  }
0x2f: {  	s6 =	simm.s32 @!p0 $0x9;
	[sflag:s19] =	ssyncadd.s32 $0xFFFFC000  }
0x30: {  	s8 =	sadd.s32 s2, s11;
	_ =	swait.ge @!p0 [sflag:s6], $0x4000  }
0x31: {  	s5 =	sor.u32 $0x200000, s8;
	[sflag:s6] =	ssyncset.done @!p0 $0x0  }
0x32: {  	s9 =	sadd.s32 s1, s5;
	[sflag:s6] =	ssyncadd.s32 @!p0 $0xFFFFC000  }
0x33: {  	[tilespmem:s20], [sflag:$0x5] =	stream.linear.gather [hbm4b:s9+s4], $0x4000, $0x38;
	[tilespmem:$0x18000] =	vst v63  }
0x34: {  	_ =	swait.ge [sflag:s21], $0x4000  }
0x35: {  	[sflag:s21] =	ssyncset.done $0x0  }
0x36: {  	s0 =	sadd.s32 s2, s12;
	s6 =	simm.s32 @!p0 $0xA;
	[sflag:s21] =	ssyncadd.s32 $0xFFFFC000  }
0x37: {  	[hbm4b:s0+s4] =	stream.linear.scatter [tilespmem:s17], [sflag:$0x7], $0x4000, $0x38;
	[tilespmem:$0x18000] =	vst v63  }
0x38: {  	_ =	swait.ge @!p0 [sflag:s6], $0x4000  }
0x39: {  	s9 =	sor.u32 $0x300000, s8;
	[sflag:s6] =	ssyncset.done @!p0 $0x0  }
0x3a: {  	s7 =	sadd.s32 s1, s9;
	[sflag:s6] =	ssyncadd.s32 @!p0 $0xFFFFC000  }
0x3b: {  	[tilespmem:s22], [sflag:$0x6] =	stream.linear.gather [hbm4b:s7+s4], $0x4000, $0x38;
	[tilespmem:$0x18000] =	vst v63  }
0x3c: {  	_ =	swait.ge [sflag:s23], $0x4000  }
0x3d: {  	s0 =	sor.u32 $0x100000, s8;
	[sflag:s23] =	ssyncset.done $0x0  }
0x3e: {  	s6 =	sadd.s32 s3, s0;
	[sflag:s23] =	ssyncadd.s32 $0xFFFFC000  }
0x3f: {  	[hbm4b:s6+s4] =	stream.linear.scatter [tilespmem:s18], [sflag:$0x8], $0x4000, $0x38;
	[tilespmem:$0x18000] =	vst v63  }
0x40: {  	_ =	swait.ge [sflag:s24], $0x4000  }
0x41: {  	s6 =	sadd.s32 s2, s14;
	[sflag:s24] =	ssyncset.done $0x0  }
0x42: {  	s7 =	sadd.s32 $0x800, s6;
	[sflag:s24] =	ssyncadd.s32 $0xFFFFC000  }
0x43: {  	[tilespmem:s17], [sflag:$0x3] =	stream.linear.gather [hbm4b:s7+s4], $0x4000, $0x38;
	[tilespmem:$0x18000] =	vst v63  }
0x44: {  	_ =	swait.ge [sflag:s25], $0x4000  }
0x45: {  	[sflag:s25] =	ssyncset.done $0x0  }
0x46: {  	s5 =	sadd.s32 s3, s5;
	[sflag:s25] =	ssyncadd.s32 $0xFFFFC000  }
0x47: {  	[hbm4b:s5+s4] =	stream.linear.scatter [tilespmem:s20], [sflag:$0x9], $0x4000, $0x38;
	[tilespmem:$0x18000] =	vst v63  }
0x48: {  	_ =	swait.ge [sflag:s26], $0x4000  }
0x49: {  	[sflag:s26] =	ssyncset.done $0x0  }
0x4a: {  	s8 =	sadd.s32 $0x100800, s6;
	[sflag:s26] =	ssyncadd.s32 $0xFFFFC000  }
0x4b: {  	[tilespmem:s18], [sflag:$0x4] =	stream.linear.gather [hbm4b:s8+s4], $0x4000, $0x38;
	[tilespmem:$0x18000] =	vst v63  }
0x4c: {  	_ =	swait.ge [sflag:s28], $0x4000  }
0x4d: {  	p0 =	seq.s32 s2, $0x7000;
	[sflag:s28] =	ssyncset.done $0x0  }
0x4e: {  	s9 =	sadd.s32 s3, s9;
	s5 =	sadd.s32 @!p0 s2, s10;
	[sflag:s28] =	ssyncadd.s32 $0xFFFFC000  }
0x4f: {  	[hbm4b:s9+s4] =	stream.linear.scatter [tilespmem:s22], [sflag:$0xA], $0x4000, $0x38;
	[tilespmem:$0x18000] =	vst v63  }
0x50: {  	s5 =	sadd.s32 @!p0 $0x1000, s5;
	s8 =	simm.s32 @!p0 $0x0  }
0x51: {  	[tilespmem:s8], [sflag:$0x1] =	stream.linear.gather @!p0 [hbm4b:s5+s8], $0x4000, $0x38;
	[tilespmem:$0x18000] =	vst v63  }
0x52: {  	_ =	swait.ge [sflag:s29], $0x4000  }
0x53: {  	[sflag:s29] =	ssyncset.done $0x0  }
0x54: {  	[sflag:s29] =	ssyncadd.s32 $0xFFFFC000  }
0x55: {  	s5 =	sadd.s32 s2, s13;
	_ =	swait.ge [sflag:s30], $0x4000  }
0x56: {  	s9 =	sor.u32 $0x200000, s5;
	[sflag:s30] =	ssyncset.done $0x0  }
0x57: {  	s7 =	sadd.s32 s1, s9;
	[sflag:s30] =	ssyncadd.s32 $0xFFFFC000  }
0x58: {  	[tilespmem:s20], [sflag:$0x5] =	stream.linear.gather [hbm4b:s7+s4], $0x4000, $0x38;
	[tilespmem:$0x18000] =	vst v63  }
0x59: {  	_ =	swait.ge [sflag:s21], $0x4000  }
0x5a: {  	[sflag:s21] =	ssyncset.done $0x0  }
0x5b: {  	s0 =	sadd.s32 s2, s15;
	[sflag:s21] =	ssyncadd.s32 $0xFFFFC000  }
0x5c: {  	[hbm4b:s0+s4] =	stream.linear.scatter [tilespmem:s17], [sflag:$0x7], $0x4000, $0x38;
	[tilespmem:$0x18000] =	vst v63  }
0x5d: {  	_ =	swait.ge [sflag:s31], $0x4000  }
0x5e: {  	s7 =	sor.u32 $0x300000, s5;
	[sflag:s31] =	ssyncset.done $0x0  }
0x5f: {  	s0 =	sadd.s32 s1, s7;
	[sflag:s31] =	ssyncadd.s32 $0xFFFFC000  }
0x60: {  	[tilespmem:s22], [sflag:$0x6] =	stream.linear.gather [hbm4b:s0+s4], $0x4000, $0x38;
	[tilespmem:$0x18000] =	vst v63  }
0x61: {  	_ =	swait.ge [sflag:s23], $0x4000  }
0x62: {  	s5 =	sor.u32 $0x100000, s5;
	[sflag:s23] =	ssyncset.done $0x0  }
0x63: {  	s0 =	sadd.s32 s3, s5;
	[sflag:s23] =	ssyncadd.s32 $0xFFFFC000  }
0x64: {  	[hbm4b:s0+s4] =	stream.linear.scatter [tilespmem:s18], [sflag:$0x8], $0x4000, $0x38;
	[tilespmem:$0x18000] =	vst v63  }
0x65: {  	_ =	swait.ge [sflag:s24], $0x4000  }
0x66: {  	s0 =	sadd.s32 @!p0 s2, s14;
	[sflag:s24] =	ssyncset.done $0x0  }
0x67: {  	s5 =	simm.s32 @!p0 $0x8000;
	s0 =	sadd.s32 @!p0 $0x1000, s0;
	[sflag:s24] =	ssyncadd.s32 $0xFFFFC000  }
0x68: {  	[tilespmem:s5], [sflag:$0x3] =	stream.linear.gather @!p0 [hbm4b:s0+s8], $0x4000, $0x38;
	[tilespmem:$0x18000] =	vst v63  }
0x69: {  	_ =	swait.ge [sflag:s25], $0x4000  }
0x6a: {  	[sflag:s25] =	ssyncset.done $0x0  }
.Ltmp2:
0x6b: {  	s9 =	sadd.s32 s3, s9;
	[sflag:s25] =	ssyncadd.s32 $0xFFFFC000;
	(pc) =	sbr.rel @p0 .LBB2_4-.Ltmp2, $4  }
0x6c: {  	[hbm4b:s9+s4] =	stream.linear.scatter [tilespmem:s20], [sflag:$0x9], $0x4000, $0x38;
	[tilespmem:$0x18000] =	vst v63  }
0x6d: {  	_ =	swait.ge [sflag:s26], $0x4000  }
0x6e: {  	[sflag:s26] =	ssyncset.done $0x0  }
0x6f: {  	s8 =	sadd.s32 s3, s7;
	[sflag:s26] =	ssyncadd.s32 $0xFFFFC000  }
0x70: {  	s0 =	sadd.s32 $0x101000, s6  }
0x71: {  	[tilespmem:s18], [sflag:$0x4] =	stream.linear.gather [hbm4b:s0+s4], $0x4000, $0x38;
	[tilespmem:$0x18000] =	vst v63  }
0x72: {  	_ =	swait.ge [sflag:s28], $0x4000  }
.Ltmp3:
0x73: {  	[sflag:s28] =	ssyncset.done $0x0;
	(pc) =	sbr.rel .LBB2_2-.Ltmp3, $4  }
0x74: {  	s9 =	sadd.s32 s2, s10;
	[sflag:s28] =	ssyncadd.s32 $0xFFFFC000  }
0x75: {  	[hbm4b:s8+s4] =	stream.linear.scatter [tilespmem:s22], [sflag:$0xA], $0x4000, $0x38;
	[tilespmem:$0x18000] =	vst v63  }
0x76: {  	s2 =	sadd.s32 $0x1000, s2;
	s0 =	sadd.s32 $0x1800, s9  }
0x77: {  	[tilespmem:s16], [sflag:$0x2] =	stream.linear.gather [hbm4b:s0+s4], $0x4000, $0x38;
	[tilespmem:$0x18000] =	vst v63  }
.LBB2_5:
0x78: {  	_ =	sfence.sel $0x180000  }
0x79: {  	[bflag:$0x0] =	sbarrier.arrive $0xFFFF  }
0x7a: {  	_ =	strace $0x90000047  }
0x7b: {  	s0 =	stileid.u32;
	[bflag:$0x2] =	sbarrier.arrive $0xFFFF  }
0x7c: {  	p0 =	sne.s32 s0, $0x0;
	s0 =	rddreg [dreg:$0x3]  }
0x7d: {  	s0 =	sadd.s32 @!p0 $0x100000, s0  }
0x7e: {  	[sflag:s0] =	ssyncadd.tile.s32 @!p0 $0x1;
	_ =	shalt  }
.Lfunc_end2:
_tile_overlayer_lowered:
.L_overlay_start_2:
0x7f: {  	(tag) =	ssettag $0x2  }
0x80: {  	s0 =	rddreg [dreg:$0x0];
	s2 =	stileid.u32  }
0x81: {  	s1 =	rddreg [dreg:$0x1];
	p0 =	sne.s32 s2, $0x0  }
0x82: {  	s3 =	rddreg [dreg:$0x2];
	[bflag:$0x3] =	sbarrier.arrive $0xFFFF;
	s2 =	simm.s32 @!p0 $0x1C0B  }
0x83: {  	[timem:s3], [sflag:s2] =	dma.local @!p0 [hbm:s0], s1  }
0x84: {  	s0 =	simm.s32 @!p0 $0xB  }
0x85: {  	_ =	swait.ge @!p0 [sflag:s0], s1  }
0x86: {  	s1 =	ssub.s32 @!p0 $0x0, s1;
	[sflag:s0] =	ssyncset.done @!p0 $0x0  }
0x87: {  	[sflag:s0] =	ssyncadd.s32 @!p0 s1  }
0x88: {  	[bflag:$0x3] =	sbarrier.arrive $0xFFFF  }
0x89: {  	_ =	shalt  }

</sc_bundles>
